<compile_context>
chip_gen: v7x
topology: tpu7x:2x2x1
jax: 0.10.2.dev20260603
libtpu: 0.0.44.dev20260713+nightly
codegen_flags: <defaults>
</compile_context>

<pallas_src>
import jax
import jax.numpy as jnp
from jax import lax
from jax.experimental import pallas as pl
from jax.experimental.pallas import tpu as pltpu
from jax.experimental.pallas import tpu_sc as plsc

L = 16
NC = 2
NS = 16
NW = NC * NS
CHUNK = 128
NBUF = 2
SIZE_OUT = 128


def _sc_body(x_hbm, w_hbm, no_hbm, out_hbm, w_v, no_v, xbufs, obufs,
             insem, outsem, wsem):
    size_in = x_hbm.shape[1]
    nvec_in = size_in // L
    rows_per_w = x_hbm.shape[0] // NW
    nch = rows_per_w // CHUNK
    nsuper = nch // NBUF

    wid = lax.axis_index("s") * NC + lax.axis_index("c")
    base = wid * rows_per_w

    def start_in(ch, b):
        pltpu.make_async_copy(
            x_hbm.at[pl.ds(base + ch * CHUNK, CHUNK)], xbufs[b],
            insem.at[b]).start()

    def wait_in(b):
        pltpu.make_async_copy(
            x_hbm.at[pl.ds(0, CHUNK)], xbufs[b], insem.at[b]).wait()

    def start_out(ch, b):
        pltpu.make_async_copy(
            obufs[b], out_hbm.at[pl.ds(base + ch * CHUNK, CHUNK)],
            outsem.at[b]).start()

    def wait_out(b):
        pltpu.make_async_copy(
            obufs[b], out_hbm.at[pl.ds(0, CHUNK)], outsem.at[b]).wait()

    start_in(0, 0)
    start_in(1, 1)
    w_cp = pltpu.make_async_copy(w_hbm, w_v, wsem)
    no_cp = pltpu.make_async_copy(no_hbm, no_v, wsem)
    w_cp.start()
    no_cp.start()

    zeros = jnp.zeros((L,), jnp.float32)
    for b in range(NBUF):
        @plsc.parallel_loop(0, CHUNK, unroll=4)
        def _(r, b=b):
            for k in range(SIZE_OUT // L):
                obufs[b][r, pl.ds(k * L, L)] = zeros

    w_cp.wait()
    no_cp.wait()
    wvecs = [w_v[pl.ds(j * L, L)] for j in range(nvec_in)]
    cvecs = [no_v[pl.ds(j * L, L)] for j in range(nvec_in)]

    def compute(b):
        @plsc.parallel_loop(0, CHUNK, unroll=8)
        def _(r, b=b):
            ridx = jnp.full((L,), r, jnp.int32)
            for j in range(nvec_in):
                v = xbufs[b][r, pl.ds(j * L, L)] * wvecs[j]
                plsc.store_scatter(obufs[b], [ridx, cvecs[j]], v)

    for b in range(NBUF):
        wait_in(b)
        compute(b)
        start_in(NBUF + b, b)
        start_out(b, b)

    @pl.loop(1, nsuper - 1)
    def _(g):
        ch0 = g * NBUF
        for b in range(NBUF):
            wait_out(b)
            wait_in(b)
            compute(b)
            start_in(ch0 + NBUF + b, b)
            start_out(ch0 + b, b)

    ch0 = (nsuper - 1) * NBUF
    for b in range(NBUF):
        wait_out(b)
        wait_in(b)
        compute(b)
        start_out(ch0 + b, b)
    for b in range(NBUF):
        wait_out(b)


def _body(x_hbm, w_hbm, no_hbm, out_hbm, w_v, no_v, xbuf0, xbuf1,
          obuf0, obuf1, insem, outsem, wsem):
    _sc_body(x_hbm, w_hbm, no_hbm, out_hbm, w_v, no_v,
             (xbuf0, xbuf1), (obuf0, obuf1), insem, outsem, wsem)


@jax.jit
def kernel(x, weights, node_order):
    B, size_in = x.shape
    mesh = plsc.VectorSubcoreMesh(core_axis_name="c", subcore_axis_name="s")
    f = pl.kernel(
        _body,
        out_type=jax.ShapeDtypeStruct((B, SIZE_OUT), x.dtype),
        mesh=mesh,
        compiler_params=pltpu.CompilerParams(needs_layout_passes=False),
        scratch_types=[
            pltpu.VMEM((size_in,), jnp.float32),
            pltpu.VMEM((size_in,), jnp.int32),
            pltpu.VMEM((CHUNK, size_in), jnp.float32),
            pltpu.VMEM((CHUNK, size_in), jnp.float32),
            pltpu.VMEM((CHUNK, SIZE_OUT), jnp.float32),
            pltpu.VMEM((CHUNK, SIZE_OUT), jnp.float32),
            pltpu.SemaphoreType.DMA((NBUF,)),
            pltpu.SemaphoreType.DMA((NBUF,)),
            pltpu.SemaphoreType.DMA,
        ],
    )
    return f(x, weights, node_order)

# --- scband reference (transcript-rebuilt; emitter-appended) ---
"""Pipeline reference for scband-project-input-37091337568614 (READ-ONLY COPY).

The authoritative reference and input builder live on the scoring server;
editing this copy changes nothing except your own understanding.
"""

import jax, jax.numpy as jnp
import numpy as np

BATCH = 65536
SIZE_IN = 64
SIZE_OUT = 128
AMPLITUDE = 1.0
# nodeList = list(range(128)); inputNames = even indices 0..126
# dictionary maps node -> position, so nodeOrder = inputNames themselves here
NODE_ORDER = np.arange(0, 128, 2).astype(np.int32)


def setup_inputs(seed: int = 0) -> dict:
    key = jax.random.key(seed)
    k1, _ = jax.random.split(key)
    x = jax.random.normal(k1, (BATCH, SIZE_IN), dtype=jnp.float32)
    weights = AMPLITUDE * jnp.ones((SIZE_IN,), dtype=jnp.float32)
    node_order = jnp.asarray(NODE_ORDER, dtype=jnp.int32)
    return {"x": x, "weights": weights, "node_order": node_order}


def reference(x, weights, node_order):
    # curIn = zeros([B, size_out]); curIn[:, nodeOrder] = weights * x
    vals = weights * x  # [B, size_in], broadcast elementwise scale
    out = jnp.zeros((x.shape[0], SIZE_OUT), dtype=x.dtype)
    # column-scatter overwrite (nodeOrder entries are unique)
    out = out.at[:, node_order].set(vals)
    return out

if __name__ == "__main__":
    import jax
    _d = setup_inputs()
    print(jax.jit(kernel)(*tuple(_d.values())))

</pallas_src>

<mosaic_0001>
#map = affine_map<(d0, d1) -> (0, 0)>
#map1 = affine_map<(d0, d1) -> (0)>
module attributes {stable_mosaic.version = 14 : i64} {
  func.func @_body(%arg0: i32, %arg1: i32, %arg2: memref<65536x64xf32, #tpu.memory_space<hbm>>, %arg3: memref<64xf32, #tpu.memory_space<hbm>>, %arg4: memref<64xi32, #tpu.memory_space<hbm>>, %arg5: memref<65536x128xf32, #tpu.memory_space<hbm>>, %arg6: memref<64xf32, #tpu.memory_space<vmem>>, %arg7: memref<64xi32, #tpu.memory_space<vmem>>, %arg8: memref<128x64xf32, #tpu.memory_space<vmem>>, %arg9: memref<128x64xf32, #tpu.memory_space<vmem>>, %arg10: memref<128x128xf32, #tpu.memory_space<vmem>>, %arg11: memref<128x128xf32, #tpu.memory_space<vmem>>, %arg12: memref<2x!tpu.dma_semaphore, #tpu.memory_space<semaphore_mem>>, %arg13: memref<2x!tpu.dma_semaphore, #tpu.memory_space<semaphore_mem>>, %arg14: memref<!tpu.dma_semaphore, #tpu.memory_space<semaphore_mem>>) attributes {dimension_semantics = [#tpu.dimension_semantics<core_parallel>, #tpu.dimension_semantics<subcore_parallel>], iteration_bounds = array<i64: 2, 16>, scalar_prefetch = 0 : i64, scratch_operands = 9 : i64, tpu.core_type = #tpu.core_type<sc_vector_subcore>, window_params = [{transform_indices = #map}, {transform_indices = #map1}, {transform_indices = #map1}, {transform_indices = #map}]} {
    %mul3A = arith.constant 2 : i32
    %mul3A_0 = arith.muli %arg1, %mul3A : i32
    %add3A = arith.addi %mul3A_0, %arg0 : i32
    %mul3A_1 = arith.constant 2048 : i32
    %mul3A_2 = arith.muli %add3A, %mul3A_1 : i32
    %add3A_3 = arith.constant 0 : i32
    %add3A_4 = arith.addi %mul3A_2, %add3A_3 : i32
    %dma_start3A = arith.constant 0 : i32
    %dma_start3A_5 = arith.constant 0 : i32
    %dma_start3A_6 = tpu.memref_slice %arg2[%add3A_4, %dma_start3A_5] : memref<65536x64xf32, #tpu.memory_space<hbm>> -> memref<128x64xf32, #tpu.memory_space<hbm>>
    %dma_start3A_7 = tpu.memref_slice %arg12[%dma_start3A] : memref<2x!tpu.dma_semaphore, #tpu.memory_space<semaphore_mem>> -> memref<1x!tpu.dma_semaphore, #tpu.memory_space<semaphore_mem>>
    %dma_start3A_8 = tpu.memref_squeeze %dma_start3A_7 : memref<1x!tpu.dma_semaphore, #tpu.memory_space<semaphore_mem>> -> memref<!tpu.dma_semaphore, #tpu.memory_space<semaphore_mem>>
    %dma_start3A_9 = arith.constant 0 : i32
    %dma_start3A_10 = tpu.memref_slice %arg2[%add3A_4, %dma_start3A_9] : memref<65536x64xf32, #tpu.memory_space<hbm>> -> memref<128x64xf32, #tpu.memory_space<hbm>>
    tpu.enqueue_dma source(%dma_start3A_10 : memref<128x64xf32, #tpu.memory_space<hbm>>) target(%arg8 : memref<128x64xf32, #tpu.memory_space<vmem>>) target_semaphore(%dma_start3A_8 : memref<!tpu.dma_semaphore, #tpu.memory_space<semaphore_mem>>)
    %add3A_11 = arith.constant 128 : i32
    %add3A_12 = arith.addi %mul3A_2, %add3A_11 : i32
    %dma_start3A_13 = arith.constant 1 : i32
    %dma_start3A_14 = arith.constant 0 : i32
    %dma_start3A_15 = tpu.memref_slice %arg2[%add3A_12, %dma_start3A_14] : memref<65536x64xf32, #tpu.memory_space<hbm>> -> memref<128x64xf32, #tpu.memory_space<hbm>>
    %dma_start3A_16 = tpu.memref_slice %arg12[%dma_start3A_13] : memref<2x!tpu.dma_semaphore, #tpu.memory_space<semaphore_mem>> -> memref<1x!tpu.dma_semaphore, #tpu.memory_space<semaphore_mem>>
    %dma_start3A_17 = tpu.memref_squeeze %dma_start3A_16 : memref<1x!tpu.dma_semaphore, #tpu.memory_space<semaphore_mem>> -> memref<!tpu.dma_semaphore, #tpu.memory_space<semaphore_mem>>
    %dma_start3A_18 = arith.constant 0 : i32
    %dma_start3A_19 = tpu.memref_slice %arg2[%add3A_12, %dma_start3A_18] : memref<65536x64xf32, #tpu.memory_space<hbm>> -> memref<128x64xf32, #tpu.memory_space<hbm>>
    tpu.enqueue_dma source(%dma_start3A_19 : memref<128x64xf32, #tpu.memory_space<hbm>>) target(%arg9 : memref<128x64xf32, #tpu.memory_space<vmem>>) target_semaphore(%dma_start3A_17 : memref<!tpu.dma_semaphore, #tpu.memory_space<semaphore_mem>>)
    tpu.enqueue_dma source(%arg3 : memref<64xf32, #tpu.memory_space<hbm>>) target(%arg6 : memref<64xf32, #tpu.memory_space<vmem>>) target_semaphore(%arg14 : memref<!tpu.dma_semaphore, #tpu.memory_space<semaphore_mem>>)
    tpu.enqueue_dma source(%arg4 : memref<64xi32, #tpu.memory_space<hbm>>) target(%arg7 : memref<64xi32, #tpu.memory_space<vmem>>) target_semaphore(%arg14 : memref<!tpu.dma_semaphore, #tpu.memory_space<semaphore_mem>>)
    %broadcast_in_dim3A = arith.constant 0.000000e+00 : f32
    %broadcast_in_dim3A_20 = vector.broadcast %broadcast_in_dim3A : f32 to vector<16xf32>
    %parallel_loop3A = arith.constant 0 : i32
    %parallel_loop3A_21 = arith.constant 128 : i32
    %parallel_loop3A_22 = arith.constant 1 : i32
    scf.for %parallel_loop3A_182 = %parallel_loop3A to %parallel_loop3A_21 step %parallel_loop3A_22  : i32 {
      %parallel_loop3A_183 = arith.index_cast %parallel_loop3A_182 : i32 to index
      %parallel_loop3A_184 = arith.constant 0 : index
      %parallel_loop3A_185 = tpu.vector_load %arg10[%parallel_loop3A_183, %parallel_loop3A_184] {strides = array<i32>} : memref<128x128xf32, #tpu.memory_space<vmem>>, vector<16xf32>,
      tpu.vector_store %arg10[%parallel_loop3A_183, %parallel_loop3A_184], %broadcast_in_dim3A_20 {strides = array<i32>} : memref<128x128xf32, #tpu.memory_space<vmem>>, vector<16xf32>,
      %parallel_loop3A_186 = arith.index_cast %parallel_loop3A_182 : i32 to index
      %parallel_loop3A_187 = arith.constant 16 : index
      %parallel_loop3A_188 = tpu.vector_load %arg10[%parallel_loop3A_186, %parallel_loop3A_187] {strides = array<i32>} : memref<128x128xf32, #tpu.memory_space<vmem>>, vector<16xf32>,
      tpu.vector_store %arg10[%parallel_loop3A_186, %parallel_loop3A_187], %broadcast_in_dim3A_20 {strides = array<i32>} : memref<128x128xf32, #tpu.memory_space<vmem>>, vector<16xf32>,
      %parallel_loop3A_189 = arith.index_cast %parallel_loop3A_182 : i32 to index
      %parallel_loop3A_190 = arith.constant 32 : index
      %parallel_loop3A_191 = tpu.vector_load %arg10[%parallel_loop3A_189, %parallel_loop3A_190] {strides = array<i32>} : memref<128x128xf32, #tpu.memory_space<vmem>>, vector<16xf32>,
      tpu.vector_store %arg10[%parallel_loop3A_189, %parallel_loop3A_190], %broadcast_in_dim3A_20 {strides = array<i32>} : memref<128x128xf32, #tpu.memory_space<vmem>>, vector<16xf32>,
      %parallel_loop3A_192 = arith.index_cast %parallel_loop3A_182 : i32 to index
      %parallel_loop3A_193 = arith.constant 48 : index
      %parallel_loop3A_194 = tpu.vector_load %arg10[%parallel_loop3A_192, %parallel_loop3A_193] {strides = array<i32>} : memref<128x128xf32, #tpu.memory_space<vmem>>, vector<16xf32>,
      tpu.vector_store %arg10[%parallel_loop3A_192, %parallel_loop3A_193], %broadcast_in_dim3A_20 {strides = array<i32>} : memref<128x128xf32, #tpu.memory_space<vmem>>, vector<16xf32>,
      %parallel_loop3A_195 = arith.index_cast %parallel_loop3A_182 : i32 to index
      %parallel_loop3A_196 = arith.constant 64 : index
      %parallel_loop3A_197 = tpu.vector_load %arg10[%parallel_loop3A_195, %parallel_loop3A_196] {strides = array<i32>} : memref<128x128xf32, #tpu.memory_space<vmem>>, vector<16xf32>,
      tpu.vector_store %arg10[%parallel_loop3A_195, %parallel_loop3A_196], %broadcast_in_dim3A_20 {strides = array<i32>} : memref<128x128xf32, #tpu.memory_space<vmem>>, vector<16xf32>,
      %parallel_loop3A_198 = arith.index_cast %parallel_loop3A_182 : i32 to index
      %parallel_loop3A_199 = arith.constant 80 : index
      %parallel_loop3A_200 = tpu.vector_load %arg10[%parallel_loop3A_198, %parallel_loop3A_199] {strides = array<i32>} : memref<128x128xf32, #tpu.memory_space<vmem>>, vector<16xf32>,
      tpu.vector_store %arg10[%parallel_loop3A_198, %parallel_loop3A_199], %broadcast_in_dim3A_20 {strides = array<i32>} : memref<128x128xf32, #tpu.memory_space<vmem>>, vector<16xf32>,
      %parallel_loop3A_201 = arith.index_cast %parallel_loop3A_182 : i32 to index
      %parallel_loop3A_202 = arith.constant 96 : index
      %parallel_loop3A_203 = tpu.vector_load %arg10[%parallel_loop3A_201, %parallel_loop3A_202] {strides = array<i32>} : memref<128x128xf32, #tpu.memory_space<vmem>>, vector<16xf32>,
      tpu.vector_store %arg10[%parallel_loop3A_201, %parallel_loop3A_202], %broadcast_in_dim3A_20 {strides = array<i32>} : memref<128x128xf32, #tpu.memory_space<vmem>>, vector<16xf32>,
      %parallel_loop3A_204 = arith.index_cast %parallel_loop3A_182 : i32 to index
      %parallel_loop3A_205 = arith.constant 112 : index
      %parallel_loop3A_206 = tpu.vector_load %arg10[%parallel_loop3A_204, %parallel_loop3A_205] {strides = array<i32>} : memref<128x128xf32, #tpu.memory_space<vmem>>, vector<16xf32>,
      tpu.vector_store %arg10[%parallel_loop3A_204, %parallel_loop3A_205], %broadcast_in_dim3A_20 {strides = array<i32>} : memref<128x128xf32, #tpu.memory_space<vmem>>, vector<16xf32>,
    } {sc.loop_unroll_factor = 4 : i64, sc.parallel_access}
    %parallel_loop3A_23 = arith.constant 0 : i32
    %parallel_loop3A_24 = arith.constant 128 : i32
    %parallel_loop3A_25 = arith.constant 1 : i32
    scf.for %parallel_loop3A_182 = %parallel_loop3A_23 to %parallel_loop3A_24 step %parallel_loop3A_25  : i32 {
      %parallel_loop3A_183 = arith.index_cast %parallel_loop3A_182 : i32 to index
      %parallel_loop3A_184 = arith.constant 0 : index
      %parallel_loop3A_185 = tpu.vector_load %arg11[%parallel_loop3A_183, %parallel_loop3A_184] {strides = array<i32>} : memref<128x128xf32, #tpu.memory_space<vmem>>, vector<16xf32>,
      tpu.vector_store %arg11[%parallel_loop3A_183, %parallel_loop3A_184], %broadcast_in_dim3A_20 {strides = array<i32>} : memref<128x128xf32, #tpu.memory_space<vmem>>, vector<16xf32>,
      %parallel_loop3A_186 = arith.index_cast %parallel_loop3A_182 : i32 to index
      %parallel_loop3A_187 = arith.constant 16 : index
      %parallel_loop3A_188 = tpu.vector_load %arg11[%parallel_loop3A_186, %parallel_loop3A_187] {strides = array<i32>} : memref<128x128xf32, #tpu.memory_space<vmem>>, vector<16xf32>,
      tpu.vector_store %arg11[%parallel_loop3A_186, %parallel_loop3A_187], %broadcast_in_dim3A_20 {strides = array<i32>} : memref<128x128xf32, #tpu.memory_space<vmem>>, vector<16xf32>,
      %parallel_loop3A_189 = arith.index_cast %parallel_loop3A_182 : i32 to index
      %parallel_loop3A_190 = arith.constant 32 : index
      %parallel_loop3A_191 = tpu.vector_load %arg11[%parallel_loop3A_189, %parallel_loop3A_190] {strides = array<i32>} : memref<128x128xf32, #tpu.memory_space<vmem>>, vector<16xf32>,
      tpu.vector_store %arg11[%parallel_loop3A_189, %parallel_loop3A_190], %broadcast_in_dim3A_20 {strides = array<i32>} : memref<128x128xf32, #tpu.memory_space<vmem>>, vector<16xf32>,
      %parallel_loop3A_192 = arith.index_cast %parallel_loop3A_182 : i32 to index
      %parallel_loop3A_193 = arith.constant 48 : index
      %parallel_loop3A_194 = tpu.vector_load %arg11[%parallel_loop3A_192, %parallel_loop3A_193] {strides = array<i32>} : memref<128x128xf32, #tpu.memory_space<vmem>>, vector<16xf32>,
      tpu.vector_store %arg11[%parallel_loop3A_192, %parallel_loop3A_193], %broadcast_in_dim3A_20 {strides = array<i32>} : memref<128x128xf32, #tpu.memory_space<vmem>>, vector<16xf32>,
      %parallel_loop3A_195 = arith.index_cast %parallel_loop3A_182 : i32 to index
      %parallel_loop3A_196 = arith.constant 64 : index
      %parallel_loop3A_197 = tpu.vector_load %arg11[%parallel_loop3A_195, %parallel_loop3A_196] {strides = array<i32>} : memref<128x128xf32, #tpu.memory_space<vmem>>, vector<16xf32>,
      tpu.vector_store %arg11[%parallel_loop3A_195, %parallel_loop3A_196], %broadcast_in_dim3A_20 {strides = array<i32>} : memref<128x128xf32, #tpu.memory_space<vmem>>, vector<16xf32>,
      %parallel_loop3A_198 = arith.index_cast %parallel_loop3A_182 : i32 to index
      %parallel_loop3A_199 = arith.constant 80 : index
      %parallel_loop3A_200 = tpu.vector_load %arg11[%parallel_loop3A_198, %parallel_loop3A_199] {strides = array<i32>} : memref<128x128xf32, #tpu.memory_space<vmem>>, vector<16xf32>,
      tpu.vector_store %arg11[%parallel_loop3A_198, %parallel_loop3A_199], %broadcast_in_dim3A_20 {strides = array<i32>} : memref<128x128xf32, #tpu.memory_space<vmem>>, vector<16xf32>,
      %parallel_loop3A_201 = arith.index_cast %parallel_loop3A_182 : i32 to index
      %parallel_loop3A_202 = arith.constant 96 : index
      %parallel_loop3A_203 = tpu.vector_load %arg11[%parallel_loop3A_201, %parallel_loop3A_202] {strides = array<i32>} : memref<128x128xf32, #tpu.memory_space<vmem>>, vector<16xf32>,
      tpu.vector_store %arg11[%parallel_loop3A_201, %parallel_loop3A_202], %broadcast_in_dim3A_20 {strides = array<i32>} : memref<128x128xf32, #tpu.memory_space<vmem>>, vector<16xf32>,
      %parallel_loop3A_204 = arith.index_cast %parallel_loop3A_182 : i32 to index
      %parallel_loop3A_205 = arith.constant 112 : index
      %parallel_loop3A_206 = tpu.vector_load %arg11[%parallel_loop3A_204, %parallel_loop3A_205] {strides = array<i32>} : memref<128x128xf32, #tpu.memory_space<vmem>>, vector<16xf32>,
      tpu.vector_store %arg11[%parallel_loop3A_204, %parallel_loop3A_205], %broadcast_in_dim3A_20 {strides = array<i32>} : memref<128x128xf32, #tpu.memory_space<vmem>>, vector<16xf32>,
    } {sc.loop_unroll_factor = 4 : i64, sc.parallel_access}
    tpu.wait_dma2 semaphore(%arg14 : memref<!tpu.dma_semaphore, #tpu.memory_space<semaphore_mem>>) src(%arg3 : memref<64xf32, #tpu.memory_space<hbm>>) dst(%arg6 : memref<64xf32, #tpu.memory_space<vmem>>)
    tpu.wait_dma2 semaphore(%arg14 : memref<!tpu.dma_semaphore, #tpu.memory_space<semaphore_mem>>) src(%arg4 : memref<64xi32, #tpu.memory_space<hbm>>) dst(%arg7 : memref<64xi32, #tpu.memory_space<vmem>>)
    %get3A = arith.constant 0 : index
    %get3A_26 = tpu.vector_load %arg6[%get3A] {strides = array<i32>} : memref<64xf32, #tpu.memory_space<vmem>>, vector<16xf32>,
    %get3A_27 = arith.constant 16 : index
    %get3A_28 = tpu.vector_load %arg6[%get3A_27] {strides = array<i32>} : memref<64xf32, #tpu.memory_space<vmem>>, vector<16xf32>,
    %get3A_29 = arith.constant 32 : index
    %get3A_30 = tpu.vector_load %arg6[%get3A_29] {strides = array<i32>} : memref<64xf32, #tpu.memory_space<vmem>>, vector<16xf32>,
    %get3A_31 = arith.constant 48 : index
    %get3A_32 = tpu.vector_load %arg6[%get3A_31] {strides = array<i32>} : memref<64xf32, #tpu.memory_space<vmem>>, vector<16xf32>,
    %get3A_33 = arith.constant 0 : index
    %get3A_34 = tpu.vector_load %arg7[%get3A_33] {strides = array<i32>} : memref<64xi32, #tpu.memory_space<vmem>>, vector<16xi32>,
    %get3A_35 = arith.constant 16 : index
    %get3A_36 = tpu.vector_load %arg7[%get3A_35] {strides = array<i32>} : memref<64xi32, #tpu.memory_space<vmem>>, vector<16xi32>,
    %get3A_37 = arith.constant 32 : index
    %get3A_38 = tpu.vector_load %arg7[%get3A_37] {strides = array<i32>} : memref<64xi32, #tpu.memory_space<vmem>>, vector<16xi32>,
    %get3A_39 = arith.constant 48 : index
    %get3A_40 = tpu.vector_load %arg7[%get3A_39] {strides = array<i32>} : memref<64xi32, #tpu.memory_space<vmem>>, vector<16xi32>,
    %dma_wait3A = arith.constant 0 : i32
    %dma_wait3A_41 = arith.constant 0 : i32
    %dma_wait3A_42 = arith.constant 0 : i32
    %dma_wait3A_43 = tpu.memref_slice %arg2[%dma_wait3A_41, %dma_wait3A_42] : memref<65536x64xf32, #tpu.memory_space<hbm>> -> memref<128x64xf32, #tpu.memory_space<hbm>>
    %dma_wait3A_44 = tpu.memref_slice %arg12[%dma_wait3A] : memref<2x!tpu.dma_semaphore, #tpu.memory_space<semaphore_mem>> -> memref<1x!tpu.dma_semaphore, #tpu.memory_space<semaphore_mem>>
    %dma_wait3A_45 = tpu.memref_squeeze %dma_wait3A_44 : memref<1x!tpu.dma_semaphore, #tpu.memory_space<semaphore_mem>> -> memref<!tpu.dma_semaphore, #tpu.memory_space<semaphore_mem>>
    %dma_wait3A_46 = arith.constant 0 : i32
    %dma_wait3A_47 = arith.constant 0 : i32
    %dma_wait3A_48 = tpu.memref_slice %arg2[%dma_wait3A_46, %dma_wait3A_47] : memref<65536x64xf32, #tpu.memory_space<hbm>> -> memref<128x64xf32, #tpu.memory_space<hbm>>
    tpu.wait_dma2 semaphore(%dma_wait3A_45 : memref<!tpu.dma_semaphore, #tpu.memory_space<semaphore_mem>>) src(%dma_wait3A_48 : memref<128x64xf32, #tpu.memory_space<hbm>>) dst(%arg8 : memref<128x64xf32, #tpu.memory_space<vmem>>)
    %parallel_loop3A_49 = arith.constant 0 : i32
    %parallel_loop3A_50 = arith.constant 128 : i32
    %parallel_loop3A_51 = arith.constant 1 : i32
    scf.for %parallel_loop3A_182 = %parallel_loop3A_49 to %parallel_loop3A_50 step %parallel_loop3A_51  : i32 {
      %parallel_loop3A_183 = vector.broadcast %parallel_loop3A_182 : i32 to vector<16xi32>
      %parallel_loop3A_184 = arith.index_cast %parallel_loop3A_182 : i32 to index
      %parallel_loop3A_185 = arith.constant 0 : index
      %parallel_loop3A_186 = tpu.vector_load %arg8[%parallel_loop3A_184, %parallel_loop3A_185] {strides = array<i32>} : memref<128x64xf32, #tpu.memory_space<vmem>>, vector<16xf32>,
      %parallel_loop3A_187 = arith.mulf %parallel_loop3A_186, %get3A_26 : vector<16xf32>
      tpu.vector_store_idx %arg10[%parallel_loop3A_183, %get3A_34], %parallel_loop3A_187 : memref<128x128xf32, #tpu.memory_space<vmem>>[vector<16xi32>, vector<16xi32>], vector<16xf32>,
      %parallel_loop3A_188 = arith.index_cast %parallel_loop3A_182 : i32 to index
      %parallel_loop3A_189 = arith.constant 16 : index
      %parallel_loop3A_190 = tpu.vector_load %arg8[%parallel_loop3A_188, %parallel_loop3A_189] {strides = array<i32>} : memref<128x64xf32, #tpu.memory_space<vmem>>, vector<16xf32>,
      %parallel_loop3A_191 = arith.mulf %parallel_loop3A_190, %get3A_28 : vector<16xf32>
      tpu.vector_store_idx %arg10[%parallel_loop3A_183, %get3A_36], %parallel_loop3A_191 : memref<128x128xf32, #tpu.memory_space<vmem>>[vector<16xi32>, vector<16xi32>], vector<16xf32>,
      %parallel_loop3A_192 = arith.index_cast %parallel_loop3A_182 : i32 to index
      %parallel_loop3A_193 = arith.constant 32 : index
      %parallel_loop3A_194 = tpu.vector_load %arg8[%parallel_loop3A_192, %parallel_loop3A_193] {strides = array<i32>} : memref<128x64xf32, #tpu.memory_space<vmem>>, vector<16xf32>,
      %parallel_loop3A_195 = arith.mulf %parallel_loop3A_194, %get3A_30 : vector<16xf32>
      tpu.vector_store_idx %arg10[%parallel_loop3A_183, %get3A_38], %parallel_loop3A_195 : memref<128x128xf32, #tpu.memory_space<vmem>>[vector<16xi32>, vector<16xi32>], vector<16xf32>,
      %parallel_loop3A_196 = arith.index_cast %parallel_loop3A_182 : i32 to index
      %parallel_loop3A_197 = arith.constant 48 : index
      %parallel_loop3A_198 = tpu.vector_load %arg8[%parallel_loop3A_196, %parallel_loop3A_197] {strides = array<i32>} : memref<128x64xf32, #tpu.memory_space<vmem>>, vector<16xf32>,
      %parallel_loop3A_199 = arith.mulf %parallel_loop3A_198, %get3A_32 : vector<16xf32>
      tpu.vector_store_idx %arg10[%parallel_loop3A_183, %get3A_40], %parallel_loop3A_199 : memref<128x128xf32, #tpu.memory_space<vmem>>[vector<16xi32>, vector<16xi32>], vector<16xf32>,
    } {sc.loop_unroll_factor = 8 : i64, sc.parallel_access}
    %add3A_52 = arith.constant 256 : i32
    %add3A_53 = arith.addi %mul3A_2, %add3A_52 : i32
    %dma_start3A_54 = arith.constant 0 : i32
    %dma_start3A_55 = arith.constant 0 : i32
    %dma_start3A_56 = tpu.memref_slice %arg2[%add3A_53, %dma_start3A_55] : memref<65536x64xf32, #tpu.memory_space<hbm>> -> memref<128x64xf32, #tpu.memory_space<hbm>>
    %dma_start3A_57 = tpu.memref_slice %arg12[%dma_start3A_54] : memref<2x!tpu.dma_semaphore, #tpu.memory_space<semaphore_mem>> -> memref<1x!tpu.dma_semaphore, #tpu.memory_space<semaphore_mem>>
    %dma_start3A_58 = tpu.memref_squeeze %dma_start3A_57 : memref<1x!tpu.dma_semaphore, #tpu.memory_space<semaphore_mem>> -> memref<!tpu.dma_semaphore, #tpu.memory_space<semaphore_mem>>
    %dma_start3A_59 = arith.constant 0 : i32
    %dma_start3A_60 = tpu.memref_slice %arg2[%add3A_53, %dma_start3A_59] : memref<65536x64xf32, #tpu.memory_space<hbm>> -> memref<128x64xf32, #tpu.memory_space<hbm>>
    tpu.enqueue_dma source(%dma_start3A_60 : memref<128x64xf32, #tpu.memory_space<hbm>>) target(%arg8 : memref<128x64xf32, #tpu.memory_space<vmem>>) target_semaphore(%dma_start3A_58 : memref<!tpu.dma_semaphore, #tpu.memory_space<semaphore_mem>>)
    %add3A_61 = arith.constant 0 : i32
    %add3A_62 = arith.addi %mul3A_2, %add3A_61 : i32
    %dma_start3A_63 = arith.constant 0 : i32
    %dma_start3A_64 = arith.constant 0 : i32
    %dma_start3A_65 = tpu.memref_slice %arg5[%add3A_62, %dma_start3A_64] : memref<65536x128xf32, #tpu.memory_space<hbm>> -> memref<128x128xf32, #tpu.memory_space<hbm>>
    %dma_start3A_66 = tpu.memref_slice %arg13[%dma_start3A_63] : memref<2x!tpu.dma_semaphore, #tpu.memory_space<semaphore_mem>> -> memref<1x!tpu.dma_semaphore, #tpu.memory_space<semaphore_mem>>
    %dma_start3A_67 = tpu.memref_squeeze %dma_start3A_66 : memref<1x!tpu.dma_semaphore, #tpu.memory_space<semaphore_mem>> -> memref<!tpu.dma_semaphore, #tpu.memory_space<semaphore_mem>>
    %dma_start3A_68 = arith.constant 0 : i32
    %dma_start3A_69 = tpu.memref_slice %arg5[%add3A_62, %dma_start3A_68] : memref<65536x128xf32, #tpu.memory_space<hbm>> -> memref<128x128xf32, #tpu.memory_space<hbm>>
    tpu.enqueue_dma source(%arg10 : memref<128x128xf32, #tpu.memory_space<vmem>>) target(%dma_start3A_69 : memref<128x128xf32, #tpu.memory_space<hbm>>) target_semaphore(%dma_start3A_67 : memref<!tpu.dma_semaphore, #tpu.memory_space<semaphore_mem>>)
    %dma_wait3A_70 = arith.constant 1 : i32
    %dma_wait3A_71 = arith.constant 0 : i32
    %dma_wait3A_72 = arith.constant 0 : i32
    %dma_wait3A_73 = tpu.memref_slice %arg2[%dma_wait3A_71, %dma_wait3A_72] : memref<65536x64xf32, #tpu.memory_space<hbm>> -> memref<128x64xf32, #tpu.memory_space<hbm>>
    %dma_wait3A_74 = tpu.memref_slice %arg12[%dma_wait3A_70] : memref<2x!tpu.dma_semaphore, #tpu.memory_space<semaphore_mem>> -> memref<1x!tpu.dma_semaphore, #tpu.memory_space<semaphore_mem>>
    %dma_wait3A_75 = tpu.memref_squeeze %dma_wait3A_74 : memref<1x!tpu.dma_semaphore, #tpu.memory_space<semaphore_mem>> -> memref<!tpu.dma_semaphore, #tpu.memory_space<semaphore_mem>>
    %dma_wait3A_76 = arith.constant 0 : i32
    %dma_wait3A_77 = arith.constant 0 : i32
    %dma_wait3A_78 = tpu.memref_slice %arg2[%dma_wait3A_76, %dma_wait3A_77] : memref<65536x64xf32, #tpu.memory_space<hbm>> -> memref<128x64xf32, #tpu.memory_space<hbm>>
    tpu.wait_dma2 semaphore(%dma_wait3A_75 : memref<!tpu.dma_semaphore, #tpu.memory_space<semaphore_mem>>) src(%dma_wait3A_78 : memref<128x64xf32, #tpu.memory_space<hbm>>) dst(%arg9 : memref<128x64xf32, #tpu.memory_space<vmem>>)
    %parallel_loop3A_79 = arith.constant 0 : i32
    %parallel_loop3A_80 = arith.constant 128 : i32
    %parallel_loop3A_81 = arith.constant 1 : i32
    scf.for %parallel_loop3A_182 = %parallel_loop3A_79 to %parallel_loop3A_80 step %parallel_loop3A_81  : i32 {
      %parallel_loop3A_183 = vector.broadcast %parallel_loop3A_182 : i32 to vector<16xi32>
      %parallel_loop3A_184 = arith.index_cast %parallel_loop3A_182 : i32 to index
      %parallel_loop3A_185 = arith.constant 0 : index
      %parallel_loop3A_186 = tpu.vector_load %arg9[%parallel_loop3A_184, %parallel_loop3A_185] {strides = array<i32>} : memref<128x64xf32, #tpu.memory_space<vmem>>, vector<16xf32>,
      %parallel_loop3A_187 = arith.mulf %parallel_loop3A_186, %get3A_26 : vector<16xf32>
      tpu.vector_store_idx %arg11[%parallel_loop3A_183, %get3A_34], %parallel_loop3A_187 : memref<128x128xf32, #tpu.memory_space<vmem>>[vector<16xi32>, vector<16xi32>], vector<16xf32>,
      %parallel_loop3A_188 = arith.index_cast %parallel_loop3A_182 : i32 to index
      %parallel_loop3A_189 = arith.constant 16 : index
      %parallel_loop3A_190 = tpu.vector_load %arg9[%parallel_loop3A_188, %parallel_loop3A_189] {strides = array<i32>} : memref<128x64xf32, #tpu.memory_space<vmem>>, vector<16xf32>,
      %parallel_loop3A_191 = arith.mulf %parallel_loop3A_190, %get3A_28 : vector<16xf32>
      tpu.vector_store_idx %arg11[%parallel_loop3A_183, %get3A_36], %parallel_loop3A_191 : memref<128x128xf32, #tpu.memory_space<vmem>>[vector<16xi32>, vector<16xi32>], vector<16xf32>,
      %parallel_loop3A_192 = arith.index_cast %parallel_loop3A_182 : i32 to index
      %parallel_loop3A_193 = arith.constant 32 : index
      %parallel_loop3A_194 = tpu.vector_load %arg9[%parallel_loop3A_192, %parallel_loop3A_193] {strides = array<i32>} : memref<128x64xf32, #tpu.memory_space<vmem>>, vector<16xf32>,
      %parallel_loop3A_195 = arith.mulf %parallel_loop3A_194, %get3A_30 : vector<16xf32>
      tpu.vector_store_idx %arg11[%parallel_loop3A_183, %get3A_38], %parallel_loop3A_195 : memref<128x128xf32, #tpu.memory_space<vmem>>[vector<16xi32>, vector<16xi32>], vector<16xf32>,
      %parallel_loop3A_196 = arith.index_cast %parallel_loop3A_182 : i32 to index
      %parallel_loop3A_197 = arith.constant 48 : index
      %parallel_loop3A_198 = tpu.vector_load %arg9[%parallel_loop3A_196, %parallel_loop3A_197] {strides = array<i32>} : memref<128x64xf32, #tpu.memory_space<vmem>>, vector<16xf32>,
      %parallel_loop3A_199 = arith.mulf %parallel_loop3A_198, %get3A_32 : vector<16xf32>
      tpu.vector_store_idx %arg11[%parallel_loop3A_183, %get3A_40], %parallel_loop3A_199 : memref<128x128xf32, #tpu.memory_space<vmem>>[vector<16xi32>, vector<16xi32>], vector<16xf32>,
    } {sc.loop_unroll_factor = 8 : i64, sc.parallel_access}
    %add3A_82 = arith.constant 384 : i32
    %add3A_83 = arith.addi %mul3A_2, %add3A_82 : i32
    %dma_start3A_84 = arith.constant 1 : i32
    %dma_start3A_85 = arith.constant 0 : i32
    %dma_start3A_86 = tpu.memref_slice %arg2[%add3A_83, %dma_start3A_85] : memref<65536x64xf32, #tpu.memory_space<hbm>> -> memref<128x64xf32, #tpu.memory_space<hbm>>
    %dma_start3A_87 = tpu.memref_slice %arg12[%dma_start3A_84] : memref<2x!tpu.dma_semaphore, #tpu.memory_space<semaphore_mem>> -> memref<1x!tpu.dma_semaphore, #tpu.memory_space<semaphore_mem>>
    %dma_start3A_88 = tpu.memref_squeeze %dma_start3A_87 : memref<1x!tpu.dma_semaphore, #tpu.memory_space<semaphore_mem>> -> memref<!tpu.dma_semaphore, #tpu.memory_space<semaphore_mem>>
    %dma_start3A_89 = arith.constant 0 : i32
    %dma_start3A_90 = tpu.memref_slice %arg2[%add3A_83, %dma_start3A_89] : memref<65536x64xf32, #tpu.memory_space<hbm>> -> memref<128x64xf32, #tpu.memory_space<hbm>>
    tpu.enqueue_dma source(%dma_start3A_90 : memref<128x64xf32, #tpu.memory_space<hbm>>) target(%arg9 : memref<128x64xf32, #tpu.memory_space<vmem>>) target_semaphore(%dma_start3A_88 : memref<!tpu.dma_semaphore, #tpu.memory_space<semaphore_mem>>)
    %add3A_91 = arith.constant 128 : i32
    %add3A_92 = arith.addi %mul3A_2, %add3A_91 : i32
    %dma_start3A_93 = arith.constant 1 : i32
    %dma_start3A_94 = arith.constant 0 : i32
    %dma_start3A_95 = tpu.memref_slice %arg5[%add3A_92, %dma_start3A_94] : memref<65536x128xf32, #tpu.memory_space<hbm>> -> memref<128x128xf32, #tpu.memory_space<hbm>>
    %dma_start3A_96 = tpu.memref_slice %arg13[%dma_start3A_93] : memref<2x!tpu.dma_semaphore, #tpu.memory_space<semaphore_mem>> -> memref<1x!tpu.dma_semaphore, #tpu.memory_space<semaphore_mem>>
    %dma_start3A_97 = tpu.memref_squeeze %dma_start3A_96 : memref<1x!tpu.dma_semaphore, #tpu.memory_space<semaphore_mem>> -> memref<!tpu.dma_semaphore, #tpu.memory_space<semaphore_mem>>
    %dma_start3A_98 = arith.constant 0 : i32
    %dma_start3A_99 = tpu.memref_slice %arg5[%add3A_92, %dma_start3A_98] : memref<65536x128xf32, #tpu.memory_space<hbm>> -> memref<128x128xf32, #tpu.memory_space<hbm>>
    tpu.enqueue_dma source(%arg11 : memref<128x128xf32, #tpu.memory_space<vmem>>) target(%dma_start3A_99 : memref<128x128xf32, #tpu.memory_space<hbm>>) target_semaphore(%dma_start3A_97 : memref<!tpu.dma_semaphore, #tpu.memory_space<semaphore_mem>>)
    %scan3A = arith.constant 0 : i32
    %scan3A_100 = arith.constant 6 : i32
    %scan3A_101 = arith.addi %scan3A, %scan3A_100 : i32
    %scan3A_102 = arith.constant 1 : i32
    scf.for %scan3A_182 = %scan3A to %scan3A_101 step %scan3A_102  : i32 {
      %mul3A_183 = arith.constant 1 : i32
      %mul3A_184 = arith.muli %scan3A_182, %mul3A_183 : i32
      %add3A_185 = arith.constant 1 : i32
      %add3A_186 = arith.addi %add3A_185, %mul3A_184 : i32
      %mul3A_187 = arith.constant 2 : i32
      %mul3A_188 = arith.muli %add3A_186, %mul3A_187 : i32
      %dma_wait3A_189 = arith.constant 0 : i32
      %dma_wait3A_190 = arith.constant 0 : i32
      %dma_wait3A_191 = arith.constant 0 : i32
      %dma_wait3A_192 = tpu.memref_slice %arg5[%dma_wait3A_190, %dma_wait3A_191] : memref<65536x128xf32, #tpu.memory_space<hbm>> -> memref<128x128xf32, #tpu.memory_space<hbm>>
      %dma_wait3A_193 = tpu.memref_slice %arg13[%dma_wait3A_189] : memref<2x!tpu.dma_semaphore, #tpu.memory_space<semaphore_mem>> -> memref<1x!tpu.dma_semaphore, #tpu.memory_space<semaphore_mem>>
      %dma_wait3A_194 = tpu.memref_squeeze %dma_wait3A_193 : memref<1x!tpu.dma_semaphore, #tpu.memory_space<semaphore_mem>> -> memref<!tpu.dma_semaphore, #tpu.memory_space<semaphore_mem>>
      %dma_wait3A_195 = arith.constant 0 : i32
      %dma_wait3A_196 = arith.constant 0 : i32
      %dma_wait3A_197 = tpu.memref_slice %arg5[%dma_wait3A_195, %dma_wait3A_196] : memref<65536x128xf32, #tpu.memory_space<hbm>> -> memref<128x128xf32, #tpu.memory_space<hbm>>
      tpu.wait_dma2 semaphore(%dma_wait3A_194 : memref<!tpu.dma_semaphore, #tpu.memory_space<semaphore_mem>>) src(%arg10 : memref<128x128xf32, #tpu.memory_space<vmem>>) dst(%dma_wait3A_197 : memref<128x128xf32, #tpu.memory_space<hbm>>)
      %dma_wait3A_198 = arith.constant 0 : i32
      %dma_wait3A_199 = arith.constant 0 : i32
      %dma_wait3A_200 = arith.constant 0 : i32
      %dma_wait3A_201 = tpu.memref_slice %arg2[%dma_wait3A_199, %dma_wait3A_200] : memref<65536x64xf32, #tpu.memory_space<hbm>> -> memref<128x64xf32, #tpu.memory_space<hbm>>
      %dma_wait3A_202 = tpu.memref_slice %arg12[%dma_wait3A_198] : memref<2x!tpu.dma_semaphore, #tpu.memory_space<semaphore_mem>> -> memref<1x!tpu.dma_semaphore, #tpu.memory_space<semaphore_mem>>
      %dma_wait3A_203 = tpu.memref_squeeze %dma_wait3A_202 : memref<1x!tpu.dma_semaphore, #tpu.memory_space<semaphore_mem>> -> memref<!tpu.dma_semaphore, #tpu.memory_space<semaphore_mem>>
      %dma_wait3A_204 = arith.constant 0 : i32
      %dma_wait3A_205 = arith.constant 0 : i32
      %dma_wait3A_206 = tpu.memref_slice %arg2[%dma_wait3A_204, %dma_wait3A_205] : memref<65536x64xf32, #tpu.memory_space<hbm>> -> memref<128x64xf32, #tpu.memory_space<hbm>>
      tpu.wait_dma2 semaphore(%dma_wait3A_203 : memref<!tpu.dma_semaphore, #tpu.memory_space<semaphore_mem>>) src(%dma_wait3A_206 : memref<128x64xf32, #tpu.memory_space<hbm>>) dst(%arg8 : memref<128x64xf32, #tpu.memory_space<vmem>>)
      %parallel_loop3A_207 = arith.constant 0 : i32
      %parallel_loop3A_208 = arith.constant 128 : i32
      %parallel_loop3A_209 = arith.constant 1 : i32
      scf.for %parallel_loop3A_283 = %parallel_loop3A_207 to %parallel_loop3A_208 step %parallel_loop3A_209  : i32 {
        %parallel_loop3A_284 = vector.broadcast %parallel_loop3A_283 : i32 to vector<16xi32>
        %parallel_loop3A_285 = arith.index_cast %parallel_loop3A_283 : i32 to index
        %parallel_loop3A_286 = arith.constant 0 : index
        %parallel_loop3A_287 = tpu.vector_load %arg8[%parallel_loop3A_285, %parallel_loop3A_286] {strides = array<i32>} : memref<128x64xf32, #tpu.memory_space<vmem>>, vector<16xf32>,
        %parallel_loop3A_288 = arith.mulf %parallel_loop3A_287, %get3A_26 : vector<16xf32>
        tpu.vector_store_idx %arg10[%parallel_loop3A_284, %get3A_34], %parallel_loop3A_288 : memref<128x128xf32, #tpu.memory_space<vmem>>[vector<16xi32>, vector<16xi32>], vector<16xf32>,
        %parallel_loop3A_289 = arith.index_cast %parallel_loop3A_283 : i32 to index
        %parallel_loop3A_290 = arith.constant 16 : index
        %parallel_loop3A_291 = tpu.vector_load %arg8[%parallel_loop3A_289, %parallel_loop3A_290] {strides = array<i32>} : memref<128x64xf32, #tpu.memory_space<vmem>>, vector<16xf32>,
        %parallel_loop3A_292 = arith.mulf %parallel_loop3A_291, %get3A_28 : vector<16xf32>
        tpu.vector_store_idx %arg10[%parallel_loop3A_284, %get3A_36], %parallel_loop3A_292 : memref<128x128xf32, #tpu.memory_space<vmem>>[vector<16xi32>, vector<16xi32>], vector<16xf32>,
        %parallel_loop3A_293 = arith.index_cast %parallel_loop3A_283 : i32 to index
        %parallel_loop3A_294 = arith.constant 32 : index
        %parallel_loop3A_295 = tpu.vector_load %arg8[%parallel_loop3A_293, %parallel_loop3A_294] {strides = array<i32>} : memref<128x64xf32, #tpu.memory_space<vmem>>, vector<16xf32>,
        %parallel_loop3A_296 = arith.mulf %parallel_loop3A_295, %get3A_30 : vector<16xf32>
        tpu.vector_store_idx %arg10[%parallel_loop3A_284, %get3A_38], %parallel_loop3A_296 : memref<128x128xf32, #tpu.memory_space<vmem>>[vector<16xi32>, vector<16xi32>], vector<16xf32>,
        %parallel_loop3A_297 = arith.index_cast %parallel_loop3A_283 : i32 to index
        %parallel_loop3A_298 = arith.constant 48 : index
        %parallel_loop3A_299 = tpu.vector_load %arg8[%parallel_loop3A_297, %parallel_loop3A_298] {strides = array<i32>} : memref<128x64xf32, #tpu.memory_space<vmem>>, vector<16xf32>,
        %parallel_loop3A_300 = arith.mulf %parallel_loop3A_299, %get3A_32 : vector<16xf32>
        tpu.vector_store_idx %arg10[%parallel_loop3A_284, %get3A_40], %parallel_loop3A_300 : memref<128x128xf32, #tpu.memory_space<vmem>>[vector<16xi32>, vector<16xi32>], vector<16xf32>,
      } {sc.loop_unroll_factor = 8 : i64, sc.parallel_access}
      %add3A_210 = arith.constant 2 : i32
      %add3A_211 = arith.addi %mul3A_188, %add3A_210 : i32
      %add3A_212 = arith.constant 0 : i32
      %add3A_213 = arith.addi %add3A_211, %add3A_212 : i32
      %mul3A_214 = arith.constant 128 : i32
      %mul3A_215 = arith.muli %add3A_213, %mul3A_214 : i32
      %add3A_216 = arith.addi %mul3A_2, %mul3A_215 : i32
      %dma_start3A_217 = arith.constant 0 : i32
      %dma_start3A_218 = arith.constant 0 : i32
      %dma_start3A_219 = tpu.memref_slice %arg2[%add3A_216, %dma_start3A_218] : memref<65536x64xf32, #tpu.memory_space<hbm>> -> memref<128x64xf32, #tpu.memory_space<hbm>>
      %dma_start3A_220 = tpu.memref_slice %arg12[%dma_start3A_217] : memref<2x!tpu.dma_semaphore, #tpu.memory_space<semaphore_mem>> -> memref<1x!tpu.dma_semaphore, #tpu.memory_space<semaphore_mem>>
      %dma_start3A_221 = tpu.memref_squeeze %dma_start3A_220 : memref<1x!tpu.dma_semaphore, #tpu.memory_space<semaphore_mem>> -> memref<!tpu.dma_semaphore, #tpu.memory_space<semaphore_mem>>
      %dma_start3A_222 = arith.constant 0 : i32
      %dma_start3A_223 = tpu.memref_slice %arg2[%add3A_216, %dma_start3A_222] : memref<65536x64xf32, #tpu.memory_space<hbm>> -> memref<128x64xf32, #tpu.memory_space<hbm>>
      tpu.enqueue_dma source(%dma_start3A_223 : memref<128x64xf32, #tpu.memory_space<hbm>>) target(%arg8 : memref<128x64xf32, #tpu.memory_space<vmem>>) target_semaphore(%dma_start3A_221 : memref<!tpu.dma_semaphore, #tpu.memory_space<semaphore_mem>>)
      %add3A_224 = arith.constant 0 : i32
      %add3A_225 = arith.addi %mul3A_188, %add3A_224 : i32
      %mul3A_226 = arith.constant 128 : i32
      %mul3A_227 = arith.muli %add3A_225, %mul3A_226 : i32
      %add3A_228 = arith.addi %mul3A_2, %mul3A_227 : i32
      %dma_start3A_229 = arith.constant 0 : i32
      %dma_start3A_230 = arith.constant 0 : i32
      %dma_start3A_231 = tpu.memref_slice %arg5[%add3A_228, %dma_start3A_230] : memref<65536x128xf32, #tpu.memory_space<hbm>> -> memref<128x128xf32, #tpu.memory_space<hbm>>
      %dma_start3A_232 = tpu.memref_slice %arg13[%dma_start3A_229] : memref<2x!tpu.dma_semaphore, #tpu.memory_space<semaphore_mem>> -> memref<1x!tpu.dma_semaphore, #tpu.memory_space<semaphore_mem>>
      %dma_start3A_233 = tpu.memref_squeeze %dma_start3A_232 : memref<1x!tpu.dma_semaphore, #tpu.memory_space<semaphore_mem>> -> memref<!tpu.dma_semaphore, #tpu.memory_space<semaphore_mem>>
      %dma_start3A_234 = arith.constant 0 : i32
      %dma_start3A_235 = tpu.memref_slice %arg5[%add3A_228, %dma_start3A_234] : memref<65536x128xf32, #tpu.memory_space<hbm>> -> memref<128x128xf32, #tpu.memory_space<hbm>>
      tpu.enqueue_dma source(%arg10 : memref<128x128xf32, #tpu.memory_space<vmem>>) target(%dma_start3A_235 : memref<128x128xf32, #tpu.memory_space<hbm>>) target_semaphore(%dma_start3A_233 : memref<!tpu.dma_semaphore, #tpu.memory_space<semaphore_mem>>)
      %dma_wait3A_236 = arith.constant 1 : i32
      %dma_wait3A_237 = arith.constant 0 : i32
      %dma_wait3A_238 = arith.constant 0 : i32
      %dma_wait3A_239 = tpu.memref_slice %arg5[%dma_wait3A_237, %dma_wait3A_238] : memref<65536x128xf32, #tpu.memory_space<hbm>> -> memref<128x128xf32, #tpu.memory_space<hbm>>
      %dma_wait3A_240 = tpu.memref_slice %arg13[%dma_wait3A_236] : memref<2x!tpu.dma_semaphore, #tpu.memory_space<semaphore_mem>> -> memref<1x!tpu.dma_semaphore, #tpu.memory_space<semaphore_mem>>
      %dma_wait3A_241 = tpu.memref_squeeze %dma_wait3A_240 : memref<1x!tpu.dma_semaphore, #tpu.memory_space<semaphore_mem>> -> memref<!tpu.dma_semaphore, #tpu.memory_space<semaphore_mem>>
      %dma_wait3A_242 = arith.constant 0 : i32
      %dma_wait3A_243 = arith.constant 0 : i32
      %dma_wait3A_244 = tpu.memref_slice %arg5[%dma_wait3A_242, %dma_wait3A_243] : memref<65536x128xf32, #tpu.memory_space<hbm>> -> memref<128x128xf32, #tpu.memory_space<hbm>>
      tpu.wait_dma2 semaphore(%dma_wait3A_241 : memref<!tpu.dma_semaphore, #tpu.memory_space<semaphore_mem>>) src(%arg11 : memref<128x128xf32, #tpu.memory_space<vmem>>) dst(%dma_wait3A_244 : memref<128x128xf32, #tpu.memory_space<hbm>>)
      %dma_wait3A_245 = arith.constant 1 : i32
      %dma_wait3A_246 = arith.constant 0 : i32
      %dma_wait3A_247 = arith.constant 0 : i32
      %dma_wait3A_248 = tpu.memref_slice %arg2[%dma_wait3A_246, %dma_wait3A_247] : memref<65536x64xf32, #tpu.memory_space<hbm>> -> memref<128x64xf32, #tpu.memory_space<hbm>>
      %dma_wait3A_249 = tpu.memref_slice %arg12[%dma_wait3A_245] : memref<2x!tpu.dma_semaphore, #tpu.memory_space<semaphore_mem>> -> memref<1x!tpu.dma_semaphore, #tpu.memory_space<semaphore_mem>>
      %dma_wait3A_250 = tpu.memref_squeeze %dma_wait3A_249 : memref<1x!tpu.dma_semaphore, #tpu.memory_space<semaphore_mem>> -> memref<!tpu.dma_semaphore, #tpu.memory_space<semaphore_mem>>
      %dma_wait3A_251 = arith.constant 0 : i32
      %dma_wait3A_252 = arith.constant 0 : i32
      %dma_wait3A_253 = tpu.memref_slice %arg2[%dma_wait3A_251, %dma_wait3A_252] : memref<65536x64xf32, #tpu.memory_space<hbm>> -> memref<128x64xf32, #tpu.memory_space<hbm>>
      tpu.wait_dma2 semaphore(%dma_wait3A_250 : memref<!tpu.dma_semaphore, #tpu.memory_space<semaphore_mem>>) src(%dma_wait3A_253 : memref<128x64xf32, #tpu.memory_space<hbm>>) dst(%arg9 : memref<128x64xf32, #tpu.memory_space<vmem>>)
      %parallel_loop3A_254 = arith.constant 0 : i32
      %parallel_loop3A_255 = arith.constant 128 : i32
      %parallel_loop3A_256 = arith.constant 1 : i32
      scf.for %parallel_loop3A_283 = %parallel_loop3A_254 to %parallel_loop3A_255 step %parallel_loop3A_256  : i32 {
        %parallel_loop3A_284 = vector.broadcast %parallel_loop3A_283 : i32 to vector<16xi32>
        %parallel_loop3A_285 = arith.index_cast %parallel_loop3A_283 : i32 to index
        %parallel_loop3A_286 = arith.constant 0 : index
        %parallel_loop3A_287 = tpu.vector_load %arg9[%parallel_loop3A_285, %parallel_loop3A_286] {strides = array<i32>} : memref<128x64xf32, #tpu.memory_space<vmem>>, vector<16xf32>,
        %parallel_loop3A_288 = arith.mulf %parallel_loop3A_287, %get3A_26 : vector<16xf32>
        tpu.vector_store_idx %arg11[%parallel_loop3A_284, %get3A_34], %parallel_loop3A_288 : memref<128x128xf32, #tpu.memory_space<vmem>>[vector<16xi32>, vector<16xi32>], vector<16xf32>,
        %parallel_loop3A_289 = arith.index_cast %parallel_loop3A_283 : i32 to index
        %parallel_loop3A_290 = arith.constant 16 : index
        %parallel_loop3A_291 = tpu.vector_load %arg9[%parallel_loop3A_289, %parallel_loop3A_290] {strides = array<i32>} : memref<128x64xf32, #tpu.memory_space<vmem>>, vector<16xf32>,
        %parallel_loop3A_292 = arith.mulf %parallel_loop3A_291, %get3A_28 : vector<16xf32>
        tpu.vector_store_idx %arg11[%parallel_loop3A_284, %get3A_36], %parallel_loop3A_292 : memref<128x128xf32, #tpu.memory_space<vmem>>[vector<16xi32>, vector<16xi32>], vector<16xf32>,
        %parallel_loop3A_293 = arith.index_cast %parallel_loop3A_283 : i32 to index
        %parallel_loop3A_294 = arith.constant 32 : index
        %parallel_loop3A_295 = tpu.vector_load %arg9[%parallel_loop3A_293, %parallel_loop3A_294] {strides = array<i32>} : memref<128x64xf32, #tpu.memory_space<vmem>>, vector<16xf32>,
        %parallel_loop3A_296 = arith.mulf %parallel_loop3A_295, %get3A_30 : vector<16xf32>
        tpu.vector_store_idx %arg11[%parallel_loop3A_284, %get3A_38], %parallel_loop3A_296 : memref<128x128xf32, #tpu.memory_space<vmem>>[vector<16xi32>, vector<16xi32>], vector<16xf32>,
        %parallel_loop3A_297 = arith.index_cast %parallel_loop3A_283 : i32 to index
        %parallel_loop3A_298 = arith.constant 48 : index
        %parallel_loop3A_299 = tpu.vector_load %arg9[%parallel_loop3A_297, %parallel_loop3A_298] {strides = array<i32>} : memref<128x64xf32, #tpu.memory_space<vmem>>, vector<16xf32>,
        %parallel_loop3A_300 = arith.mulf %parallel_loop3A_299, %get3A_32 : vector<16xf32>
        tpu.vector_store_idx %arg11[%parallel_loop3A_284, %get3A_40], %parallel_loop3A_300 : memref<128x128xf32, #tpu.memory_space<vmem>>[vector<16xi32>, vector<16xi32>], vector<16xf32>,
      } {sc.loop_unroll_factor = 8 : i64, sc.parallel_access}
      %add3A_257 = arith.constant 2 : i32
      %add3A_258 = arith.addi %mul3A_188, %add3A_257 : i32
      %add3A_259 = arith.constant 1 : i32
      %add3A_260 = arith.addi %add3A_258, %add3A_259 : i32
      %mul3A_261 = arith.constant 128 : i32
      %mul3A_262 = arith.muli %add3A_260, %mul3A_261 : i32
      %add3A_263 = arith.addi %mul3A_2, %mul3A_262 : i32
      %dma_start3A_264 = arith.constant 1 : i32
      %dma_start3A_265 = arith.constant 0 : i32
      %dma_start3A_266 = tpu.memref_slice %arg2[%add3A_263, %dma_start3A_265] : memref<65536x64xf32, #tpu.memory_space<hbm>> -> memref<128x64xf32, #tpu.memory_space<hbm>>
      %dma_start3A_267 = tpu.memref_slice %arg12[%dma_start3A_264] : memref<2x!tpu.dma_semaphore, #tpu.memory_space<semaphore_mem>> -> memref<1x!tpu.dma_semaphore, #tpu.memory_space<semaphore_mem>>
      %dma_start3A_268 = tpu.memref_squeeze %dma_start3A_267 : memref<1x!tpu.dma_semaphore, #tpu.memory_space<semaphore_mem>> -> memref<!tpu.dma_semaphore, #tpu.memory_space<semaphore_mem>>
      %dma_start3A_269 = arith.constant 0 : i32
      %dma_start3A_270 = tpu.memref_slice %arg2[%add3A_263, %dma_start3A_269] : memref<65536x64xf32, #tpu.memory_space<hbm>> -> memref<128x64xf32, #tpu.memory_space<hbm>>
      tpu.enqueue_dma source(%dma_start3A_270 : memref<128x64xf32, #tpu.memory_space<hbm>>) target(%arg9 : memref<128x64xf32, #tpu.memory_space<vmem>>) target_semaphore(%dma_start3A_268 : memref<!tpu.dma_semaphore, #tpu.memory_space<semaphore_mem>>)
      %add3A_271 = arith.constant 1 : i32
      %add3A_272 = arith.addi %mul3A_188, %add3A_271 : i32
      %mul3A_273 = arith.constant 128 : i32
      %mul3A_274 = arith.muli %add3A_272, %mul3A_273 : i32
      %add3A_275 = arith.addi %mul3A_2, %mul3A_274 : i32
      %dma_start3A_276 = arith.constant 1 : i32
      %dma_start3A_277 = arith.constant 0 : i32
      %dma_start3A_278 = tpu.memref_slice %arg5[%add3A_275, %dma_start3A_277] : memref<65536x128xf32, #tpu.memory_space<hbm>> -> memref<128x128xf32, #tpu.memory_space<hbm>>
      %dma_start3A_279 = tpu.memref_slice %arg13[%dma_start3A_276] : memref<2x!tpu.dma_semaphore, #tpu.memory_space<semaphore_mem>> -> memref<1x!tpu.dma_semaphore, #tpu.memory_space<semaphore_mem>>
      %dma_start3A_280 = tpu.memref_squeeze %dma_start3A_279 : memref<1x!tpu.dma_semaphore, #tpu.memory_space<semaphore_mem>> -> memref<!tpu.dma_semaphore, #tpu.memory_space<semaphore_mem>>
      %dma_start3A_281 = arith.constant 0 : i32
      %dma_start3A_282 = tpu.memref_slice %arg5[%add3A_275, %dma_start3A_281] : memref<65536x128xf32, #tpu.memory_space<hbm>> -> memref<128x128xf32, #tpu.memory_space<hbm>>
      tpu.enqueue_dma source(%arg11 : memref<128x128xf32, #tpu.memory_space<vmem>>) target(%dma_start3A_282 : memref<128x128xf32, #tpu.memory_space<hbm>>) target_semaphore(%dma_start3A_280 : memref<!tpu.dma_semaphore, #tpu.memory_space<semaphore_mem>>)
    }
    %scan3A_103 = arith.constant 6 : i32
    %dma_wait3A_104 = arith.constant 0 : i32
    %dma_wait3A_105 = arith.constant 0 : i32
    %dma_wait3A_106 = arith.constant 0 : i32
    %dma_wait3A_107 = tpu.memref_slice %arg5[%dma_wait3A_105, %dma_wait3A_106] : memref<65536x128xf32, #tpu.memory_space<hbm>> -> memref<128x128xf32, #tpu.memory_space<hbm>>
    %dma_wait3A_108 = tpu.memref_slice %arg13[%dma_wait3A_104] : memref<2x!tpu.dma_semaphore, #tpu.memory_space<semaphore_mem>> -> memref<1x!tpu.dma_semaphore, #tpu.memory_space<semaphore_mem>>
    %dma_wait3A_109 = tpu.memref_squeeze %dma_wait3A_108 : memref<1x!tpu.dma_semaphore, #tpu.memory_space<semaphore_mem>> -> memref<!tpu.dma_semaphore, #tpu.memory_space<semaphore_mem>>
    %dma_wait3A_110 = arith.constant 0 : i32
    %dma_wait3A_111 = arith.constant 0 : i32
    %dma_wait3A_112 = tpu.memref_slice %arg5[%dma_wait3A_110, %dma_wait3A_111] : memref<65536x128xf32, #tpu.memory_space<hbm>> -> memref<128x128xf32, #tpu.memory_space<hbm>>
    tpu.wait_dma2 semaphore(%dma_wait3A_109 : memref<!tpu.dma_semaphore, #tpu.memory_space<semaphore_mem>>) src(%arg10 : memref<128x128xf32, #tpu.memory_space<vmem>>) dst(%dma_wait3A_112 : memref<128x128xf32, #tpu.memory_space<hbm>>)
    %dma_wait3A_113 = arith.constant 0 : i32
    %dma_wait3A_114 = arith.constant 0 : i32
    %dma_wait3A_115 = arith.constant 0 : i32
    %dma_wait3A_116 = tpu.memref_slice %arg2[%dma_wait3A_114, %dma_wait3A_115] : memref<65536x64xf32, #tpu.memory_space<hbm>> -> memref<128x64xf32, #tpu.memory_space<hbm>>
    %dma_wait3A_117 = tpu.memref_slice %arg12[%dma_wait3A_113] : memref<2x!tpu.dma_semaphore, #tpu.memory_space<semaphore_mem>> -> memref<1x!tpu.dma_semaphore, #tpu.memory_space<semaphore_mem>>
    %dma_wait3A_118 = tpu.memref_squeeze %dma_wait3A_117 : memref<1x!tpu.dma_semaphore, #tpu.memory_space<semaphore_mem>> -> memref<!tpu.dma_semaphore, #tpu.memory_space<semaphore_mem>>
    %dma_wait3A_119 = arith.constant 0 : i32
    %dma_wait3A_120 = arith.constant 0 : i32
    %dma_wait3A_121 = tpu.memref_slice %arg2[%dma_wait3A_119, %dma_wait3A_120] : memref<65536x64xf32, #tpu.memory_space<hbm>> -> memref<128x64xf32, #tpu.memory_space<hbm>>
    tpu.wait_dma2 semaphore(%dma_wait3A_118 : memref<!tpu.dma_semaphore, #tpu.memory_space<semaphore_mem>>) src(%dma_wait3A_121 : memref<128x64xf32, #tpu.memory_space<hbm>>) dst(%arg8 : memref<128x64xf32, #tpu.memory_space<vmem>>)
    %parallel_loop3A_122 = arith.constant 0 : i32
    %parallel_loop3A_123 = arith.constant 128 : i32
    %parallel_loop3A_124 = arith.constant 1 : i32
    scf.for %parallel_loop3A_182 = %parallel_loop3A_122 to %parallel_loop3A_123 step %parallel_loop3A_124  : i32 {
      %parallel_loop3A_183 = vector.broadcast %parallel_loop3A_182 : i32 to vector<16xi32>
      %parallel_loop3A_184 = arith.index_cast %parallel_loop3A_182 : i32 to index
      %parallel_loop3A_185 = arith.constant 0 : index
      %parallel_loop3A_186 = tpu.vector_load %arg8[%parallel_loop3A_184, %parallel_loop3A_185] {strides = array<i32>} : memref<128x64xf32, #tpu.memory_space<vmem>>, vector<16xf32>,
      %parallel_loop3A_187 = arith.mulf %parallel_loop3A_186, %get3A_26 : vector<16xf32>
      tpu.vector_store_idx %arg10[%parallel_loop3A_183, %get3A_34], %parallel_loop3A_187 : memref<128x128xf32, #tpu.memory_space<vmem>>[vector<16xi32>, vector<16xi32>], vector<16xf32>,
      %parallel_loop3A_188 = arith.index_cast %parallel_loop3A_182 : i32 to index
      %parallel_loop3A_189 = arith.constant 16 : index
      %parallel_loop3A_190 = tpu.vector_load %arg8[%parallel_loop3A_188, %parallel_loop3A_189] {strides = array<i32>} : memref<128x64xf32, #tpu.memory_space<vmem>>, vector<16xf32>,
      %parallel_loop3A_191 = arith.mulf %parallel_loop3A_190, %get3A_28 : vector<16xf32>
      tpu.vector_store_idx %arg10[%parallel_loop3A_183, %get3A_36], %parallel_loop3A_191 : memref<128x128xf32, #tpu.memory_space<vmem>>[vector<16xi32>, vector<16xi32>], vector<16xf32>,
      %parallel_loop3A_192 = arith.index_cast %parallel_loop3A_182 : i32 to index
      %parallel_loop3A_193 = arith.constant 32 : index
      %parallel_loop3A_194 = tpu.vector_load %arg8[%parallel_loop3A_192, %parallel_loop3A_193] {strides = array<i32>} : memref<128x64xf32, #tpu.memory_space<vmem>>, vector<16xf32>,
      %parallel_loop3A_195 = arith.mulf %parallel_loop3A_194, %get3A_30 : vector<16xf32>
      tpu.vector_store_idx %arg10[%parallel_loop3A_183, %get3A_38], %parallel_loop3A_195 : memref<128x128xf32, #tpu.memory_space<vmem>>[vector<16xi32>, vector<16xi32>], vector<16xf32>,
      %parallel_loop3A_196 = arith.index_cast %parallel_loop3A_182 : i32 to index
      %parallel_loop3A_197 = arith.constant 48 : index
      %parallel_loop3A_198 = tpu.vector_load %arg8[%parallel_loop3A_196, %parallel_loop3A_197] {strides = array<i32>} : memref<128x64xf32, #tpu.memory_space<vmem>>, vector<16xf32>,
      %parallel_loop3A_199 = arith.mulf %parallel_loop3A_198, %get3A_32 : vector<16xf32>
      tpu.vector_store_idx %arg10[%parallel_loop3A_183, %get3A_40], %parallel_loop3A_199 : memref<128x128xf32, #tpu.memory_space<vmem>>[vector<16xi32>, vector<16xi32>], vector<16xf32>,
    } {sc.loop_unroll_factor = 8 : i64, sc.parallel_access}
    %add3A_125 = arith.constant 1792 : i32
    %add3A_126 = arith.addi %mul3A_2, %add3A_125 : i32
    %dma_start3A_127 = arith.constant 0 : i32
    %dma_start3A_128 = arith.constant 0 : i32
    %dma_start3A_129 = tpu.memref_slice %arg5[%add3A_126, %dma_start3A_128] : memref<65536x128xf32, #tpu.memory_space<hbm>> -> memref<128x128xf32, #tpu.memory_space<hbm>>
    %dma_start3A_130 = tpu.memref_slice %arg13[%dma_start3A_127] : memref<2x!tpu.dma_semaphore, #tpu.memory_space<semaphore_mem>> -> memref<1x!tpu.dma_semaphore, #tpu.memory_space<semaphore_mem>>
    %dma_start3A_131 = tpu.memref_squeeze %dma_start3A_130 : memref<1x!tpu.dma_semaphore, #tpu.memory_space<semaphore_mem>> -> memref<!tpu.dma_semaphore, #tpu.memory_space<semaphore_mem>>
    %dma_start3A_132 = arith.constant 0 : i32
    %dma_start3A_133 = tpu.memref_slice %arg5[%add3A_126, %dma_start3A_132] : memref<65536x128xf32, #tpu.memory_space<hbm>> -> memref<128x128xf32, #tpu.memory_space<hbm>>
    tpu.enqueue_dma source(%arg10 : memref<128x128xf32, #tpu.memory_space<vmem>>) target(%dma_start3A_133 : memref<128x128xf32, #tpu.memory_space<hbm>>) target_semaphore(%dma_start3A_131 : memref<!tpu.dma_semaphore, #tpu.memory_space<semaphore_mem>>)
    %dma_wait3A_134 = arith.constant 1 : i32
    %dma_wait3A_135 = arith.constant 0 : i32
    %dma_wait3A_136 = arith.constant 0 : i32
    %dma_wait3A_137 = tpu.memref_slice %arg5[%dma_wait3A_135, %dma_wait3A_136] : memref<65536x128xf32, #tpu.memory_space<hbm>> -> memref<128x128xf32, #tpu.memory_space<hbm>>
    %dma_wait3A_138 = tpu.memref_slice %arg13[%dma_wait3A_134] : memref<2x!tpu.dma_semaphore, #tpu.memory_space<semaphore_mem>> -> memref<1x!tpu.dma_semaphore, #tpu.memory_space<semaphore_mem>>
    %dma_wait3A_139 = tpu.memref_squeeze %dma_wait3A_138 : memref<1x!tpu.dma_semaphore, #tpu.memory_space<semaphore_mem>> -> memref<!tpu.dma_semaphore, #tpu.memory_space<semaphore_mem>>
    %dma_wait3A_140 = arith.constant 0 : i32
    %dma_wait3A_141 = arith.constant 0 : i32
    %dma_wait3A_142 = tpu.memref_slice %arg5[%dma_wait3A_140, %dma_wait3A_141] : memref<65536x128xf32, #tpu.memory_space<hbm>> -> memref<128x128xf32, #tpu.memory_space<hbm>>
    tpu.wait_dma2 semaphore(%dma_wait3A_139 : memref<!tpu.dma_semaphore, #tpu.memory_space<semaphore_mem>>) src(%arg11 : memref<128x128xf32, #tpu.memory_space<vmem>>) dst(%dma_wait3A_142 : memref<128x128xf32, #tpu.memory_space<hbm>>)
    %dma_wait3A_143 = arith.constant 1 : i32
    %dma_wait3A_144 = arith.constant 0 : i32
    %dma_wait3A_145 = arith.constant 0 : i32
    %dma_wait3A_146 = tpu.memref_slice %arg2[%dma_wait3A_144, %dma_wait3A_145] : memref<65536x64xf32, #tpu.memory_space<hbm>> -> memref<128x64xf32, #tpu.memory_space<hbm>>
    %dma_wait3A_147 = tpu.memref_slice %arg12[%dma_wait3A_143] : memref<2x!tpu.dma_semaphore, #tpu.memory_space<semaphore_mem>> -> memref<1x!tpu.dma_semaphore, #tpu.memory_space<semaphore_mem>>
    %dma_wait3A_148 = tpu.memref_squeeze %dma_wait3A_147 : memref<1x!tpu.dma_semaphore, #tpu.memory_space<semaphore_mem>> -> memref<!tpu.dma_semaphore, #tpu.memory_space<semaphore_mem>>
    %dma_wait3A_149 = arith.constant 0 : i32
    %dma_wait3A_150 = arith.constant 0 : i32
    %dma_wait3A_151 = tpu.memref_slice %arg2[%dma_wait3A_149, %dma_wait3A_150] : memref<65536x64xf32, #tpu.memory_space<hbm>> -> memref<128x64xf32, #tpu.memory_space<hbm>>
    tpu.wait_dma2 semaphore(%dma_wait3A_148 : memref<!tpu.dma_semaphore, #tpu.memory_space<semaphore_mem>>) src(%dma_wait3A_151 : memref<128x64xf32, #tpu.memory_space<hbm>>) dst(%arg9 : memref<128x64xf32, #tpu.memory_space<vmem>>)
    %parallel_loop3A_152 = arith.constant 0 : i32
    %parallel_loop3A_153 = arith.constant 128 : i32
    %parallel_loop3A_154 = arith.constant 1 : i32
    scf.for %parallel_loop3A_182 = %parallel_loop3A_152 to %parallel_loop3A_153 step %parallel_loop3A_154  : i32 {
      %parallel_loop3A_183 = vector.broadcast %parallel_loop3A_182 : i32 to vector<16xi32>
      %parallel_loop3A_184 = arith.index_cast %parallel_loop3A_182 : i32 to index
      %parallel_loop3A_185 = arith.constant 0 : index
      %parallel_loop3A_186 = tpu.vector_load %arg9[%parallel_loop3A_184, %parallel_loop3A_185] {strides = array<i32>} : memref<128x64xf32, #tpu.memory_space<vmem>>, vector<16xf32>,
      %parallel_loop3A_187 = arith.mulf %parallel_loop3A_186, %get3A_26 : vector<16xf32>
      tpu.vector_store_idx %arg11[%parallel_loop3A_183, %get3A_34], %parallel_loop3A_187 : memref<128x128xf32, #tpu.memory_space<vmem>>[vector<16xi32>, vector<16xi32>], vector<16xf32>,
      %parallel_loop3A_188 = arith.index_cast %parallel_loop3A_182 : i32 to index
      %parallel_loop3A_189 = arith.constant 16 : index
      %parallel_loop3A_190 = tpu.vector_load %arg9[%parallel_loop3A_188, %parallel_loop3A_189] {strides = array<i32>} : memref<128x64xf32, #tpu.memory_space<vmem>>, vector<16xf32>,
      %parallel_loop3A_191 = arith.mulf %parallel_loop3A_190, %get3A_28 : vector<16xf32>
      tpu.vector_store_idx %arg11[%parallel_loop3A_183, %get3A_36], %parallel_loop3A_191 : memref<128x128xf32, #tpu.memory_space<vmem>>[vector<16xi32>, vector<16xi32>], vector<16xf32>,
      %parallel_loop3A_192 = arith.index_cast %parallel_loop3A_182 : i32 to index
      %parallel_loop3A_193 = arith.constant 32 : index
      %parallel_loop3A_194 = tpu.vector_load %arg9[%parallel_loop3A_192, %parallel_loop3A_193] {strides = array<i32>} : memref<128x64xf32, #tpu.memory_space<vmem>>, vector<16xf32>,
      %parallel_loop3A_195 = arith.mulf %parallel_loop3A_194, %get3A_30 : vector<16xf32>
      tpu.vector_store_idx %arg11[%parallel_loop3A_183, %get3A_38], %parallel_loop3A_195 : memref<128x128xf32, #tpu.memory_space<vmem>>[vector<16xi32>, vector<16xi32>], vector<16xf32>,
      %parallel_loop3A_196 = arith.index_cast %parallel_loop3A_182 : i32 to index
      %parallel_loop3A_197 = arith.constant 48 : index
      %parallel_loop3A_198 = tpu.vector_load %arg9[%parallel_loop3A_196, %parallel_loop3A_197] {strides = array<i32>} : memref<128x64xf32, #tpu.memory_space<vmem>>, vector<16xf32>,
      %parallel_loop3A_199 = arith.mulf %parallel_loop3A_198, %get3A_32 : vector<16xf32>
      tpu.vector_store_idx %arg11[%parallel_loop3A_183, %get3A_40], %parallel_loop3A_199 : memref<128x128xf32, #tpu.memory_space<vmem>>[vector<16xi32>, vector<16xi32>], vector<16xf32>,
    } {sc.loop_unroll_factor = 8 : i64, sc.parallel_access}
    %add3A_155 = arith.constant 1920 : i32
    %add3A_156 = arith.addi %mul3A_2, %add3A_155 : i32
    %dma_start3A_157 = arith.constant 1 : i32
    %dma_start3A_158 = arith.constant 0 : i32
    %dma_start3A_159 = tpu.memref_slice %arg5[%add3A_156, %dma_start3A_158] : memref<65536x128xf32, #tpu.memory_space<hbm>> -> memref<128x128xf32, #tpu.memory_space<hbm>>
    %dma_start3A_160 = tpu.memref_slice %arg13[%dma_start3A_157] : memref<2x!tpu.dma_semaphore, #tpu.memory_space<semaphore_mem>> -> memref<1x!tpu.dma_semaphore, #tpu.memory_space<semaphore_mem>>
    %dma_start3A_161 = tpu.memref_squeeze %dma_start3A_160 : memref<1x!tpu.dma_semaphore, #tpu.memory_space<semaphore_mem>> -> memref<!tpu.dma_semaphore, #tpu.memory_space<semaphore_mem>>
    %dma_start3A_162 = arith.constant 0 : i32
    %dma_start3A_163 = tpu.memref_slice %arg5[%add3A_156, %dma_start3A_162] : memref<65536x128xf32, #tpu.memory_space<hbm>> -> memref<128x128xf32, #tpu.memory_space<hbm>>
    tpu.enqueue_dma source(%arg11 : memref<128x128xf32, #tpu.memory_space<vmem>>) target(%dma_start3A_163 : memref<128x128xf32, #tpu.memory_space<hbm>>) target_semaphore(%dma_start3A_161 : memref<!tpu.dma_semaphore, #tpu.memory_space<semaphore_mem>>)
    %dma_wait3A_164 = arith.constant 0 : i32
    %dma_wait3A_165 = arith.constant 0 : i32
    %dma_wait3A_166 = arith.constant 0 : i32
    %dma_wait3A_167 = tpu.memref_slice %arg5[%dma_wait3A_165, %dma_wait3A_166] : memref<65536x128xf32, #tpu.memory_space<hbm>> -> memref<128x128xf32, #tpu.memory_space<hbm>>
    %dma_wait3A_168 = tpu.memref_slice %arg13[%dma_wait3A_164] : memref<2x!tpu.dma_semaphore, #tpu.memory_space<semaphore_mem>> -> memref<1x!tpu.dma_semaphore, #tpu.memory_space<semaphore_mem>>
    %dma_wait3A_169 = tpu.memref_squeeze %dma_wait3A_168 : memref<1x!tpu.dma_semaphore, #tpu.memory_space<semaphore_mem>> -> memref<!tpu.dma_semaphore, #tpu.memory_space<semaphore_mem>>
    %dma_wait3A_170 = arith.constant 0 : i32
    %dma_wait3A_171 = arith.constant 0 : i32
    %dma_wait3A_172 = tpu.memref_slice %arg5[%dma_wait3A_170, %dma_wait3A_171] : memref<65536x128xf32, #tpu.memory_space<hbm>> -> memref<128x128xf32, #tpu.memory_space<hbm>>
    tpu.wait_dma2 semaphore(%dma_wait3A_169 : memref<!tpu.dma_semaphore, #tpu.memory_space<semaphore_mem>>) src(%arg10 : memref<128x128xf32, #tpu.memory_space<vmem>>) dst(%dma_wait3A_172 : memref<128x128xf32, #tpu.memory_space<hbm>>)
    %dma_wait3A_173 = arith.constant 1 : i32
    %dma_wait3A_174 = arith.constant 0 : i32
    %dma_wait3A_175 = arith.constant 0 : i32
    %dma_wait3A_176 = tpu.memref_slice %arg5[%dma_wait3A_174, %dma_wait3A_175] : memref<65536x128xf32, #tpu.memory_space<hbm>> -> memref<128x128xf32, #tpu.memory_space<hbm>>
    %dma_wait3A_177 = tpu.memref_slice %arg13[%dma_wait3A_173] : memref<2x!tpu.dma_semaphore, #tpu.memory_space<semaphore_mem>> -> memref<1x!tpu.dma_semaphore, #tpu.memory_space<semaphore_mem>>
    %dma_wait3A_178 = tpu.memref_squeeze %dma_wait3A_177 : memref<1x!tpu.dma_semaphore, #tpu.memory_space<semaphore_mem>> -> memref<!tpu.dma_semaphore, #tpu.memory_space<semaphore_mem>>
    %dma_wait3A_179 = arith.constant 0 : i32
    %dma_wait3A_180 = arith.constant 0 : i32
    %dma_wait3A_181 = tpu.memref_slice %arg5[%dma_wait3A_179, %dma_wait3A_180] : memref<65536x128xf32, #tpu.memory_space<hbm>> -> memref<128x128xf32, #tpu.memory_space<hbm>>
    tpu.wait_dma2 semaphore(%dma_wait3A_178 : memref<!tpu.dma_semaphore, #tpu.memory_space<semaphore_mem>>) src(%arg11 : memref<128x128xf32, #tpu.memory_space<vmem>>) dst(%dma_wait3A_181 : memref<128x128xf32, #tpu.memory_space<hbm>>)
    return
  }
}

</mosaic_0001>

<sc_bundles>
// kernel: kernel.3.cloned.1.call-start
scs
__scs_entry_jumppad:
0x0: {  	(pc) =	sbr.rel $0x88, $3  }
0x1: {  	(tag) =	ssettag $0x0;
	lr =	simm.s32 $0x1  }
0x2: {  	[smem:$0x3F9E] =	sst lr;
	_ =	strace $0xD0000000  }
0x3: {  	_ = 	snop  }
0x4: {  	_ = 	snop  }
0x5: {  	_ = 	snop  }
0x6: {  	_ = 	snop  }
0x7: {  	_ = 	snop  }
__scs_overlays_trampoline_lowered:
0x8: {  	[smem:$0x3FAD] =	sst s0  }
0x9: {  	[smem:$0x3FAE] =	sst s1  }
0xa: {  	[smem:$0x3FAF] =	sst s2  }
0xb: {  	[smem:$0x3FB0] =	sst s3  }
0xc: {  	[smem:$0x3FB1] =	sst s4  }
0xd: {  	[smem:$0x3FB2] =	sst s5  }
0xe: {  	[smem:$0x3FB3] =	sst s6  }
0xf: {  	[smem:$0x3FB4] =	sst s7  }
0x10: {  	[smem:$0x3FB5] =	sst s8  }
0x11: {  	[smem:$0x3FB6] =	sst s9;
	s0 =	simm.s32 @!p0 $0x0  }
0x12: {  	s1 =	sld [smem:$0x3F9C];
	s0 =	simm.s32 @p0 $0x1  }
0x13: {  	[smem:$0x3FB7] =	sst s0;
	s0 =	simm.s32 @!p1 $0x0  }
0x14: {  	s2 =	sld [smem:$0x3F9B];
	s0 =	simm.s32 @p1 $0x1  }
0x15: {  	[smem:$0x3FB8] =	sst s0;
	s0 =	simm.s32 @!p2 $0x0  }
0x16: {  	s3 =	sld [smem:$0x3FDB];
	s0 =	simm.s32 @p2 $0x1  }
0x17: {  	s4 =	simm.s32 $0x1BF5;
	[smem:$0x3FBA] =	sst s0  }
0x18: {  	s0 =	sld [smem:$0x3F9D];
	_ =	swait.ge [sflag:s4], $0x0  }
0x19: {  	s7 =	sld [smem:$0x3F9E]  }
0x1a: {  	s8 =	sadd.s32 $0xFFFFE003, lr  }
0x1b: {  	s9 =	sadd.s32 $0xFFFFFEF7, lr;
	s5 =	simm.s32 $0xFFFFFFFF;
	p2 =	slt.u32 s8, $0xFFFFF086  }
0x1c: {  	p1 =	slt.u32 s9, $0xF7A;
	s5 =	simm.s32 @!p2 $0x0  }
0x1d: {  	s5 =	simm.s32 @p1 $0x1;
	p0 =	seq.s32 s7, s2  }
0x1e: {  	s7 =	smul.u32 @!p0 $0xF7A, s2;
	p2 =	seq.s32 @!p0 s5, $0x0  }
0x1f: {  	s9 =	smul.u32 $0xF7A, s1;
	s8 =	simm.s32 @!p0 $0x1BF5;
	p2 =	por !p2, p0  }
0x20: {  	[sflag:s8] =	ssyncset.s32 @!p0 $0xFFFFF086;
	s6 =	sadd.s32 @!p0 s3, s7;
	s7 =	simm.s32 @!p0 $0x108  }
0x21: {  	s3 =	sadd.s32 s3, s9;
	s6 =	sadd.s32 @!p0 $0x88, s6;
	s7 =	simm.s32 @p2 $0x1082  }
0x22: {  	[simem:s7], [sflag:s8] =	dma.local @!p0 [hbm:s6], $0xF7A  }
0x23: {  	s9 =	sor.u32 $0xD0000000, s2;
	s6 =	simm.s32 $0x108;
	_ =	swait.ge @!p0 [sflag:s8], $0x0  }
0x24: {  	s3 =	sadd.s32 $0x88, s3;
	s6 =	simm.s32 @!p1 $0x1082;
	[sflag:s4] =	ssyncset.s32 $0xFFFFF086  }
0x25: {  	[simem:s6], [sflag:s4] =	dma.local [hbm:s3], $0xF7A  }
0x26: {  	[smem:$0x3F9E] =	sst s1;
	(tag) =	ssettag s2;
	_ =	strace s9  }
0x27: {  	s1 =	sld [smem:$0x3FAE]  }
0x28: {  	s2 =	sld [smem:$0x3FAF]  }
0x29: {  	s4 =	sld [smem:$0x3FB1]  }
0x2a: {  	p0 =	seq.s32 s5, $0x0;
	s5 =	sld [smem:$0x3FB2]  }
0x2b: {  	s6 =	sld [smem:$0x3FB3]  }
0x2c: {  	s7 =	sld [smem:$0x3FB4]  }
0x2d: {  	s3 =	simm.s32 $0x108;
	s8 =	sld [smem:$0x3FB5]  }
0x2e: {  	s3 =	simm.s32 @!p0 $0x1082;
	s9 =	sld [smem:$0x3FB6]  }
0x2f: {  	lr =	sadd.s32 s0, s3;
	s0 =	sld [smem:$0x3FAD]  }
0x30: {  	s3 =	sld [smem:$0x3FB0]  }
0x31: {  	[smem:$0x3FB9] =	sst s10  }
0x32: {  	s10 =	sld [smem:$0x3FB7];
	_ =	sdelay $0x3  }
0x33: {  	p0 =	seq.s32 s10, $0x1;
	s10 =	sld [smem:$0x3FB9];
	_ =	sdelay $0x3  }
0x34: {  	[smem:$0x3FB9] =	sst s10  }
0x35: {  	s10 =	sld [smem:$0x3FB8];
	_ =	sdelay $0x3  }
0x36: {  	p1 =	seq.s32 s10, $0x1;
	s10 =	sld [smem:$0x3FB9];
	_ =	sdelay $0x3  }
0x37: {  	[smem:$0x3FB9] =	sst s10  }
0x38: {  	s10 =	sld [smem:$0x3FBA]  }
0x39: {  	_ = 	snop;
	(pc) =	sbr.ind lr, $3  }
0x3a: {  	_ = 	snop  }
0x3b: {  	_ = 	snop  }
0x3c: {  	p2 =	seq.s32 s10, $0x1;
	s10 =	sld [smem:$0x3FB9]  }
0x3d: {  	_ =	shalt  }
0x3e: {  	_ =	shalt  }
0x3f: {  	_ =	shalt  }
0x40: {  	_ =	shalt  }
0x41: {  	_ =	shalt  }
0x42: {  	_ =	shalt  }
0x43: {  	_ =	shalt  }
0x44: {  	_ =	shalt  }
0x45: {  	_ =	shalt  }
0x46: {  	_ =	shalt  }
0x47: {  	_ =	shalt  }
0x48: {  	_ =	shalt  }
0x49: {  	_ =	shalt  }
0x4a: {  	_ =	shalt  }
0x4b: {  	_ =	shalt  }
0x4c: {  	_ =	shalt  }
0x4d: {  	_ =	shalt  }
0x4e: {  	_ =	shalt  }
0x4f: {  	_ =	shalt  }
0x50: {  	_ =	shalt  }
0x51: {  	_ =	shalt  }
0x52: {  	_ =	shalt  }
0x53: {  	_ =	shalt  }
0x54: {  	_ =	shalt  }
0x55: {  	_ =	shalt  }
0x56: {  	_ =	shalt  }
0x57: {  	_ =	shalt  }
0x58: {  	_ =	shalt  }
0x59: {  	_ =	shalt  }
0x5a: {  	_ =	shalt  }
0x5b: {  	_ =	shalt  }
0x5c: {  	_ =	shalt  }
0x5d: {  	_ =	shalt  }
0x5e: {  	_ =	shalt  }
0x5f: {  	_ =	shalt  }
0x60: {  	_ =	shalt  }
0x61: {  	_ =	shalt  }
0x62: {  	_ =	shalt  }
0x63: {  	_ =	shalt  }
0x64: {  	_ =	shalt  }
0x65: {  	_ =	shalt  }
0x66: {  	_ =	shalt  }
0x67: {  	_ =	shalt  }
0x68: {  	_ =	shalt  }
0x69: {  	_ =	shalt  }
0x6a: {  	_ =	shalt  }
0x6b: {  	_ =	shalt  }
0x6c: {  	_ =	shalt  }
0x6d: {  	_ =	shalt  }
0x6e: {  	_ =	shalt  }
0x6f: {  	_ =	shalt  }
0x70: {  	_ =	shalt  }
0x71: {  	_ =	shalt  }
0x72: {  	_ =	shalt  }
0x73: {  	_ =	shalt  }
0x74: {  	_ =	shalt  }
0x75: {  	_ =	shalt  }
0x76: {  	_ =	shalt  }
0x77: {  	_ =	shalt  }
0x78: {  	_ =	shalt  }
0x79: {  	_ =	shalt  }
0x7a: {  	_ =	shalt  }
0x7b: {  	_ =	shalt  }
0x7c: {  	_ =	shalt  }
0x7d: {  	_ =	shalt  }
0x7e: {  	_ =	shalt  }
0x7f: {  	_ =	shalt  }
0x80: {  	_ =	shalt  }
0x81: {  	_ =	shalt  }
0x82: {  	_ =	shalt  }
0x83: {  	_ =	shalt  }
0x84: {  	_ =	shalt  }
0x85: {  	_ =	shalt  }
0x86: {  	_ =	shalt  }
0x87: {  	_ =	shalt  }
.Lfunc_end0:
.L_simem_size_0:
called_computation_lowered:
.L_overlay_start_0:
0x88: {  	s2 =	sld [smem:$0x3FD9]  }
0x89: {  	s3 =	sld [smem:$0x3FFE];
	_ =	sdelay $0x1  }
0x8a: {  	s1 =	srdreg.scid  }
0x8b: {  	s0 =	sand.u32 $0x1, s1  }
0x8c: {  	s17 =	sshll.u32 s0, $0xA;
	s2 =	sadd.s32 s3, s2  }
0x8d: {  	s2 =	sadd.s32 s2, s17  }
0x8e: {  	[smem:$0x3FC5] =	sst s2  }
0x8f: {  	_ = 	snop  }
0x90: {  	s2 =	sld [smem:$0x3FC8]  }
0x91: {  	s18 =	sld [smem:$0x3FC7]  }
0x92: {  	s4 =	sld [smem:$0x3FD0];
	(tm) =	ssettm $0x1  }
0x93: {  	s5 =	sld [smem:$0x3FFB];
	_ =	sdelay $0x3  }
0x94: {  	_ =	strace s5  }
0x95: {  	s5 =	sld [smem:$0x3FFC];
	_ =	sdelay $0x3  }
0x96: {  	_ =	strace s5  }
0x97: {  	s5 =	sld [smem:$0x3FFD];
	_ =	sdelay $0x3  }
0x98: {  	_ =	strace s5  }
0x99: {  	_ =	strace $0x8FFFFFFF  }
0x9a: {  	s19 =	sld [smem:$0x3FDB];
	_ =	sdelay $0x1  }
0x9b: {  	s6 =	simm.s32 $_scs_section_size  }
0x9c: {  	s7 =	simm.s32 $_size__tile_overlayer_lowered;
	s8 =	simm.s32 $_tile_overlayer_lowered  }
0x9d: {  	s22 =	simm.s32 $0x1BFF;
	s21 =	sshll.u32 s8, $0x1;
	s5 =	sadd.s32 s6, s19  }
0x9e: {  	s9 =	simm.s32 $0x0;
	s20 =	sshll.u32 s7, $0x1;
	s7 =	sadd.s32 s21, s5  }
0x9f: {  	[timem:s9], [sflag:s22] =	dma.local [hbm:s7], s20  }
0xa0: {  	_ =	swait.ge [sflag:s22], s20  }
0xa1: {  	s6 =	ssub.s32 $0x0, s20;
	[sflag:s22] =	ssyncset.done $0x0  }
0xa2: {  	[sflag:s22] =	ssyncadd.s32 s6;
	_ =	sdelay $0x1  }
0xa3: {  	s23 =	simm.s32 $0x1B8B  }
0xa4: {  	_ =	swait.ge [sflag:s23], $0x1  }
0xa5: {  	[sflag:s23] =	ssyncset.done $0x0  }
0xa6: {  	s25 =	simm.s32 $0x1B8E;
	s24 =	sld [smem:$0x3FFE];
	[sflag:s23] =	ssyncadd.s32 $0xFFFFFFFF  }
0xa7: {  	s26 =	simm.s32 $execute0_lowered;
	[smem:$0x3FD2] =	sst s25  }
0xa8: {  	s7 =	sshll.u32 s26, $0x1;
	_ =	strace $0x80000046;
	[dreg:$0x1] =	wrdreg $0xFFFFFFFF  }
0xa9: {  	s28 =	simm.s32 $_size_execute0_lowered;
	s5 =	sadd.s32 s5, s7;
	[dreg:$0x0] =	wrdreg $0x0  }
0xaa: {  	s7 =	sshll.u32 s28, $0x1;
	[dreg:$0x2] =	wrdreg s5  }
0xab: {  	[dreg:$0x3] =	wrdreg s7  }
0xac: {  	[dreg:$0x4] =	wrdreg $0xC0  }
0xad: {  	_ =	task [dreg:s9], $0x5FFFF  }
0xae: {  	[dreg:$0x1] =	wrdreg $0xFFFFFFFF  }
0xaf: {  	[dreg:$0x0] =	wrdreg $0x60  }
0xb0: {  	[dreg:$0x2] =	wrdreg s24  }
0xb1: {  	[dreg:$0x3] =	wrdreg s2  }
0xb2: {  	[dreg:$0x4] =	wrdreg s18  }
0xb3: {  	[dreg:$0x5] =	wrdreg s4  }
0xb4: {  	[dreg:$0x6] =	wrdreg $0x9  }
0xb5: {  	_ =	task.clear_ibuf [dreg:s9], $0x7FFFF;
	_ =	strace $0x90000046  }
0xb6: {  	s29 =	simm.s32 $0x9;
	_ =	strace $0x80000048  }
0xb7: {  	_ =	swait.ge [sflag:s29], $0x1  }
0xb8: {  	[sflag:s29] =	ssyncadd.s32 $0xFFFFFFFF  }
0xb9: {  	_ =	strace $0x90000048  }
0xba: {  	_ =	sfence  }
0xbb: {  	s30 =	sld [smem:$0x0];
	_ =	sdelay $0x2  }
0xbc: {  	s31 =	sshll.u32 s1, $0xD;
	s1 =	sshrl.u32 s1, $0x2  }
0xbd: {  	s3 =	sand.u32 $0x4000, s31;
	s1 =	sadd.s32 s1, s30  }
0xbe: {  	s0 =	sor.u32 s3, s0;
	s1 =	sshll.u32 s1, $0x11  }
0xbf: {  	s0 =	sor.u32 s1, s0  }
0xc0: {  	s0 =	sadd.s32 $0x8F2B, s0  }
0xc1: {  	[sflag:s0] =	ssyncadd.remote.s32 $0x1  }
0xc2: {  	_ =	sfence.sel $0xFFFF  }
0xc3: {  	[dreg:$0x0] =	wrdreg $0xFFFFFFFF;
	(pc) =	sbr.abs _section_cstart, $3  }
0xc4: {  	[dreg:$0x1] =	wrdreg $0xFFFFFFFF  }
0xc5: {  	_ =	task.clear_ibuf [dreg:s9], $0x2FFFF;
	_ =	strace $0x9FFFFFFF  }
0xc6: {  	(tm) =	ssettm $0x7FFFFFFF  }
0xc7: {  	_ =	shalt  }
tec
execute0_lowered:
.L_overlay_start_1:
0x0: {  	(tag) =	ssettag $0x1  }
0x1: {  	s0 =	rddreg [dreg:$0x0];
	s1 =	srdreg.scid  }
0x2: {  	s7 =	rddreg [dreg:$0x3];
	s2 =	stileid.u32;
	s1 =	sand.u32 $0x1, s1  }
0x3: {  	s5 =	simm.s32 $0x0;
	s2 =	sshll.u32 s2, $0xC;
	s3 =	sshll.u32 s1, $0xB  }
0x4: {  	[smem:$0x7FF] =	sst s5;
	s6 =	sadd.s32 $0x400, s0;
	s2 =	sor.u32 s3, s2  }
0x5: {  	_ =	strace $0x80000047;
	s1 =	ssub.s32 $0x2, s1;
	s24 =	sor.u32 $0x100, s2  }
0x6: {  	s20 =	sshrl.u32 s1, $0x1;
	s25 =	sor.u32 $0x180, s2;
	[dreg:$0xb] =	wrdreg s24  }
0x7: {  	s3 =	sshll.u32 s2, $0x4;
	s26 =	sor.u32 $0x80, s2;
	[dreg:$0xc] =	wrdreg s25  }
0x8: {  	s0 =	ssub.s32 s1, s20;
	s21 =	sadd.s32 s6, s3;
	[dreg:$0xd] =	wrdreg s26  }
0x9: {  	s4 =	sor.u32 $0x800, s3;
	s3 =	sadd.s32 s7, s3;
	[dreg:$0x5] =	wrdreg s21  }
0xa: {  	s0 =	smax.u32 s0, $0x1;
	[dreg:$0x8] =	wrdreg s3  }
0xb: {  	s8 =	sadd.s32 s6, s4;
	[dreg:$0x10] =	wrdreg s0  }
0xc: {  	s28 =	simm.s32 $0x3;
	s22 =	sadd.s32 $0x1000, s21;
	[dreg:$0x6] =	wrdreg s8  }
0xd: {  	s29 =	simm.s32 $0x4;
	s1 =	sadd.s32 $0x1800, s21;
	[dreg:$0x7] =	wrdreg s22  }
0xe: {  	s24 =	simm.s32 $0x8100;
	s23 =	sadd.s32 s7, s4;
	[dreg:$0x9] =	wrdreg s1  }
0xf: {  	s25 =	simm.s32 $0x2;
	s30 =	sadd.s32 $0x7000, s3;
	[dreg:$0xa] =	wrdreg s23  }
0x10: {  	s26 =	simm.s32 $0xC100;
	s31 =	sadd.s32 $0x7800, s3;
	[dreg:$0xe] =	wrdreg s30  }
0x11: {  	v0 =	vimm.f32 $0.0e+00;
	[dreg:$0xf] =	wrdreg s31;
	s23 =	simm.s32 $0x1;
	s1 =	simm.s32 $0x0  }
.LBB2_1:
0x12: {  	[dreg:$0x11] =	wrdreg s1  }
0x13: {  	s0 =	rddreg [dreg:$0x5];
	s19 =	simm.s32 $0x100  }
0x14: {  	[tilespmem:s19], [sflag:$0x1] =	stream.linear.gather [hbm4b:s0+s5], $0x4000, $0x38;
	[tilespmem:$0x10100] =	vst v63  }
0x15: {  	s20 =	rddreg [dreg:$0x6];
	s21 =	simm.s32 $0x4100  }
0x16: {  	[tilespmem:s21], [sflag:$0x2] =	stream.linear.gather [hbm4b:s20+s5], $0x4000, $0x38;
	[tilespmem:$0x10100] =	vst v63  }
0x17: {  	s22 =	rddreg [dreg:$0x1]  }
0x18: {  	[tilespmem:s5], [sflag:$0x5] =	stream.linear.gather [hbm4b:s22+s5], $0x80, $0x38;
	[tilespmem:$0x10100] =	vst v63  }
0x19: {  	s30 =	rddreg [dreg:$0x2];
	s31 =	simm.s32 $0x80;
	s1 =	simm.s32 $0x8200  }
0x1a: {  	[tilespmem:s31], [sflag:$0x5] =	stream.linear.gather [hbm4b:s30+s5], $0x80, $0x38;
	[tilespmem:$0x10100] =	vst v63  }
0x1b: {  	[tilespmem:s1+$0xFFFFFF00] =	vst v0  }
0x1c: {  	[tilespmem:s1+$0xF0] =	vst v0  }
0x1d: {  	[tilespmem:s1+$0xE0] =	vst v0  }
0x1e: {  	[tilespmem:s1+$0xD0] =	vst v0  }
0x1f: {  	[tilespmem:s1+$0xC0] =	vst v0  }
0x20: {  	[tilespmem:s1+$0xB0] =	vst v0  }
0x21: {  	[tilespmem:s1+$0xA0] =	vst v0  }
0x22: {  	[tilespmem:s1+$0x90] =	vst v0  }
0x23: {  	[tilespmem:s1+$0x80] =	vst v0  }
0x24: {  	[tilespmem:s1+$0x70] =	vst v0  }
0x25: {  	[tilespmem:s1+$0x60] =	vst v0  }
0x26: {  	[tilespmem:s1+$0x50] =	vst v0  }
0x27: {  	[tilespmem:s1+$0x40] =	vst v0  }
0x28: {  	[tilespmem:s1+$0x30] =	vst v0  }
0x29: {  	[tilespmem:s1+$0x20] =	vst v0  }
0x2a: {  	[tilespmem:s1+$0x10] =	vst v0  }
0x2b: {  	[tilespmem:s1+$0x0] =	vst v0  }
0x2c: {  	[tilespmem:s1+$0xFFFFFFF0] =	vst v0  }
0x2d: {  	[tilespmem:s1+$0xFFFFFFE0] =	vst v0  }
0x2e: {  	[tilespmem:s1+$0xFFFFFFD0] =	vst v0  }
0x2f: {  	[tilespmem:s1+$0xFFFFFFC0] =	vst v0  }
0x30: {  	[tilespmem:s1+$0xFFFFFFB0] =	vst v0  }
0x31: {  	[tilespmem:s1+$0xFFFFFFA0] =	vst v0  }
0x32: {  	[tilespmem:s1+$0xFFFFFF90] =	vst v0  }
0x33: {  	[tilespmem:s1+$0xFFFFFF80] =	vst v0  }
0x34: {  	[tilespmem:s1+$0xFFFFFF70] =	vst v0  }
0x35: {  	[tilespmem:s1+$0xFFFFFF60] =	vst v0  }
0x36: {  	[tilespmem:s1+$0xFFFFFF50] =	vst v0  }
0x37: {  	[tilespmem:s1+$0xFFFFFF40] =	vst v0  }
0x38: {  	[tilespmem:s1+$0xFFFFFF30] =	vst v0  }
0x39: {  	s2 =	simm.s32 $0x0;
	[tilespmem:s1+$0xFFFFFF20] =	vst v0  }
.LBB2_2:
0x3a: {  	s2 =	sadd.s32 $0x4, s2;
	[tilespmem:s1+$0xFFFFFF10] =	vst v0;
	s1 =	sadd.s32 $0x200, s1;
	s0 =	simm.s32 $0xC200  }
0x3b: {  	[tilespmem:s1+$0xFFFFFF00] =	vst v0;
	p0 =	slt.u32 s2, $0x7C  }
0x3c: {  	[tilespmem:s1+$0xF0] =	vst v0  }
0x3d: {  	[tilespmem:s1+$0xE0] =	vst v0  }
0x3e: {  	[tilespmem:s1+$0xD0] =	vst v0  }
0x3f: {  	[tilespmem:s1+$0xC0] =	vst v0  }
0x40: {  	[tilespmem:s1+$0xB0] =	vst v0  }
0x41: {  	[tilespmem:s1+$0xA0] =	vst v0  }
0x42: {  	[tilespmem:s1+$0x90] =	vst v0  }
0x43: {  	[tilespmem:s1+$0x80] =	vst v0  }
0x44: {  	[tilespmem:s1+$0x70] =	vst v0  }
0x45: {  	[tilespmem:s1+$0x60] =	vst v0  }
0x46: {  	[tilespmem:s1+$0x50] =	vst v0  }
0x47: {  	[tilespmem:s1+$0x40] =	vst v0  }
0x48: {  	[tilespmem:s1+$0x30] =	vst v0  }
0x49: {  	[tilespmem:s1+$0x20] =	vst v0  }
0x4a: {  	[tilespmem:s1+$0x10] =	vst v0  }
0x4b: {  	[tilespmem:s1+$0x0] =	vst v0  }
0x4c: {  	[tilespmem:s1+$0xFFFFFFF0] =	vst v0  }
0x4d: {  	[tilespmem:s1+$0xFFFFFFE0] =	vst v0  }
0x4e: {  	[tilespmem:s1+$0xFFFFFFD0] =	vst v0  }
0x4f: {  	[tilespmem:s1+$0xFFFFFFC0] =	vst v0  }
0x50: {  	[tilespmem:s1+$0xFFFFFFB0] =	vst v0  }
0x51: {  	[tilespmem:s1+$0xFFFFFFA0] =	vst v0  }
0x52: {  	[tilespmem:s1+$0xFFFFFF90] =	vst v0  }
0x53: {  	[tilespmem:s1+$0xFFFFFF80] =	vst v0  }
0x54: {  	[tilespmem:s1+$0xFFFFFF70] =	vst v0  }
.Ltmp0:
0x55: {  	[tilespmem:s1+$0xFFFFFF60] =	vst v0;
	(pc) =	sbr.rel @p0 .LBB2_2-.Ltmp0, $4  }
0x56: {  	[tilespmem:s1+$0xFFFFFF50] =	vst v0  }
0x57: {  	[tilespmem:s1+$0xFFFFFF40] =	vst v0  }
0x58: {  	[tilespmem:s1+$0xFFFFFF30] =	vst v0  }
0x59: {  	[tilespmem:s1+$0xFFFFFF20] =	vst v0  }
0x5a: {  	[tilespmem:s1+$0xFFFFFF10] =	vst v0  }
0x5b: {  	[tilespmem:s0+$0xFFFFFF00] =	vst v0  }
0x5c: {  	[tilespmem:s0+$0xF0] =	vst v0  }
0x5d: {  	[tilespmem:s0+$0xE0] =	vst v0  }
0x5e: {  	[tilespmem:s0+$0xD0] =	vst v0  }
0x5f: {  	[tilespmem:s0+$0xC0] =	vst v0  }
0x60: {  	[tilespmem:s0+$0xB0] =	vst v0  }
0x61: {  	[tilespmem:s0+$0xA0] =	vst v0  }
0x62: {  	[tilespmem:s0+$0x90] =	vst v0  }
0x63: {  	[tilespmem:s0+$0x80] =	vst v0  }
0x64: {  	[tilespmem:s0+$0x70] =	vst v0  }
0x65: {  	[tilespmem:s0+$0x60] =	vst v0  }
0x66: {  	[tilespmem:s0+$0x50] =	vst v0  }
0x67: {  	[tilespmem:s0+$0x40] =	vst v0  }
0x68: {  	[tilespmem:s0+$0x30] =	vst v0  }
0x69: {  	[tilespmem:s0+$0x20] =	vst v0  }
0x6a: {  	[tilespmem:s0+$0x10] =	vst v0  }
0x6b: {  	[tilespmem:s0+$0x0] =	vst v0  }
0x6c: {  	[tilespmem:s0+$0xFFFFFFF0] =	vst v0  }
0x6d: {  	[tilespmem:s0+$0xFFFFFFE0] =	vst v0  }
0x6e: {  	[tilespmem:s0+$0xFFFFFFD0] =	vst v0  }
0x6f: {  	[tilespmem:s0+$0xFFFFFFC0] =	vst v0  }
0x70: {  	[tilespmem:s0+$0xFFFFFFB0] =	vst v0  }
0x71: {  	[tilespmem:s0+$0xFFFFFFA0] =	vst v0  }
0x72: {  	[tilespmem:s0+$0xFFFFFF90] =	vst v0  }
0x73: {  	[tilespmem:s0+$0xFFFFFF80] =	vst v0  }
0x74: {  	[tilespmem:s0+$0xFFFFFF70] =	vst v0  }
0x75: {  	[tilespmem:s0+$0xFFFFFF60] =	vst v0  }
0x76: {  	[tilespmem:s0+$0xFFFFFF50] =	vst v0  }
0x77: {  	[tilespmem:s0+$0xFFFFFF40] =	vst v0  }
0x78: {  	[tilespmem:s0+$0xFFFFFF30] =	vst v0  }
0x79: {  	s1 =	simm.s32 $0x0;
	[tilespmem:s0+$0xFFFFFF20] =	vst v0  }
.LBB2_4:
0x7a: {  	s1 =	sadd.s32 $0x4, s1;
	[tilespmem:s0+$0xFFFFFF10] =	vst v0;
	s0 =	sadd.s32 $0x200, s0  }
0x7b: {  	[tilespmem:s0+$0xFFFFFF00] =	vst v0;
	p0 =	slt.u32 s1, $0x7C  }
0x7c: {  	[tilespmem:s0+$0xF0] =	vst v0  }
0x7d: {  	[tilespmem:s0+$0xE0] =	vst v0  }
0x7e: {  	[tilespmem:s0+$0xD0] =	vst v0  }
0x7f: {  	[tilespmem:s0+$0xC0] =	vst v0  }
0x80: {  	[tilespmem:s0+$0xB0] =	vst v0  }
0x81: {  	[tilespmem:s0+$0xA0] =	vst v0  }
0x82: {  	[tilespmem:s0+$0x90] =	vst v0  }
0x83: {  	[tilespmem:s0+$0x80] =	vst v0  }
0x84: {  	[tilespmem:s0+$0x70] =	vst v0  }
0x85: {  	[tilespmem:s0+$0x60] =	vst v0  }
0x86: {  	[tilespmem:s0+$0x50] =	vst v0  }
0x87: {  	[tilespmem:s0+$0x40] =	vst v0  }
0x88: {  	[tilespmem:s0+$0x30] =	vst v0  }
0x89: {  	[tilespmem:s0+$0x20] =	vst v0  }
0x8a: {  	[tilespmem:s0+$0x10] =	vst v0  }
0x8b: {  	[tilespmem:s0+$0x0] =	vst v0  }
0x8c: {  	[tilespmem:s0+$0xFFFFFFF0] =	vst v0  }
0x8d: {  	[tilespmem:s0+$0xFFFFFFE0] =	vst v0  }
0x8e: {  	[tilespmem:s0+$0xFFFFFFD0] =	vst v0  }
0x8f: {  	[tilespmem:s0+$0xFFFFFFC0] =	vst v0  }
0x90: {  	[tilespmem:s0+$0xFFFFFFB0] =	vst v0  }
0x91: {  	[tilespmem:s0+$0xFFFFFFA0] =	vst v0  }
0x92: {  	[tilespmem:s0+$0xFFFFFF90] =	vst v0  }
0x93: {  	[tilespmem:s0+$0xFFFFFF80] =	vst v0  }
0x94: {  	[tilespmem:s0+$0xFFFFFF70] =	vst v0  }
.Ltmp1:
0x95: {  	[tilespmem:s0+$0xFFFFFF60] =	vst v0;
	(pc) =	sbr.rel @p0 .LBB2_4-.Ltmp1, $4  }
0x96: {  	[tilespmem:s0+$0xFFFFFF50] =	vst v0  }
0x97: {  	[tilespmem:s0+$0xFFFFFF40] =	vst v0  }
0x98: {  	[tilespmem:s0+$0xFFFFFF30] =	vst v0  }
0x99: {  	[tilespmem:s0+$0xFFFFFF20] =	vst v0  }
0x9a: {  	[tilespmem:s0+$0xFFFFFF10] =	vst v0;
	s31 =	simm.s32 $0x5  }
0x9b: {  	_ =	swait.ge [sflag:s31], $0x80  }
0x9c: {  	[sflag:s31] =	ssyncset.done $0x0  }
0x9d: {  	[sflag:s31] =	ssyncadd.s32 $0xFFFFFF80  }
0x9e: {  	_ =	swait.ge [sflag:s31], $0x80  }
0x9f: {  	[sflag:s31] =	ssyncset.done $0x0  }
0xa0: {  	[sflag:s31] =	ssyncadd.s32 $0xFFFFFF80  }
0xa1: {  	v7 =	vld [tilespmem:$0x0]  }
0xa2: {  	v5 =	vld [tilespmem:$0x10]  }
0xa3: {  	v3 =	vld [tilespmem:$0x20]  }
0xa4: {  	v1 =	vld [tilespmem:$0x30]  }
0xa5: {  	v8 =	vld [tilespmem:$0x80]  }
0xa6: {  	v6 =	vld [tilespmem:$0x90]  }
0xa7: {  	v4 =	vld [tilespmem:$0xA0]  }
0xa8: {  	v2 =	vld [tilespmem:$0xB0];
	_ =	swait.ge [sflag:s23], $0x4000  }
0xa9: {  	[sflag:s23] =	ssyncset.done $0x0  }
0xaa: {  	s17 =	simm.s32 $0x300;
	[sflag:s23] =	ssyncadd.s32 $0xFFFFC000  }
0xab: {  	v9 =	vld [tilespmem:s17+$0xFFFFFF00]  }
0xac: {  	v10 =	vld [tilespmem:s17+$0xFFFFFE00]  }
0xad: {  	v12 =	vld [tilespmem:s17+$0xFFFFFE80]  }
0xae: {  	s13 =	simm.s32 $0x100;
	v14 =	vld [tilespmem:s17+$0x180]  }
0xaf: {  	s7 =	simm.s32 $0x0;
	v16 =	vld [tilespmem:s17+$0x100];
	v11 =	vadd.s32 s13, v8  }
0xb0: {  	s8 =	simm.s32 $0x80;
	v17 =	vld [tilespmem:s17+$0x80];
	v13 =	vadd.s32 s7, v8  }
0xb1: {  	s19 =	simm.s32 $0x300;
	v19 =	vld [tilespmem:s17+$0xFFFFFF80];
	v15 =	vadd.s32 s8, v8  }
0xb2: {  	s4 =	simm.s32 $0x380;
	s0 =	simm.s32 $0x700;
	v21 =	vld [tilespmem:s17+$0x0];
	v20 =	vadd.s32 s19, v8;
	v9 =	vmul.f32 v9, v7  }
0xb3: {  	v23 =	vld [tilespmem:s0+$0xFFFFFF00];
	v18 =	vadd.s32 s4, v8;
	v10 =	vmul.f32 v10, v7  }
0xb4: {  	s16 =	simm.s32 $0x180;
	v25 =	vld [tilespmem:s0+$0xFFFFFE80];
	[tilespmem:v11+s24+$0x0] =	vst.idx.msk $0xffff, v9;
	v9 =	vmul.f32 v12, v7  }
0xb5: {  	s11 =	simm.s32 $0x280;
	[tilespmem:v13+s24+$0x0] =	vst.idx.msk $0xffff, v10;
	v12 =	vmul.f32 v16, v7;
	v13 =	vadd.s32 s16, v8;
	v11 =	vld [tilespmem:s17+$0xFFFFFF10]  }
0xb6: {  	v10 =	vmul.f32 v14, v7;
	v14 =	vadd.s32 s11, v8;
	v16 =	vmul.f32 v19, v7;
	v19 =	vld [tilespmem:s0+$0x80];
	[tilespmem:v15+s24+$0x0] =	vst.idx.msk $0xffff, v9  }
0xb7: {  	v9 =	vld [tilespmem:s17+$0xFFFFFE10];
	[tilespmem:v20+s24+$0x0] =	vst.idx.msk $0xffff, v12;
	v12 =	vadd.s32 s13, v6  }
0xb8: {  	s14 =	simm.s32 $0x200;
	[tilespmem:v18+s24+$0x0] =	vst.idx.msk $0xffff, v10;
	v10 =	vld [tilespmem:s17+$0xFFFFFE90]  }
0xb9: {  	v17 =	vmul.f32 v17, v7;
	v20 =	vadd.s32 s14, v8;
	v15 =	vld [tilespmem:s17+$0x190]  }
0xba: {  	v18 =	vld [tilespmem:s17+$0x110];
	[tilespmem:v13+s24+$0x0] =	vst.idx.msk $0xffff, v16;
	v13 =	vadd.s32 s7, v6;
	v11 =	vmul.f32 v11, v5  }
0xbb: {  	[tilespmem:v14+s24+$0x0] =	vst.idx.msk $0xffff, v17;
	v17 =	vadd.s32 s8, v6;
	v14 =	vld [tilespmem:s17+$0xFFFFFF90]  }
0xbc: {  	v21 =	vmul.f32 v21, v7;
	v16 =	vld [tilespmem:s0+$0xFFFFFE00];
	[tilespmem:v12+s24+$0x0] =	vst.idx.msk $0xffff, v11;
	v11 =	vadd.s32 s4, v6  }
0xbd: {  	v24 =	vadd.s32 s16, v6;
	v9 =	vmul.f32 v9, v5;
	v22 =	vld [tilespmem:s17+$0xFFFFFF20]  }
0xbe: {  	v27 =	vadd.s32 s19, v6;
	[tilespmem:v20+s24+$0x0] =	vst.idx.msk $0xffff, v21;
	v12 =	vld [tilespmem:s17+$0x90];
	v26 =	vmul.f32 v10, v5  }
0xbf: {  	v21 =	vld [tilespmem:s17+$0x10];
	[tilespmem:v13+s24+$0x0] =	vst.idx.msk $0xffff, v9;
	v9 =	vmul.f32 v15, v5;
	v15 =	vadd.s32 s13, v4  }
0xc0: {  	s1 =	simm.s32 $0x500;
	v20 =	vadd.s32 s11, v6;
	v10 =	vld [tilespmem:s0+$0x0];
	[tilespmem:v17+s24+$0x0] =	vst.idx.msk $0xffff, v26;
	v14 =	vmul.f32 v14, v5  }
0xc1: {  	v18 =	vmul.f32 v18, v5;
	v13 =	vld [tilespmem:s0+$0xFFFFFF80];
	[tilespmem:v11+s24+$0x0] =	vst.idx.msk $0xffff, v9;
	v9 =	vadd.s32 s1, v8  }
0xc2: {  	s2 =	simm.s32 $0x680;
	v26 =	vld [tilespmem:s17+$0xFFFFFE20];
	[tilespmem:v24+s24+$0x0] =	vst.idx.msk $0xffff, v14;
	v14 =	vadd.s32 s14, v6;
	v11 =	vmul.f32 v22, v3  }
0xc3: {  	s9 =	simm.s32 $0x400;
	[tilespmem:v27+s24+$0x0] =	vst.idx.msk $0xffff, v18;
	v12 =	vmul.f32 v12, v5;
	v17 =	vld [tilespmem:s17+$0x1A0];
	v22 =	vadd.s32 s2, v8  }
0xc4: {  	[tilespmem:v15+s24+$0x0] =	vst.idx.msk $0xffff, v11;
	v11 =	vadd.s32 s9, v8;
	v15 =	vmul.f32 v23, v7;
	v23 =	vld [tilespmem:s17+$0xFFFFFEA0]  }
0xc5: {  	v18 =	vadd.s32 s4, v4;
	v24 =	vld [tilespmem:s0+$0x100];
	[tilespmem:v20+s24+$0x0] =	vst.idx.msk $0xffff, v12;
	v12 =	vmul.f32 v21, v5  }
0xc6: {  	s3 =	simm.s32 $0x700;
	[tilespmem:v9+s24+$0x0] =	vst.idx.msk $0xffff, v15;
	v9 =	vmul.f32 v19, v7;
	v15 =	vadd.s32 s8, v4;
	v19 =	vld [tilespmem:s17+$0x120]  }
0xc7: {  	v16 =	vmul.f32 v16, v7;
	v21 =	vadd.s32 s3, v8;
	v20 =	vld [tilespmem:s17+$0xA0];
	[tilespmem:v14+s24+$0x0] =	vst.idx.msk $0xffff, v12  }
0xc8: {  	s21 =	simm.s32 $0x480;
	v14 =	vld [tilespmem:s0+$0xFFFFFF10];
	v12 =	vmul.f32 v17, v3;
	[tilespmem:v22+s24+$0x0] =	vst.idx.msk $0xffff, v9;
	v9 =	vadd.s32 s19, v4  }
0xc9: {  	v17 =	vld [tilespmem:s17+$0x20];
	v22 =	vadd.s32 s21, v8;
	[tilespmem:v11+s24+$0x0] =	vst.idx.msk $0xffff, v16;
	v16 =	vmul.f32 v23, v3  }
0xca: {  	v11 =	vadd.s32 s7, v4;
	v23 =	vmul.f32 v24, v7;
	v24 =	vld [tilespmem:s0+$0x180];
	[tilespmem:v18+s24+$0x0] =	vst.idx.msk $0xffff, v12  }
0xcb: {  	s18 =	simm.s32 $0x780;
	v12 =	vadd.s32 s14, v4;
	v18 =	vld [tilespmem:s17+$0xFFFFFF30];
	[tilespmem:v15+s24+$0x0] =	vst.idx.msk $0xffff, v16;
	v15 =	vmul.f32 v19, v3  }
0xcc: {  	v29 =	vld [tilespmem:s0+$0xFFFFFE10];
	[tilespmem:v21+s24+$0x0] =	vst.idx.msk $0xffff, v23;
	v23 =	vmul.f32 v25, v7;
	v25 =	vadd.s32 s18, v8  }
0xcd: {  	s12 =	simm.s32 $0x580;
	v16 =	vmul.f32 v26, v3;
	v21 =	vadd.s32 s11, v4;
	v26 =	vld [tilespmem:s17+$0xFFFFFFA0];
	[tilespmem:v9+s24+$0x0] =	vst.idx.msk $0xffff, v15  }
0xce: {  	v27 =	vadd.s32 s12, v8;
	v19 =	vld [tilespmem:s17+$0x1B0];
	v9 =	vmul.f32 v17, v3;
	[tilespmem:v22+s24+$0x0] =	vst.idx.msk $0xffff, v23  }
0xcf: {  	v30 =	vadd.s32 s16, v4;
	[tilespmem:v11+s24+$0x0] =	vst.idx.msk $0xffff, v16;
	v28 =	vld [tilespmem:s17+$0x130];
	v17 =	vmul.f32 v24, v7  }
0xd0: {  	v16 =	vmul.f32 v20, v3;
	v20 =	vadd.s32 s13, v2;
	v15 =	vld [tilespmem:s17+$0xFFFFFE30];
	[tilespmem:v12+s24+$0x0] =	vst.idx.msk $0xffff, v9  }
0xd1: {  	v22 =	vmul.f32 v13, v7;
	v23 =	vadd.s32 s1, v6;
	v13 =	vld [tilespmem:s17+$0x30];
	[tilespmem:v25+s24+$0x0] =	vst.idx.msk $0xffff, v17;
	v25 =	vadd.s32 s4, v2  }
0xd2: {  	v11 =	vadd.s32 s7, v2;
	v24 =	vadd.s32 s19, v2;
	[tilespmem:v21+s24+$0x0] =	vst.idx.msk $0xffff, v16;
	v17 =	vld [tilespmem:s17+$0xFFFFFEB0];
	v31 =	vmul.f32 v26, v3  }
0xd3: {  	s7 =	simm.s32 $0x600;
	v9 =	vadd.s32 s9, v2;
	[tilespmem:v27+s24+$0x0] =	vst.idx.msk $0xffff, v22;
	v22 =	vadd.s32 s14, v2;
	v21 =	vmul.f32 v18, v1;
	v18 =	vld [tilespmem:s17+$0xB0]  }
0xd4: {  	v12 =	vadd.s32 s7, v8;
	v16 =	vmul.f32 v14, v5;
	v27 =	vmul.f32 v19, v1;
	v14 =	vld [tilespmem:s0+$0xFFFFFE90];
	[tilespmem:v30+s24+$0x0] =	vst.idx.msk $0xffff, v31  }
0xd5: {  	s22 =	simm.s32 $0x10;
	s30 =	simm.s32 $0xB00;
	v19 =	vld [tilespmem:s0+$0x190];
	v26 =	vmul.f32 v28, v1;
	[tilespmem:v20+s24+$0x0] =	vst.idx.msk $0xffff, v21;
	v20 =	vmul.f32 v29, v5;
	v21 =	vadd.s32 s9, v6  }
.LBB2_6:
0xd6: {  	s14 =	sshll.u32 s22, $0x7;
	p0 =	slt.u32 s22, $0x78;
	s22 =	sadd.s32 $0x8, s22;
	v28 =	vadd.s32 s8, v2;
	v29 =	vld [tilespmem:s17+$0xFFFFFFB0];
	v30 =	vmul.f32 v13, v1;
	v31 =	vadd.s32 s11, v2;
	[tilespmem:v25+s24+$0x0] =	vst.idx.msk $0xffff, v27  }
0xd7: {  	v32 =	vadd.s32 s16, v2;
	v25 =	vadd.s32 s14, v2;
	s11 =	sadd.s32 $0x80, s14;
	s13 =	sadd.s32 $0x100, s14;
	s15 =	sadd.s32 $0x280, s14;
	v27 =	vld [tilespmem:s0+$0x110];
	[tilespmem:v24+s24+$0x0] =	vst.idx.msk $0xffff, v26  }
0xd8: {  	s4 =	sadd.s32 $0x200, s14;
	s19 =	sadd.s32 $0x300, s14;
	s20 =	sadd.s32 $0x380, s14;
	v13 =	vadd.s32 s11, v8;
	v24 =	vadd.s32 s13, v8;
	v26 =	vld [tilespmem:s30+$0x80];
	[tilespmem:v22+s24+$0x0] =	vst.idx.msk $0xffff, v30;
	v18 =	vmul.f32 v18, v1  }
0xd9: {  	v15 =	vmul.f32 v15, v1;
	s8 =	smov.u32 s21;
	s17 =	sadd.s32 $0x180, s14;
	v30 =	vadd.s32 s14, v8;
	s21 =	smov.u32 s11;
	v22 =	vld [tilespmem:s30+$0xFFFFFE00];
	[tilespmem:v23+s24+$0x0] =	vst.idx.msk $0xffff, v16  }
0xda: {  	s16 =	smov.u32 s12;
	v17 =	vmul.f32 v17, v1;
	s11 =	smov.u32 s2;
	s2 =	smov.u32 s15;
	[tilespmem:v21+s24+$0x0] =	vst.idx.msk $0xffff, v20;
	v16 =	vld [tilespmem:s0+$0xFFFFFF90];
	v20 =	vadd.s32 s18, v6  }
0xdb: {  	s12 =	smov.u32 s17;
	s17 =	smov.u32 s0;
	v21 =	vadd.s32 s2, v8;
	v19 =	vmul.f32 v19, v5;
	v23 =	vld [tilespmem:s0+$0x90];
	[tilespmem:v11+s24+$0x0] =	vst.idx.msk $0xffff, v15;
	v15 =	vmul.f32 v29, v1;
	s0 =	smov.u32 s30  }
0xdc: {  	v29 =	vadd.s32 s8, v6;
	v11 =	vmovc v9;
	v9 =	vmov v25;
	v33 =	vld [tilespmem:s17+$0xFFFFFF20];
	v27 =	vmul.f32 v27, v5;
	[tilespmem:v28+s24+$0x0] =	vst.idx.msk $0xffff, v17  }
0xdd: {  	v10 =	vmul.f32 v10, v7;
	v25 =	vadd.s32 s16, v6;
	v17 =	vld [tilespmem:s30+$0xFFFFFF00];
	[tilespmem:v32+s24+$0x0] =	vst.idx.msk $0xffff, v15  }
0xde: {  	v28 =	vadd.s32 s1, v4;
	v15 =	vld [tilespmem:s30+$0xFFFFFF80];
	[tilespmem:v31+s24+$0x0] =	vst.idx.msk $0xffff, v18  }
0xdf: {  	v14 =	vmul.f32 v14, v5;
	v31 =	vadd.s32 s11, v6;
	v18 =	vld [tilespmem:s30+$0xFFFFFE80];
	[tilespmem:v12+s24+$0x0] =	vst.idx.msk $0xffff, v10  }
0xe0: {  	v32 =	vadd.s32 s3, v6;
	v12 =	vmul.f32 v16, v5;
	v16 =	vld [tilespmem:s17+$0x10];
	[tilespmem:v20+s24+$0x0] =	vst.idx.msk $0xffff, v19  }
0xe1: {  	v10 =	vld [tilespmem:s30+$0x0];
	[tilespmem:v29+s24+$0x0] =	vst.idx.msk $0xffff, v14;
	v14 =	vmul.f32 v33, v3  }
0xe2: {  	v19 =	vadd.s32 s7, v6;
	v20 =	vmul.f32 v23, v5;
	[tilespmem:v25+s24+$0x0] =	vst.idx.msk $0xffff, v12;
	v23 =	vld [tilespmem:s17+$0x1A0]  }
0xe3: {  	v25 =	vld [tilespmem:s30+$0x100];
	[tilespmem:v28+s24+$0x0] =	vst.idx.msk $0xffff, v14  }
0xe4: {  	v12 =	vadd.s32 s4, v8;
	v14 =	vmul.f32 v17, v7;
	v17 =	vld [tilespmem:s17+$0xFFFFFEA0];
	[tilespmem:v31+s24+$0x0] =	vst.idx.msk $0xffff, v20  }
0xe5: {  	v20 =	vmul.f32 v22, v7;
	v16 =	vmul.f32 v16, v5;
	v22 =	vld [tilespmem:s17+$0xA0];
	[tilespmem:v32+s24+$0x0] =	vst.idx.msk $0xffff, v27;
	v27 =	vadd.s32 s18, v4  }
0xe6: {  	[tilespmem:v24+s24+$0x0] =	vst.idx.msk $0xffff, v14;
	v14 =	vmul.f32 v26, v7;
	v24 =	vadd.s32 s8, v4;
	v26 =	vld [tilespmem:s17+$0x120]  }
0xe7: {  	v28 =	vmul.f32 v15, v7;
	v15 =	vadd.s32 s19, v8;
	v29 =	vld [tilespmem:s17+$0xFFFFFE20];
	[tilespmem:v19+s24+$0x0] =	vst.idx.msk $0xffff, v16  }
0xe8: {  	v19 =	vadd.s32 s3, v4;
	v16 =	vld [tilespmem:s30+$0xFFFFFF10];
	[tilespmem:v21+s24+$0x0] =	vst.idx.msk $0xffff, v14;
	v14 =	vmul.f32 v25, v7;
	v21 =	vmul.f32 v23, v3  }
0xe9: {  	v18 =	vmul.f32 v18, v7;
	[tilespmem:v30+s24+$0x0] =	vst.idx.msk $0xffff, v20;
	v20 =	vadd.s32 s9, v4;
	v17 =	vmul.f32 v17, v3;
	v23 =	vld [tilespmem:s17+$0x20];
	s9 =	smov.u32 s14  }
0xea: {  	v25 =	vld [tilespmem:s30+$0x180];
	[tilespmem:v27+s24+$0x0] =	vst.idx.msk $0xffff, v21  }
0xeb: {  	[tilespmem:v24+s24+$0x0] =	vst.idx.msk $0xffff, v17;
	v17 =	vadd.s32 s7, v4;
	v21 =	vmul.f32 v26, v3;
	v26 =	vld [tilespmem:s17+$0x1B0]  }
0xec: {  	v27 =	vadd.s32 s11, v4;
	[tilespmem:v15+s24+$0x0] =	vst.idx.msk $0xffff, v14;
	v14 =	vmul.f32 v29, v3;
	v24 =	vld [tilespmem:s17+$0xFFFFFF30]  }
0xed: {  	v22 =	vmul.f32 v22, v3;
	v29 =	vadd.s32 s20, v8;
	v30 =	vld [tilespmem:s17+$0xFFFFFFA0];
	[tilespmem:v19+s24+$0x0] =	vst.idx.msk $0xffff, v21  }
0xee: {  	v19 =	vadd.s32 s12, v8;
	[tilespmem:v20+s24+$0x0] =	vst.idx.msk $0xffff, v14;
	v14 =	vmul.f32 v23, v3;
	v20 =	vld [tilespmem:s17+$0x130]  }
0xef: {  	v21 =	vadd.s32 s1, v2;
	s1 =	smov.u32 s13;
	[tilespmem:v13+s24+$0x0] =	vst.idx.msk $0xffff, v18;
	v15 =	vld [tilespmem:s17+$0xFFFFFE30]  }
0xf0: {  	v32 =	vadd.s32 s16, v4;
	v16 =	vmul.f32 v16, v5;
	v18 =	vmul.f32 v25, v7;
	v31 =	vld [tilespmem:s30+$0xFFFFFE10];
	[tilespmem:v17+s24+$0x0] =	vst.idx.msk $0xffff, v14  }
.Ltmp2:
0xf1: {  	v25 =	vadd.s32 s18, v2;
	s18 =	smov.u32 s20;
	v33 =	vmul.f32 v24, v1;
	v13 =	vld [tilespmem:s17+$0x30];
	[tilespmem:v27+s24+$0x0] =	vst.idx.msk $0xffff, v22;
	(pc) =	sbr.rel @p0 .LBB2_6-.Ltmp2, $4  }
0xf2: {  	v24 =	vadd.s32 s3, v2;
	v27 =	vmul.f32 v26, v1;
	s3 =	smov.u32 s19;
	[tilespmem:v29+s24+$0x0] =	vst.idx.msk $0xffff, v18;
	v17 =	vld [tilespmem:s17+$0xFFFFFEB0];
	v29 =	vmul.f32 v30, v3  }
0xf3: {  	v22 =	vadd.s32 s7, v2;
	s7 =	smov.u32 s4;
	[tilespmem:v19+s24+$0x0] =	vst.idx.msk $0xffff, v28;
	v18 =	vld [tilespmem:s17+$0xB0];
	v26 =	vmul.f32 v20, v1  }
0xf4: {  	v23 =	vadd.s32 s1, v6;
	v14 =	vld [tilespmem:s30+$0xFFFFFE90];
	[tilespmem:v21+s24+$0x0] =	vst.idx.msk $0xffff, v33  }
0xf5: {  	v21 =	vadd.s32 s9, v6;
	s30 =	sadd.s32 $0x400, s30;
	v20 =	vmul.f32 v31, v5;
	v19 =	vld [tilespmem:s0+$0x190];
	[tilespmem:v32+s24+$0x0] =	vst.idx.msk $0xffff, v29  }
0xf6: {  	_ =	sdelay $0x3  }
0xf7: {  	v13 =	vmul.f32 v13, v1;
	[tilespmem:v25+s24+$0x0] =	vst.idx.msk $0xffff, v27  }
0xf8: {  	v25 =	vld [tilespmem:s17+$0xFFFFFFB0];
	[tilespmem:v24+s24+$0x0] =	vst.idx.msk $0xffff, v26;
	v10 =	vmul.f32 v10, v7  }
0xf9: {  	v24 =	vadd.s32 s8, v2;
	[tilespmem:v22+s24+$0x0] =	vst.idx.msk $0xffff, v13  }
0xfa: {  	v13 =	vld [tilespmem:s0+$0x110];
	v22 =	vadd.s32 s16, v2;
	[tilespmem:v12+s24+$0x0] =	vst.idx.msk $0xffff, v10  }
0xfb: {  	[tilespmem:v23+s24+$0x0] =	vst.idx.msk $0xffff, v16;
	v10 =	vmul.f32 v15, v1;
	v12 =	vadd.s32 s18, v6;
	v15 =	vld [tilespmem:s0+$0x10]  }
0xfc: {  	[tilespmem:v21+s24+$0x0] =	vst.idx.msk $0xffff, v20;
	v16 =	vmul.f32 v17, v1;
	v17 =	vadd.s32 s3, v6  }
0xfd: {  	[tilespmem:v11+s24+$0x0] =	vst.idx.msk $0xffff, v10;
	v11 =	vadd.s32 s7, v6;
	v10 =	vmul.f32 v25, v1  }
0xfe: {  	v20 =	vadd.s32 s11, v2;
	v21 =	vld [tilespmem:s0+$0xFFFFFF90];
	v19 =	vmul.f32 v19, v5;
	[tilespmem:v24+s24+$0x0] =	vst.idx.msk $0xffff, v16  }
0xff: {  	v23 =	vadd.s32 s21, v6;
	v16 =	vld [tilespmem:s0+$0x90];
	v13 =	vmul.f32 v13, v5;
	[tilespmem:v22+s24+$0x0] =	vst.idx.msk $0xffff, v10  }
0x100: {  	v10 =	vld [tilespmem:s0+$0xFFFFFF20];
	v22 =	vadd.s32 s12, v6;
	[tilespmem:v12+s24+$0x0] =	vst.idx.msk $0xffff, v19;
	v12 =	vmul.f32 v15, v5  }
0x101: {  	v15 =	vmul.f32 v18, v1;
	v18 =	vadd.s32 s2, v6;
	v19 =	vld [tilespmem:s0+$0x1A0];
	[tilespmem:v17+s24+$0x0] =	vst.idx.msk $0xffff, v13  }
0x102: {  	v14 =	vmul.f32 v14, v5;
	v13 =	vadd.s32 s1, v4;
	v17 =	vld [tilespmem:s0+$0x120];
	[tilespmem:v11+s24+$0x0] =	vst.idx.msk $0xffff, v12  }
0x103: {  	[tilespmem:v20+s24+$0x0] =	vst.idx.msk $0xffff, v15;
	v11 =	vmul.f32 v21, v5;
	v12 =	vadd.s32 s18, v4;
	v15 =	vld [tilespmem:s0+$0x20]  }
0x104: {  	[tilespmem:v23+s24+$0x0] =	vst.idx.msk $0xffff, v14;
	v14 =	vmul.f32 v16, v5;
	v16 =	vld [tilespmem:s0+$0xFFFFFE20];
	v20 =	vadd.s32 s3, v4  }
0x105: {  	v21 =	vadd.s32 s7, v4;
	v10 =	vmul.f32 v10, v3;
	[tilespmem:v22+s24+$0x0] =	vst.idx.msk $0xffff, v11;
	v11 =	vld [tilespmem:s0+$0xFFFFFEA0]  }
0x106: {  	[tilespmem:v18+s24+$0x0] =	vst.idx.msk $0xffff, v14;
	v14 =	vmul.f32 v19, v3;
	v18 =	vadd.s32 s9, v4;
	v19 =	vld [tilespmem:s0+$0xFFFFFFA0]  }
0x107: {  	[tilespmem:v13+s24+$0x0] =	vst.idx.msk $0xffff, v10;
	v10 =	vld [tilespmem:s0+$0xA0];
	v13 =	vadd.s32 s21, v4;
	v17 =	vmul.f32 v17, v3  }
0x108: {  	[tilespmem:v12+s24+$0x0] =	vst.idx.msk $0xffff, v14;
	v12 =	vld [tilespmem:s0+$0xFFFFFF30];
	v14 =	vmul.f32 v15, v3;
	v15 =	vadd.s32 s12, v4  }
0x109: {  	v23 =	vadd.s32 s2, v4;
	v16 =	vmul.f32 v16, v3;
	v22 =	vld [tilespmem:s0+$0x1B0];
	[tilespmem:v20+s24+$0x0] =	vst.idx.msk $0xffff, v17  }
0x10a: {  	v11 =	vmul.f32 v11, v3;
	v20 =	vadd.s32 s1, v2;
	v17 =	vld [tilespmem:s0+$0x130];
	[tilespmem:v21+s24+$0x0] =	vst.idx.msk $0xffff, v14  }
0x10b: {  	[tilespmem:v18+s24+$0x0] =	vst.idx.msk $0xffff, v16;
	v16 =	vadd.s32 s18, v2;
	v18 =	vmul.f32 v19, v3;
	v14 =	vld [tilespmem:s0+$0x30]  }
0x10c: {  	[tilespmem:v13+s24+$0x0] =	vst.idx.msk $0xffff, v11;
	v10 =	vmul.f32 v10, v3;
	v11 =	vld [tilespmem:s0+$0xFFFFFE30];
	v13 =	vadd.s32 s3, v2  }
0x10d: {  	v21 =	vadd.s32 s7, v2;
	v12 =	vmul.f32 v12, v1;
	v19 =	vld [tilespmem:s0+$0xFFFFFEB0];
	[tilespmem:v15+s24+$0x0] =	vst.idx.msk $0xffff, v18  }
0x10e: {  	[tilespmem:v23+s24+$0x0] =	vst.idx.msk $0xffff, v10;
	v10 =	vmul.f32 v22, v1;
	v15 =	vld [tilespmem:s0+$0xFFFFFFB0]  }
0x10f: {  	v18 =	vld [tilespmem:s0+$0xB0];
	[tilespmem:v20+s24+$0x0] =	vst.idx.msk $0xffff, v12;
	v12 =	vadd.s32 s21, v2;
	v17 =	vmul.f32 v17, v1  }
0x110: {  	[tilespmem:v16+s24+$0x0] =	vst.idx.msk $0xffff, v10;
	v10 =	vadd.s32 s12, v2;
	v14 =	vmul.f32 v14, v1  }
0x111: {  	v16 =	vadd.s32 s2, v2;
	v11 =	vmul.f32 v11, v1;
	[tilespmem:v13+s24+$0x0] =	vst.idx.msk $0xffff, v17  }
0x112: {  	v13 =	vmul.f32 v19, v1;
	[tilespmem:v21+s24+$0x0] =	vst.idx.msk $0xffff, v14  }
0x113: {  	[tilespmem:v9+s24+$0x0] =	vst.idx.msk $0xffff, v11;
	v9 =	vmul.f32 v15, v1  }
0x114: {  	v11 =	vmul.f32 v18, v1;
	[tilespmem:v12+s24+$0x0] =	vst.idx.msk $0xffff, v13  }
0x115: {  	[tilespmem:v10+s24+$0x0] =	vst.idx.msk $0xffff, v9  }
0x116: {  	[tilespmem:v16+s24+$0x0] =	vst.idx.msk $0xffff, v11  }
0x117: {  	s19 =	simm.s32 $0x0;
	s21 =	simm.s32 $0x100;
	s20 =	rddreg [dreg:$0x7]  }
0x118: {  	[tilespmem:s21], [sflag:$0x1] =	stream.linear.gather [hbm4b:s20+s19], $0x4000, $0x38;
	[tilespmem:$0x10100] =	vst v63  }
0x119: {  	s22 =	rddreg [dreg:$0x8]  }
0x11a: {  	[hbm4b:s22+s19] =	stream.linear.scatter [tilespmem:s24], [sflag:$0x3], $0x4000, $0x38;
	[tilespmem:$0x10100] =	vst v63  }
0x11b: {  	_ =	swait.ge [sflag:s25], $0x4000  }
0x11c: {  	[sflag:s25] =	ssyncset.done $0x0  }
0x11d: {  	s17 =	simm.s32 $0x4300;
	[sflag:s25] =	ssyncadd.s32 $0xFFFFC000  }
0x11e: {  	v9 =	vld [tilespmem:s17+$0xFFFFFF00]  }
0x11f: {  	v10 =	vld [tilespmem:s17+$0xFFFFFE00]  }
0x120: {  	v12 =	vld [tilespmem:s17+$0xFFFFFE80]  }
0x121: {  	s13 =	simm.s32 $0x100;
	v14 =	vld [tilespmem:s17+$0x180]  }
0x122: {  	s31 =	simm.s32 $0x0;
	v11 =	vadd.s32 s13, v8;
	v16 =	vld [tilespmem:s17+$0x100]  }
0x123: {  	s8 =	simm.s32 $0x80;
	v13 =	vadd.s32 s31, v8;
	v17 =	vld [tilespmem:s17+$0x80]  }
0x124: {  	v15 =	vadd.s32 s8, v8;
	s19 =	simm.s32 $0x300;
	v19 =	vld [tilespmem:s17+$0xFFFFFF80]  }
0x125: {  	s4 =	simm.s32 $0x380;
	s0 =	simm.s32 $0x4700;
	v20 =	vadd.s32 s19, v8;
	v21 =	vld [tilespmem:s17+$0x0];
	v9 =	vmul.f32 v9, v7  }
0x126: {  	v18 =	vadd.s32 s4, v8;
	v23 =	vld [tilespmem:s0+$0xFFFFFF00];
	v10 =	vmul.f32 v10, v7  }
0x127: {  	s16 =	simm.s32 $0x180;
	v25 =	vld [tilespmem:s0+$0xFFFFFE80];
	[tilespmem:v11+s26+$0x0] =	vst.idx.msk $0xffff, v9;
	v9 =	vmul.f32 v12, v7  }
0x128: {  	s11 =	simm.s32 $0x280;
	[tilespmem:v13+s26+$0x0] =	vst.idx.msk $0xffff, v10;
	v12 =	vmul.f32 v16, v7;
	v13 =	vadd.s32 s16, v8;
	v11 =	vld [tilespmem:s17+$0xFFFFFF10]  }
0x129: {  	v10 =	vmul.f32 v14, v7;
	v14 =	vadd.s32 s11, v8;
	v16 =	vmul.f32 v19, v7;
	v19 =	vld [tilespmem:s0+$0x80];
	[tilespmem:v15+s26+$0x0] =	vst.idx.msk $0xffff, v9  }
0x12a: {  	v9 =	vld [tilespmem:s17+$0xFFFFFE10];
	[tilespmem:v20+s26+$0x0] =	vst.idx.msk $0xffff, v12;
	v12 =	vadd.s32 s13, v6  }
0x12b: {  	s14 =	simm.s32 $0x200;
	[tilespmem:v18+s26+$0x0] =	vst.idx.msk $0xffff, v10;
	v10 =	vld [tilespmem:s17+$0xFFFFFE90]  }
0x12c: {  	v17 =	vmul.f32 v17, v7;
	v20 =	vadd.s32 s14, v8;
	v15 =	vld [tilespmem:s17+$0x190]  }
0x12d: {  	v18 =	vld [tilespmem:s17+$0x110];
	[tilespmem:v13+s26+$0x0] =	vst.idx.msk $0xffff, v16;
	v13 =	vadd.s32 s31, v6;
	v11 =	vmul.f32 v11, v5  }
0x12e: {  	[tilespmem:v14+s26+$0x0] =	vst.idx.msk $0xffff, v17;
	v17 =	vadd.s32 s8, v6;
	v14 =	vld [tilespmem:s17+$0xFFFFFF90]  }
0x12f: {  	v21 =	vmul.f32 v21, v7;
	v16 =	vld [tilespmem:s0+$0xFFFFFE00];
	[tilespmem:v12+s26+$0x0] =	vst.idx.msk $0xffff, v11;
	v11 =	vadd.s32 s4, v6  }
0x130: {  	v24 =	vadd.s32 s16, v6;
	v9 =	vmul.f32 v9, v5;
	v22 =	vld [tilespmem:s17+$0xFFFFFF20]  }
0x131: {  	v27 =	vadd.s32 s19, v6;
	[tilespmem:v20+s26+$0x0] =	vst.idx.msk $0xffff, v21;
	v12 =	vld [tilespmem:s17+$0x90];
	v26 =	vmul.f32 v10, v5  }
0x132: {  	v21 =	vld [tilespmem:s17+$0x10];
	[tilespmem:v13+s26+$0x0] =	vst.idx.msk $0xffff, v9;
	v9 =	vmul.f32 v15, v5;
	v15 =	vadd.s32 s13, v4  }
0x133: {  	s1 =	simm.s32 $0x500;
	v20 =	vadd.s32 s11, v6;
	v10 =	vld [tilespmem:s0+$0x0];
	[tilespmem:v17+s26+$0x0] =	vst.idx.msk $0xffff, v26;
	v14 =	vmul.f32 v14, v5  }
0x134: {  	v18 =	vmul.f32 v18, v5;
	v13 =	vld [tilespmem:s0+$0xFFFFFF80];
	[tilespmem:v11+s26+$0x0] =	vst.idx.msk $0xffff, v9;
	v9 =	vadd.s32 s1, v8  }
0x135: {  	s2 =	simm.s32 $0x680;
	v26 =	vld [tilespmem:s17+$0xFFFFFE20];
	[tilespmem:v24+s26+$0x0] =	vst.idx.msk $0xffff, v14;
	v14 =	vadd.s32 s14, v6;
	v11 =	vmul.f32 v22, v3  }
0x136: {  	s9 =	simm.s32 $0x400;
	[tilespmem:v27+s26+$0x0] =	vst.idx.msk $0xffff, v18;
	v12 =	vmul.f32 v12, v5;
	v17 =	vld [tilespmem:s17+$0x1A0];
	v22 =	vadd.s32 s2, v8  }
0x137: {  	[tilespmem:v15+s26+$0x0] =	vst.idx.msk $0xffff, v11;
	v11 =	vadd.s32 s9, v8;
	v15 =	vmul.f32 v23, v7;
	v23 =	vld [tilespmem:s17+$0xFFFFFEA0]  }
0x138: {  	v18 =	vadd.s32 s4, v4;
	v24 =	vld [tilespmem:s0+$0x100];
	[tilespmem:v20+s26+$0x0] =	vst.idx.msk $0xffff, v12;
	v12 =	vmul.f32 v21, v5  }
0x139: {  	s3 =	simm.s32 $0x700;
	[tilespmem:v9+s26+$0x0] =	vst.idx.msk $0xffff, v15;
	v9 =	vmul.f32 v19, v7;
	v15 =	vadd.s32 s8, v4;
	v19 =	vld [tilespmem:s17+$0x120]  }
0x13a: {  	v16 =	vmul.f32 v16, v7;
	v21 =	vadd.s32 s3, v8;
	v20 =	vld [tilespmem:s17+$0xA0];
	[tilespmem:v14+s26+$0x0] =	vst.idx.msk $0xffff, v12  }
0x13b: {  	s21 =	simm.s32 $0x480;
	v14 =	vld [tilespmem:s0+$0xFFFFFF10];
	v12 =	vmul.f32 v17, v3;
	[tilespmem:v22+s26+$0x0] =	vst.idx.msk $0xffff, v9;
	v9 =	vadd.s32 s19, v4  }
0x13c: {  	v17 =	vld [tilespmem:s17+$0x20];
	v22 =	vadd.s32 s21, v8;
	[tilespmem:v11+s26+$0x0] =	vst.idx.msk $0xffff, v16;
	v16 =	vmul.f32 v23, v3  }
0x13d: {  	v11 =	vadd.s32 s31, v4;
	v23 =	vmul.f32 v24, v7;
	v24 =	vld [tilespmem:s0+$0x180];
	[tilespmem:v18+s26+$0x0] =	vst.idx.msk $0xffff, v12  }
0x13e: {  	s18 =	simm.s32 $0x780;
	v12 =	vadd.s32 s14, v4;
	v18 =	vld [tilespmem:s17+$0xFFFFFF30];
	[tilespmem:v15+s26+$0x0] =	vst.idx.msk $0xffff, v16;
	v15 =	vmul.f32 v19, v3  }
0x13f: {  	v29 =	vld [tilespmem:s0+$0xFFFFFE10];
	[tilespmem:v21+s26+$0x0] =	vst.idx.msk $0xffff, v23;
	v23 =	vmul.f32 v25, v7;
	v25 =	vadd.s32 s18, v8  }
0x140: {  	s12 =	simm.s32 $0x580;
	v16 =	vmul.f32 v26, v3;
	v21 =	vadd.s32 s11, v4;
	v26 =	vld [tilespmem:s17+$0xFFFFFFA0];
	[tilespmem:v9+s26+$0x0] =	vst.idx.msk $0xffff, v15  }
0x141: {  	v27 =	vadd.s32 s12, v8;
	v19 =	vld [tilespmem:s17+$0x1B0];
	v9 =	vmul.f32 v17, v3;
	[tilespmem:v22+s26+$0x0] =	vst.idx.msk $0xffff, v23  }
0x142: {  	v30 =	vadd.s32 s16, v4;
	[tilespmem:v11+s26+$0x0] =	vst.idx.msk $0xffff, v16;
	v28 =	vld [tilespmem:s17+$0x130];
	v17 =	vmul.f32 v24, v7  }
0x143: {  	v16 =	vmul.f32 v20, v3;
	v20 =	vadd.s32 s13, v2;
	v15 =	vld [tilespmem:s17+$0xFFFFFE30];
	[tilespmem:v12+s26+$0x0] =	vst.idx.msk $0xffff, v9  }
0x144: {  	v22 =	vmul.f32 v13, v7;
	v23 =	vadd.s32 s1, v6;
	v13 =	vld [tilespmem:s17+$0x30];
	[tilespmem:v25+s26+$0x0] =	vst.idx.msk $0xffff, v17;
	v25 =	vadd.s32 s4, v2  }
0x145: {  	v11 =	vadd.s32 s31, v2;
	v24 =	vadd.s32 s19, v2;
	[tilespmem:v21+s26+$0x0] =	vst.idx.msk $0xffff, v16;
	v17 =	vld [tilespmem:s17+$0xFFFFFEB0];
	v31 =	vmul.f32 v26, v3  }
0x146: {  	s7 =	simm.s32 $0x600;
	v9 =	vadd.s32 s9, v2;
	[tilespmem:v27+s26+$0x0] =	vst.idx.msk $0xffff, v22;
	v22 =	vadd.s32 s14, v2;
	v21 =	vmul.f32 v18, v1;
	v18 =	vld [tilespmem:s17+$0xB0]  }
0x147: {  	v12 =	vadd.s32 s7, v8;
	v16 =	vmul.f32 v14, v5;
	v27 =	vmul.f32 v19, v1;
	v14 =	vld [tilespmem:s0+$0xFFFFFE90];
	[tilespmem:v30+s26+$0x0] =	vst.idx.msk $0xffff, v31  }
0x148: {  	s30 =	simm.s32 $0x4B00;
	s22 =	simm.s32 $0x10;
	v19 =	vld [tilespmem:s0+$0x190];
	v26 =	vmul.f32 v28, v1;
	[tilespmem:v20+s26+$0x0] =	vst.idx.msk $0xffff, v21;
	v20 =	vmul.f32 v29, v5;
	v21 =	vadd.s32 s9, v6  }
.LBB2_8:
0x149: {  	s14 =	sshll.u32 s22, $0x7;
	p0 =	slt.u32 s22, $0x78;
	s22 =	sadd.s32 $0x8, s22;
	v28 =	vadd.s32 s8, v2;
	v29 =	vld [tilespmem:s17+$0xFFFFFFB0];
	v30 =	vmul.f32 v13, v1;
	v31 =	vadd.s32 s11, v2;
	[tilespmem:v25+s26+$0x0] =	vst.idx.msk $0xffff, v27  }
0x14a: {  	v32 =	vadd.s32 s16, v2;
	v25 =	vadd.s32 s14, v2;
	s11 =	sadd.s32 $0x80, s14;
	s13 =	sadd.s32 $0x100, s14;
	s15 =	sadd.s32 $0x280, s14;
	v27 =	vld [tilespmem:s0+$0x110];
	[tilespmem:v24+s26+$0x0] =	vst.idx.msk $0xffff, v26  }
0x14b: {  	s4 =	sadd.s32 $0x200, s14;
	s19 =	sadd.s32 $0x300, s14;
	s20 =	sadd.s32 $0x380, s14;
	v13 =	vadd.s32 s11, v8;
	v24 =	vadd.s32 s13, v8;
	v26 =	vld [tilespmem:s30+$0x80];
	[tilespmem:v22+s26+$0x0] =	vst.idx.msk $0xffff, v30;
	v18 =	vmul.f32 v18, v1  }
0x14c: {  	v15 =	vmul.f32 v15, v1;
	s8 =	smov.u32 s21;
	s17 =	sadd.s32 $0x180, s14;
	v30 =	vadd.s32 s14, v8;
	s21 =	smov.u32 s11;
	v22 =	vld [tilespmem:s30+$0xFFFFFE00];
	[tilespmem:v23+s26+$0x0] =	vst.idx.msk $0xffff, v16  }
0x14d: {  	s16 =	smov.u32 s12;
	v17 =	vmul.f32 v17, v1;
	s11 =	smov.u32 s2;
	s2 =	smov.u32 s15;
	[tilespmem:v21+s26+$0x0] =	vst.idx.msk $0xffff, v20;
	v16 =	vld [tilespmem:s0+$0xFFFFFF90];
	v20 =	vadd.s32 s18, v6  }
0x14e: {  	s12 =	smov.u32 s17;
	s17 =	smov.u32 s0;
	v21 =	vadd.s32 s2, v8;
	v19 =	vmul.f32 v19, v5;
	v23 =	vld [tilespmem:s0+$0x90];
	[tilespmem:v11+s26+$0x0] =	vst.idx.msk $0xffff, v15;
	v15 =	vmul.f32 v29, v1;
	s0 =	smov.u32 s30  }
0x14f: {  	v29 =	vadd.s32 s8, v6;
	v11 =	vmovc v9;
	v9 =	vmov v25;
	v33 =	vld [tilespmem:s17+$0xFFFFFF20];
	v27 =	vmul.f32 v27, v5;
	[tilespmem:v28+s26+$0x0] =	vst.idx.msk $0xffff, v17  }
0x150: {  	v10 =	vmul.f32 v10, v7;
	v25 =	vadd.s32 s16, v6;
	v17 =	vld [tilespmem:s30+$0xFFFFFF00];
	[tilespmem:v32+s26+$0x0] =	vst.idx.msk $0xffff, v15  }
0x151: {  	v28 =	vadd.s32 s1, v4;
	v15 =	vld [tilespmem:s30+$0xFFFFFF80];
	[tilespmem:v31+s26+$0x0] =	vst.idx.msk $0xffff, v18  }
0x152: {  	v14 =	vmul.f32 v14, v5;
	v31 =	vadd.s32 s11, v6;
	v18 =	vld [tilespmem:s30+$0xFFFFFE80];
	[tilespmem:v12+s26+$0x0] =	vst.idx.msk $0xffff, v10  }
0x153: {  	v32 =	vadd.s32 s3, v6;
	v12 =	vmul.f32 v16, v5;
	v16 =	vld [tilespmem:s17+$0x10];
	[tilespmem:v20+s26+$0x0] =	vst.idx.msk $0xffff, v19  }
0x154: {  	v10 =	vld [tilespmem:s30+$0x0];
	[tilespmem:v29+s26+$0x0] =	vst.idx.msk $0xffff, v14;
	v14 =	vmul.f32 v33, v3  }
0x155: {  	v19 =	vadd.s32 s7, v6;
	v20 =	vmul.f32 v23, v5;
	[tilespmem:v25+s26+$0x0] =	vst.idx.msk $0xffff, v12;
	v23 =	vld [tilespmem:s17+$0x1A0]  }
0x156: {  	v25 =	vld [tilespmem:s30+$0x100];
	[tilespmem:v28+s26+$0x0] =	vst.idx.msk $0xffff, v14  }
0x157: {  	v12 =	vadd.s32 s4, v8;
	v14 =	vmul.f32 v17, v7;
	v17 =	vld [tilespmem:s17+$0xFFFFFEA0];
	[tilespmem:v31+s26+$0x0] =	vst.idx.msk $0xffff, v20  }
0x158: {  	v20 =	vmul.f32 v22, v7;
	v16 =	vmul.f32 v16, v5;
	v22 =	vld [tilespmem:s17+$0xA0];
	[tilespmem:v32+s26+$0x0] =	vst.idx.msk $0xffff, v27;
	v27 =	vadd.s32 s18, v4  }
0x159: {  	[tilespmem:v24+s26+$0x0] =	vst.idx.msk $0xffff, v14;
	v14 =	vmul.f32 v26, v7;
	v24 =	vadd.s32 s8, v4;
	v26 =	vld [tilespmem:s17+$0x120]  }
0x15a: {  	v28 =	vmul.f32 v15, v7;
	v15 =	vadd.s32 s19, v8;
	v29 =	vld [tilespmem:s17+$0xFFFFFE20];
	[tilespmem:v19+s26+$0x0] =	vst.idx.msk $0xffff, v16  }
0x15b: {  	v19 =	vadd.s32 s3, v4;
	v16 =	vld [tilespmem:s30+$0xFFFFFF10];
	[tilespmem:v21+s26+$0x0] =	vst.idx.msk $0xffff, v14;
	v14 =	vmul.f32 v25, v7;
	v21 =	vmul.f32 v23, v3  }
0x15c: {  	v18 =	vmul.f32 v18, v7;
	[tilespmem:v30+s26+$0x0] =	vst.idx.msk $0xffff, v20;
	v20 =	vadd.s32 s9, v4;
	v17 =	vmul.f32 v17, v3;
	v23 =	vld [tilespmem:s17+$0x20];
	s9 =	smov.u32 s14  }
0x15d: {  	v25 =	vld [tilespmem:s30+$0x180];
	[tilespmem:v27+s26+$0x0] =	vst.idx.msk $0xffff, v21  }
0x15e: {  	[tilespmem:v24+s26+$0x0] =	vst.idx.msk $0xffff, v17;
	v17 =	vadd.s32 s7, v4;
	v21 =	vmul.f32 v26, v3;
	v26 =	vld [tilespmem:s17+$0x1B0]  }
0x15f: {  	v27 =	vadd.s32 s11, v4;
	[tilespmem:v15+s26+$0x0] =	vst.idx.msk $0xffff, v14;
	v14 =	vmul.f32 v29, v3;
	v24 =	vld [tilespmem:s17+$0xFFFFFF30]  }
0x160: {  	v22 =	vmul.f32 v22, v3;
	v29 =	vadd.s32 s20, v8;
	v30 =	vld [tilespmem:s17+$0xFFFFFFA0];
	[tilespmem:v19+s26+$0x0] =	vst.idx.msk $0xffff, v21  }
0x161: {  	v19 =	vadd.s32 s12, v8;
	[tilespmem:v20+s26+$0x0] =	vst.idx.msk $0xffff, v14;
	v14 =	vmul.f32 v23, v3;
	v20 =	vld [tilespmem:s17+$0x130]  }
0x162: {  	v21 =	vadd.s32 s1, v2;
	s1 =	smov.u32 s13;
	[tilespmem:v13+s26+$0x0] =	vst.idx.msk $0xffff, v18;
	v15 =	vld [tilespmem:s17+$0xFFFFFE30]  }
0x163: {  	v32 =	vadd.s32 s16, v4;
	v16 =	vmul.f32 v16, v5;
	v18 =	vmul.f32 v25, v7;
	v31 =	vld [tilespmem:s30+$0xFFFFFE10];
	[tilespmem:v17+s26+$0x0] =	vst.idx.msk $0xffff, v14  }
.Ltmp3:
0x164: {  	v25 =	vadd.s32 s18, v2;
	s18 =	smov.u32 s20;
	v33 =	vmul.f32 v24, v1;
	v13 =	vld [tilespmem:s17+$0x30];
	[tilespmem:v27+s26+$0x0] =	vst.idx.msk $0xffff, v22;
	(pc) =	sbr.rel @p0 .LBB2_8-.Ltmp3, $4  }
0x165: {  	v24 =	vadd.s32 s3, v2;
	v27 =	vmul.f32 v26, v1;
	s3 =	smov.u32 s19;
	[tilespmem:v29+s26+$0x0] =	vst.idx.msk $0xffff, v18;
	v17 =	vld [tilespmem:s17+$0xFFFFFEB0];
	v29 =	vmul.f32 v30, v3  }
0x166: {  	v22 =	vadd.s32 s7, v2;
	s7 =	smov.u32 s4;
	[tilespmem:v19+s26+$0x0] =	vst.idx.msk $0xffff, v28;
	v18 =	vld [tilespmem:s17+$0xB0];
	v26 =	vmul.f32 v20, v1  }
0x167: {  	v23 =	vadd.s32 s1, v6;
	v14 =	vld [tilespmem:s30+$0xFFFFFE90];
	[tilespmem:v21+s26+$0x0] =	vst.idx.msk $0xffff, v33  }
0x168: {  	v21 =	vadd.s32 s9, v6;
	s30 =	sadd.s32 $0x400, s30;
	v20 =	vmul.f32 v31, v5;
	v19 =	vld [tilespmem:s0+$0x190];
	[tilespmem:v32+s26+$0x0] =	vst.idx.msk $0xffff, v29  }
0x169: {  	_ =	sdelay $0x3  }
0x16a: {  	[tilespmem:v25+s26+$0x0] =	vst.idx.msk $0xffff, v27  }
0x16b: {  	[tilespmem:v24+s26+$0x0] =	vst.idx.msk $0xffff, v26;
	v10 =	vmul.f32 v10, v7  }
0x16c: {  	v60 =	vld [tilespmem:s17+$0xFFFFFFB0];
	v61 =	vadd.s32 s8, v2;
	[tilespmem:v23+s26+$0x0] =	vst.idx.msk $0xffff, v16  }
0x16d: {  	v13 =	vmul.f32 v13, v1;
	v62 =	vld [tilespmem:s0+$0x110];
	v26 =	vadd.s32 s18, v6;
	[tilespmem:v12+s26+$0x0] =	vst.idx.msk $0xffff, v10  }
0x16e: {  	v63 =	vadd.s32 s16, v2;
	[tilespmem:v21+s26+$0x0] =	vst.idx.msk $0xffff, v20;
	v10 =	vmul.f32 v15, v1;
	v27 =	vld [tilespmem:s0+$0x10]  }
0x16f: {  	v29 =	vadd.s32 s3, v6;
	v28 =	vmul.f32 v17, v1;
	[tilespmem:v22+s26+$0x0] =	vst.idx.msk $0xffff, v13  }
0x170: {  	[tilespmem:v11+s26+$0x0] =	vst.idx.msk $0xffff, v10;
	v11 =	vadd.s32 s7, v6;
	v19 =	vmul.f32 v19, v5  }
0x171: {  	v30 =	vadd.s32 s11, v2;
	v31 =	vld [tilespmem:s0+$0xFFFFFF90];
	v10 =	vmul.f32 v60, v1;
	[tilespmem:v61+s26+$0x0] =	vst.idx.msk $0xffff, v28  }
0x172: {  	v32 =	vld [tilespmem:s0+$0x90];
	v33 =	vadd.s32 s21, v6;
	v13 =	vmul.f32 v62, v5;
	[tilespmem:v26+s26+$0x0] =	vst.idx.msk $0xffff, v19  }
0x173: {  	v34 =	vadd.s32 s12, v6;
	[tilespmem:v63+s26+$0x0] =	vst.idx.msk $0xffff, v10;
	v10 =	vld [tilespmem:s0+$0xFFFFFF20];
	v35 =	vmul.f32 v27, v5  }
0x174: {  	v37 =	vadd.s32 s2, v6;
	v36 =	vmul.f32 v18, v1;
	v19 =	vld [tilespmem:s0+$0x1A0];
	[tilespmem:v29+s26+$0x0] =	vst.idx.msk $0xffff, v13  }
0x175: {  	v38 =	vadd.s32 s1, v4;
	v14 =	vmul.f32 v14, v5;
	v17 =	vld [tilespmem:s0+$0x120];
	[tilespmem:v11+s26+$0x0] =	vst.idx.msk $0xffff, v35  }
0x176: {  	v39 =	vadd.s32 s18, v4;
	[tilespmem:v30+s26+$0x0] =	vst.idx.msk $0xffff, v36;
	v11 =	vmul.f32 v31, v5;
	v40 =	vld [tilespmem:s0+$0x20]  }
0x177: {  	v43 =	vadd.s32 s3, v4;
	v42 =	vld [tilespmem:s0+$0xFFFFFE20];
	[tilespmem:v33+s26+$0x0] =	vst.idx.msk $0xffff, v14;
	v41 =	vmul.f32 v32, v5  }
0x178: {  	v44 =	vadd.s32 s7, v4;
	v10 =	vmul.f32 v10, v3;
	[tilespmem:v34+s26+$0x0] =	vst.idx.msk $0xffff, v11;
	v11 =	vld [tilespmem:s0+$0xFFFFFEA0]  }
0x179: {  	v46 =	vadd.s32 s9, v4;
	[tilespmem:v37+s26+$0x0] =	vst.idx.msk $0xffff, v41;
	v45 =	vmul.f32 v19, v3;
	v47 =	vld [tilespmem:s0+$0xFFFFFFA0]  }
0x17a: {  	v48 =	vadd.s32 s21, v4;
	v17 =	vmul.f32 v17, v3;
	[tilespmem:v38+s26+$0x0] =	vst.idx.msk $0xffff, v10;
	v10 =	vld [tilespmem:s0+$0xA0]  }
0x17b: {  	v51 =	vadd.s32 s12, v4;
	[tilespmem:v39+s26+$0x0] =	vst.idx.msk $0xffff, v45;
	v49 =	vld [tilespmem:s0+$0xFFFFFF30];
	v50 =	vmul.f32 v40, v3  }
0x17c: {  	v53 =	vadd.s32 s2, v4;
	v16 =	vmul.f32 v42, v3;
	v52 =	vld [tilespmem:s0+$0x1B0];
	[tilespmem:v43+s26+$0x0] =	vst.idx.msk $0xffff, v17  }
0x17d: {  	v54 =	vadd.s32 s1, v2;
	v17 =	vld [tilespmem:s0+$0x130];
	v11 =	vmul.f32 v11, v3;
	[tilespmem:v44+s26+$0x0] =	vst.idx.msk $0xffff, v50  }
0x17e: {  	v55 =	vadd.s32 s18, v2;
	[tilespmem:v46+s26+$0x0] =	vst.idx.msk $0xffff, v16;
	v56 =	vmul.f32 v47, v3;
	v14 =	vld [tilespmem:s0+$0x30]  }
0x17f: {  	v57 =	vadd.s32 s3, v2;
	[tilespmem:v48+s26+$0x0] =	vst.idx.msk $0xffff, v11;
	v10 =	vmul.f32 v10, v3;
	v11 =	vld [tilespmem:s0+$0xFFFFFE30]  }
0x180: {  	v59 =	vadd.s32 s7, v2;
	v12 =	vmul.f32 v49, v1;
	v58 =	vld [tilespmem:s0+$0xFFFFFEB0];
	[tilespmem:v51+s26+$0x0] =	vst.idx.msk $0xffff, v56  }
0x181: {  	[tilespmem:v53+s26+$0x0] =	vst.idx.msk $0xffff, v10;
	v10 =	vmul.f32 v52, v1;
	v15 =	vld [tilespmem:s0+$0xFFFFFFB0]  }
0x182: {  	v61 =	vadd.s32 s21, v2;
	v17 =	vmul.f32 v17, v1;
	v60 =	vld [tilespmem:s0+$0xB0];
	[tilespmem:v54+s26+$0x0] =	vst.idx.msk $0xffff, v12  }
0x183: {  	[tilespmem:v55+s26+$0x0] =	vst.idx.msk $0xffff, v10;
	v10 =	vadd.s32 s12, v2;
	v14 =	vmul.f32 v14, v1  }
0x184: {  	v62 =	vadd.s32 s2, v2;
	[tilespmem:v57+s26+$0x0] =	vst.idx.msk $0xffff, v17;
	v11 =	vmul.f32 v11, v1  }
0x185: {  	v63 =	vmul.f32 v58, v1;
	[tilespmem:v59+s26+$0x0] =	vst.idx.msk $0xffff, v14  }
0x186: {  	[tilespmem:v9+s26+$0x0] =	vst.idx.msk $0xffff, v11;
	v9 =	vmul.f32 v15, v1  }
0x187: {  	v11 =	vmul.f32 v60, v1;
	[tilespmem:v61+s26+$0x0] =	vst.idx.msk $0xffff, v63  }
0x188: {  	[tilespmem:v10+s26+$0x0] =	vst.idx.msk $0xffff, v9  }
0x189: {  	[tilespmem:v62+s26+$0x0] =	vst.idx.msk $0xffff, v11  }
0x18a: {  	s31 =	simm.s32 $0x0;
	s22 =	simm.s32 $0x4100;
	s21 =	rddreg [dreg:$0x9]  }
0x18b: {  	[tilespmem:s22], [sflag:$0x2] =	stream.linear.gather [hbm4b:s21+s31], $0x4000, $0x38;
	[tilespmem:$0x10100] =	vst v63  }
0x18c: {  	s30 =	rddreg [dreg:$0xa]  }
0x18d: {  	[hbm4b:s30+s31] =	stream.linear.scatter [tilespmem:s26], [sflag:$0x4], $0x4000, $0x38;
	[tilespmem:$0x10100] =	vst v63  }
.LBB2_10:
0x18e: {  	_ =	swait.ge [sflag:s28], $0x4000  }
0x18f: {  	[sflag:s28] =	ssyncset.done $0x0  }
0x190: {  	[sflag:s28] =	ssyncadd.s32 $0xFFFFC000  }
0x191: {  	_ =	swait.ge [sflag:s23], $0x4000  }
0x192: {  	[sflag:s23] =	ssyncset.done $0x0  }
0x193: {  	s17 =	simm.s32 $0x300;
	[sflag:s23] =	ssyncadd.s32 $0xFFFFC000  }
0x194: {  	v9 =	vld [tilespmem:s17+$0xFFFFFF00]  }
0x195: {  	v10 =	vld [tilespmem:s17+$0xFFFFFE00]  }
0x196: {  	v12 =	vld [tilespmem:s17+$0xFFFFFE80]  }
0x197: {  	s13 =	simm.s32 $0x100;
	v14 =	vld [tilespmem:s17+$0x180]  }
0x198: {  	s7 =	simm.s32 $0x0;
	v11 =	vadd.s32 s13, v8;
	v16 =	vld [tilespmem:s17+$0x100]  }
0x199: {  	s8 =	simm.s32 $0x80;
	v13 =	vadd.s32 s7, v8;
	v17 =	vld [tilespmem:s17+$0x80]  }
0x19a: {  	s19 =	simm.s32 $0x300;
	v15 =	vadd.s32 s8, v8;
	v19 =	vld [tilespmem:s17+$0xFFFFFF80]  }
0x19b: {  	s4 =	simm.s32 $0x380;
	s0 =	simm.s32 $0x700;
	v20 =	vadd.s32 s19, v8;
	v21 =	vld [tilespmem:s17+$0x0];
	v9 =	vmul.f32 v9, v7  }
0x19c: {  	v18 =	vadd.s32 s4, v8;
	v23 =	vld [tilespmem:s0+$0xFFFFFF00];
	v10 =	vmul.f32 v10, v7  }
0x19d: {  	s16 =	simm.s32 $0x180;
	v25 =	vld [tilespmem:s0+$0xFFFFFE80];
	[tilespmem:v11+s24+$0x0] =	vst.idx.msk $0xffff, v9;
	v9 =	vmul.f32 v12, v7  }
0x19e: {  	s11 =	simm.s32 $0x280;
	[tilespmem:v13+s24+$0x0] =	vst.idx.msk $0xffff, v10;
	v12 =	vmul.f32 v16, v7;
	v13 =	vadd.s32 s16, v8;
	v11 =	vld [tilespmem:s17+$0xFFFFFF10]  }
0x19f: {  	v10 =	vmul.f32 v14, v7;
	v14 =	vadd.s32 s11, v8;
	v16 =	vmul.f32 v19, v7;
	v19 =	vld [tilespmem:s0+$0x80];
	[tilespmem:v15+s24+$0x0] =	vst.idx.msk $0xffff, v9  }
0x1a0: {  	v9 =	vld [tilespmem:s17+$0xFFFFFE10];
	[tilespmem:v20+s24+$0x0] =	vst.idx.msk $0xffff, v12;
	v12 =	vadd.s32 s13, v6  }
0x1a1: {  	s14 =	simm.s32 $0x200;
	[tilespmem:v18+s24+$0x0] =	vst.idx.msk $0xffff, v10;
	v10 =	vld [tilespmem:s17+$0xFFFFFE90]  }
0x1a2: {  	v17 =	vmul.f32 v17, v7;
	v20 =	vadd.s32 s14, v8;
	v15 =	vld [tilespmem:s17+$0x190]  }
0x1a3: {  	v18 =	vld [tilespmem:s17+$0x110];
	[tilespmem:v13+s24+$0x0] =	vst.idx.msk $0xffff, v16;
	v13 =	vadd.s32 s7, v6;
	v11 =	vmul.f32 v11, v5  }
0x1a4: {  	[tilespmem:v14+s24+$0x0] =	vst.idx.msk $0xffff, v17;
	v17 =	vadd.s32 s8, v6;
	v14 =	vld [tilespmem:s17+$0xFFFFFF90]  }
0x1a5: {  	v21 =	vmul.f32 v21, v7;
	v16 =	vld [tilespmem:s0+$0xFFFFFE00];
	[tilespmem:v12+s24+$0x0] =	vst.idx.msk $0xffff, v11;
	v11 =	vadd.s32 s4, v6  }
0x1a6: {  	v24 =	vadd.s32 s16, v6;
	v9 =	vmul.f32 v9, v5;
	v22 =	vld [tilespmem:s17+$0xFFFFFF20]  }
0x1a7: {  	v27 =	vadd.s32 s19, v6;
	[tilespmem:v20+s24+$0x0] =	vst.idx.msk $0xffff, v21;
	v12 =	vld [tilespmem:s17+$0x90];
	v26 =	vmul.f32 v10, v5  }
0x1a8: {  	v21 =	vld [tilespmem:s17+$0x10];
	[tilespmem:v13+s24+$0x0] =	vst.idx.msk $0xffff, v9;
	v9 =	vmul.f32 v15, v5;
	v15 =	vadd.s32 s13, v4  }
0x1a9: {  	s1 =	simm.s32 $0x500;
	v20 =	vadd.s32 s11, v6;
	v10 =	vld [tilespmem:s0+$0x0];
	[tilespmem:v17+s24+$0x0] =	vst.idx.msk $0xffff, v26;
	v14 =	vmul.f32 v14, v5  }
0x1aa: {  	v18 =	vmul.f32 v18, v5;
	v13 =	vld [tilespmem:s0+$0xFFFFFF80];
	[tilespmem:v11+s24+$0x0] =	vst.idx.msk $0xffff, v9;
	v9 =	vadd.s32 s1, v8  }
0x1ab: {  	s2 =	simm.s32 $0x680;
	v26 =	vld [tilespmem:s17+$0xFFFFFE20];
	[tilespmem:v24+s24+$0x0] =	vst.idx.msk $0xffff, v14;
	v14 =	vadd.s32 s14, v6;
	v11 =	vmul.f32 v22, v3  }
0x1ac: {  	s9 =	simm.s32 $0x400;
	[tilespmem:v27+s24+$0x0] =	vst.idx.msk $0xffff, v18;
	v12 =	vmul.f32 v12, v5;
	v17 =	vld [tilespmem:s17+$0x1A0];
	v22 =	vadd.s32 s2, v8  }
0x1ad: {  	[tilespmem:v15+s24+$0x0] =	vst.idx.msk $0xffff, v11;
	v11 =	vadd.s32 s9, v8;
	v15 =	vmul.f32 v23, v7;
	v23 =	vld [tilespmem:s17+$0xFFFFFEA0]  }
0x1ae: {  	v18 =	vadd.s32 s4, v4;
	v24 =	vld [tilespmem:s0+$0x100];
	[tilespmem:v20+s24+$0x0] =	vst.idx.msk $0xffff, v12;
	v12 =	vmul.f32 v21, v5  }
0x1af: {  	s3 =	simm.s32 $0x700;
	[tilespmem:v9+s24+$0x0] =	vst.idx.msk $0xffff, v15;
	v9 =	vmul.f32 v19, v7;
	v15 =	vadd.s32 s8, v4;
	v19 =	vld [tilespmem:s17+$0x120]  }
0x1b0: {  	v16 =	vmul.f32 v16, v7;
	v21 =	vadd.s32 s3, v8;
	v20 =	vld [tilespmem:s17+$0xA0];
	[tilespmem:v14+s24+$0x0] =	vst.idx.msk $0xffff, v12  }
0x1b1: {  	s21 =	simm.s32 $0x480;
	v14 =	vld [tilespmem:s0+$0xFFFFFF10];
	v12 =	vmul.f32 v17, v3;
	[tilespmem:v22+s24+$0x0] =	vst.idx.msk $0xffff, v9;
	v9 =	vadd.s32 s19, v4  }
0x1b2: {  	v17 =	vld [tilespmem:s17+$0x20];
	v22 =	vadd.s32 s21, v8;
	[tilespmem:v11+s24+$0x0] =	vst.idx.msk $0xffff, v16;
	v16 =	vmul.f32 v23, v3  }
0x1b3: {  	v11 =	vadd.s32 s7, v4;
	v23 =	vmul.f32 v24, v7;
	v24 =	vld [tilespmem:s0+$0x180];
	[tilespmem:v18+s24+$0x0] =	vst.idx.msk $0xffff, v12  }
0x1b4: {  	s18 =	simm.s32 $0x780;
	v12 =	vadd.s32 s14, v4;
	v18 =	vld [tilespmem:s17+$0xFFFFFF30];
	[tilespmem:v15+s24+$0x0] =	vst.idx.msk $0xffff, v16;
	v15 =	vmul.f32 v19, v3  }
0x1b5: {  	v29 =	vld [tilespmem:s0+$0xFFFFFE10];
	[tilespmem:v21+s24+$0x0] =	vst.idx.msk $0xffff, v23;
	v23 =	vmul.f32 v25, v7;
	v25 =	vadd.s32 s18, v8  }
0x1b6: {  	s12 =	simm.s32 $0x580;
	v16 =	vmul.f32 v26, v3;
	v21 =	vadd.s32 s11, v4;
	v26 =	vld [tilespmem:s17+$0xFFFFFFA0];
	[tilespmem:v9+s24+$0x0] =	vst.idx.msk $0xffff, v15  }
0x1b7: {  	v27 =	vadd.s32 s12, v8;
	v19 =	vld [tilespmem:s17+$0x1B0];
	v9 =	vmul.f32 v17, v3;
	[tilespmem:v22+s24+$0x0] =	vst.idx.msk $0xffff, v23  }
0x1b8: {  	v30 =	vadd.s32 s16, v4;
	[tilespmem:v11+s24+$0x0] =	vst.idx.msk $0xffff, v16;
	v28 =	vld [tilespmem:s17+$0x130];
	v17 =	vmul.f32 v24, v7  }
0x1b9: {  	v16 =	vmul.f32 v20, v3;
	v20 =	vadd.s32 s13, v2;
	v15 =	vld [tilespmem:s17+$0xFFFFFE30];
	[tilespmem:v12+s24+$0x0] =	vst.idx.msk $0xffff, v9  }
0x1ba: {  	v22 =	vmul.f32 v13, v7;
	v23 =	vadd.s32 s1, v6;
	v13 =	vld [tilespmem:s17+$0x30];
	[tilespmem:v25+s24+$0x0] =	vst.idx.msk $0xffff, v17;
	v25 =	vadd.s32 s4, v2  }
0x1bb: {  	v11 =	vadd.s32 s7, v2;
	v24 =	vadd.s32 s19, v2;
	[tilespmem:v21+s24+$0x0] =	vst.idx.msk $0xffff, v16;
	v17 =	vld [tilespmem:s17+$0xFFFFFEB0];
	v31 =	vmul.f32 v26, v3  }
0x1bc: {  	s7 =	simm.s32 $0x600;
	v9 =	vadd.s32 s9, v2;
	[tilespmem:v27+s24+$0x0] =	vst.idx.msk $0xffff, v22;
	v22 =	vadd.s32 s14, v2;
	v21 =	vmul.f32 v18, v1;
	v18 =	vld [tilespmem:s17+$0xB0]  }
0x1bd: {  	v12 =	vadd.s32 s7, v8;
	v16 =	vmul.f32 v14, v5;
	v27 =	vmul.f32 v19, v1;
	v14 =	vld [tilespmem:s0+$0xFFFFFE90];
	[tilespmem:v30+s24+$0x0] =	vst.idx.msk $0xffff, v31  }
0x1be: {  	s22 =	simm.s32 $0x10;
	s30 =	simm.s32 $0xB00;
	v19 =	vld [tilespmem:s0+$0x190];
	v26 =	vmul.f32 v28, v1;
	[tilespmem:v20+s24+$0x0] =	vst.idx.msk $0xffff, v21;
	v20 =	vmul.f32 v29, v5;
	v21 =	vadd.s32 s9, v6  }
.LBB2_11:
0x1bf: {  	s14 =	sshll.u32 s22, $0x7;
	p0 =	slt.u32 s22, $0x78;
	s22 =	sadd.s32 $0x8, s22;
	v28 =	vadd.s32 s8, v2;
	v29 =	vld [tilespmem:s17+$0xFFFFFFB0];
	v30 =	vmul.f32 v13, v1;
	v31 =	vadd.s32 s11, v2;
	[tilespmem:v25+s24+$0x0] =	vst.idx.msk $0xffff, v27  }
0x1c0: {  	v32 =	vadd.s32 s16, v2;
	v25 =	vadd.s32 s14, v2;
	s11 =	sadd.s32 $0x80, s14;
	s13 =	sadd.s32 $0x100, s14;
	s15 =	sadd.s32 $0x280, s14;
	v27 =	vld [tilespmem:s0+$0x110];
	[tilespmem:v24+s24+$0x0] =	vst.idx.msk $0xffff, v26  }
0x1c1: {  	s4 =	sadd.s32 $0x200, s14;
	s19 =	sadd.s32 $0x300, s14;
	s20 =	sadd.s32 $0x380, s14;
	v13 =	vadd.s32 s11, v8;
	v24 =	vadd.s32 s13, v8;
	v26 =	vld [tilespmem:s30+$0x80];
	[tilespmem:v22+s24+$0x0] =	vst.idx.msk $0xffff, v30;
	v18 =	vmul.f32 v18, v1  }
0x1c2: {  	v15 =	vmul.f32 v15, v1;
	s8 =	smov.u32 s21;
	s17 =	sadd.s32 $0x180, s14;
	v30 =	vadd.s32 s14, v8;
	s21 =	smov.u32 s11;
	v22 =	vld [tilespmem:s30+$0xFFFFFE00];
	[tilespmem:v23+s24+$0x0] =	vst.idx.msk $0xffff, v16  }
0x1c3: {  	s16 =	smov.u32 s12;
	v17 =	vmul.f32 v17, v1;
	s11 =	smov.u32 s2;
	s2 =	smov.u32 s15;
	[tilespmem:v21+s24+$0x0] =	vst.idx.msk $0xffff, v20;
	v16 =	vld [tilespmem:s0+$0xFFFFFF90];
	v20 =	vadd.s32 s18, v6  }
0x1c4: {  	s12 =	smov.u32 s17;
	s17 =	smov.u32 s0;
	v21 =	vadd.s32 s2, v8;
	v19 =	vmul.f32 v19, v5;
	v23 =	vld [tilespmem:s0+$0x90];
	[tilespmem:v11+s24+$0x0] =	vst.idx.msk $0xffff, v15;
	v15 =	vmul.f32 v29, v1;
	s0 =	smov.u32 s30  }
0x1c5: {  	v29 =	vadd.s32 s8, v6;
	v11 =	vmovc v9;
	v9 =	vmov v25;
	v33 =	vld [tilespmem:s17+$0xFFFFFF20];
	v27 =	vmul.f32 v27, v5;
	[tilespmem:v28+s24+$0x0] =	vst.idx.msk $0xffff, v17  }
0x1c6: {  	v10 =	vmul.f32 v10, v7;
	v25 =	vadd.s32 s16, v6;
	v17 =	vld [tilespmem:s30+$0xFFFFFF00];
	[tilespmem:v32+s24+$0x0] =	vst.idx.msk $0xffff, v15  }
0x1c7: {  	v28 =	vadd.s32 s1, v4;
	v15 =	vld [tilespmem:s30+$0xFFFFFF80];
	[tilespmem:v31+s24+$0x0] =	vst.idx.msk $0xffff, v18  }
0x1c8: {  	v14 =	vmul.f32 v14, v5;
	v31 =	vadd.s32 s11, v6;
	v18 =	vld [tilespmem:s30+$0xFFFFFE80];
	[tilespmem:v12+s24+$0x0] =	vst.idx.msk $0xffff, v10  }
0x1c9: {  	v32 =	vadd.s32 s3, v6;
	v12 =	vmul.f32 v16, v5;
	v16 =	vld [tilespmem:s17+$0x10];
	[tilespmem:v20+s24+$0x0] =	vst.idx.msk $0xffff, v19  }
0x1ca: {  	v10 =	vld [tilespmem:s30+$0x0];
	[tilespmem:v29+s24+$0x0] =	vst.idx.msk $0xffff, v14;
	v14 =	vmul.f32 v33, v3  }
0x1cb: {  	v19 =	vadd.s32 s7, v6;
	v20 =	vmul.f32 v23, v5;
	[tilespmem:v25+s24+$0x0] =	vst.idx.msk $0xffff, v12;
	v23 =	vld [tilespmem:s17+$0x1A0]  }
0x1cc: {  	v25 =	vld [tilespmem:s30+$0x100];
	[tilespmem:v28+s24+$0x0] =	vst.idx.msk $0xffff, v14  }
0x1cd: {  	v12 =	vadd.s32 s4, v8;
	v14 =	vmul.f32 v17, v7;
	v17 =	vld [tilespmem:s17+$0xFFFFFEA0];
	[tilespmem:v31+s24+$0x0] =	vst.idx.msk $0xffff, v20  }
0x1ce: {  	v20 =	vmul.f32 v22, v7;
	v16 =	vmul.f32 v16, v5;
	v22 =	vld [tilespmem:s17+$0xA0];
	[tilespmem:v32+s24+$0x0] =	vst.idx.msk $0xffff, v27;
	v27 =	vadd.s32 s18, v4  }
0x1cf: {  	[tilespmem:v24+s24+$0x0] =	vst.idx.msk $0xffff, v14;
	v14 =	vmul.f32 v26, v7;
	v24 =	vadd.s32 s8, v4;
	v26 =	vld [tilespmem:s17+$0x120]  }
0x1d0: {  	v28 =	vmul.f32 v15, v7;
	v15 =	vadd.s32 s19, v8;
	v29 =	vld [tilespmem:s17+$0xFFFFFE20];
	[tilespmem:v19+s24+$0x0] =	vst.idx.msk $0xffff, v16  }
0x1d1: {  	v19 =	vadd.s32 s3, v4;
	v16 =	vld [tilespmem:s30+$0xFFFFFF10];
	[tilespmem:v21+s24+$0x0] =	vst.idx.msk $0xffff, v14;
	v14 =	vmul.f32 v25, v7;
	v21 =	vmul.f32 v23, v3  }
0x1d2: {  	v18 =	vmul.f32 v18, v7;
	[tilespmem:v30+s24+$0x0] =	vst.idx.msk $0xffff, v20;
	v20 =	vadd.s32 s9, v4;
	v17 =	vmul.f32 v17, v3;
	v23 =	vld [tilespmem:s17+$0x20];
	s9 =	smov.u32 s14  }
0x1d3: {  	v25 =	vld [tilespmem:s30+$0x180];
	[tilespmem:v27+s24+$0x0] =	vst.idx.msk $0xffff, v21  }
0x1d4: {  	[tilespmem:v24+s24+$0x0] =	vst.idx.msk $0xffff, v17;
	v17 =	vadd.s32 s7, v4;
	v21 =	vmul.f32 v26, v3;
	v26 =	vld [tilespmem:s17+$0x1B0]  }
0x1d5: {  	v27 =	vadd.s32 s11, v4;
	[tilespmem:v15+s24+$0x0] =	vst.idx.msk $0xffff, v14;
	v14 =	vmul.f32 v29, v3;
	v24 =	vld [tilespmem:s17+$0xFFFFFF30]  }
0x1d6: {  	v22 =	vmul.f32 v22, v3;
	v29 =	vadd.s32 s20, v8;
	v30 =	vld [tilespmem:s17+$0xFFFFFFA0];
	[tilespmem:v19+s24+$0x0] =	vst.idx.msk $0xffff, v21  }
0x1d7: {  	v19 =	vadd.s32 s12, v8;
	[tilespmem:v20+s24+$0x0] =	vst.idx.msk $0xffff, v14;
	v14 =	vmul.f32 v23, v3;
	v20 =	vld [tilespmem:s17+$0x130]  }
0x1d8: {  	v21 =	vadd.s32 s1, v2;
	s1 =	smov.u32 s13;
	[tilespmem:v13+s24+$0x0] =	vst.idx.msk $0xffff, v18;
	v15 =	vld [tilespmem:s17+$0xFFFFFE30]  }
0x1d9: {  	v32 =	vadd.s32 s16, v4;
	v16 =	vmul.f32 v16, v5;
	v18 =	vmul.f32 v25, v7;
	v31 =	vld [tilespmem:s30+$0xFFFFFE10];
	[tilespmem:v17+s24+$0x0] =	vst.idx.msk $0xffff, v14  }
.Ltmp4:
0x1da: {  	v25 =	vadd.s32 s18, v2;
	s18 =	smov.u32 s20;
	v33 =	vmul.f32 v24, v1;
	v13 =	vld [tilespmem:s17+$0x30];
	[tilespmem:v27+s24+$0x0] =	vst.idx.msk $0xffff, v22;
	(pc) =	sbr.rel @p0 .LBB2_11-.Ltmp4, $4  }
0x1db: {  	v24 =	vadd.s32 s3, v2;
	v27 =	vmul.f32 v26, v1;
	s3 =	smov.u32 s19;
	[tilespmem:v29+s24+$0x0] =	vst.idx.msk $0xffff, v18;
	v17 =	vld [tilespmem:s17+$0xFFFFFEB0];
	v29 =	vmul.f32 v30, v3  }
0x1dc: {  	v22 =	vadd.s32 s7, v2;
	s7 =	smov.u32 s4;
	[tilespmem:v19+s24+$0x0] =	vst.idx.msk $0xffff, v28;
	v18 =	vld [tilespmem:s17+$0xB0];
	v26 =	vmul.f32 v20, v1  }
0x1dd: {  	v23 =	vadd.s32 s1, v6;
	v14 =	vld [tilespmem:s30+$0xFFFFFE90];
	[tilespmem:v21+s24+$0x0] =	vst.idx.msk $0xffff, v33  }
0x1de: {  	v21 =	vadd.s32 s9, v6;
	s30 =	sadd.s32 $0x400, s30;
	v20 =	vmul.f32 v31, v5;
	v19 =	vld [tilespmem:s0+$0x190];
	[tilespmem:v32+s24+$0x0] =	vst.idx.msk $0xffff, v29  }
0x1df: {  	_ =	sdelay $0x3  }
0x1e0: {  	v13 =	vmul.f32 v13, v1;
	[tilespmem:v25+s24+$0x0] =	vst.idx.msk $0xffff, v27  }
0x1e1: {  	v25 =	vld [tilespmem:s17+$0xFFFFFFB0];
	[tilespmem:v24+s24+$0x0] =	vst.idx.msk $0xffff, v26;
	v10 =	vmul.f32 v10, v7  }
0x1e2: {  	v24 =	vadd.s32 s8, v2;
	[tilespmem:v22+s24+$0x0] =	vst.idx.msk $0xffff, v13  }
0x1e3: {  	v13 =	vld [tilespmem:s0+$0x110];
	v22 =	vadd.s32 s16, v2;
	[tilespmem:v12+s24+$0x0] =	vst.idx.msk $0xffff, v10  }
0x1e4: {  	[tilespmem:v23+s24+$0x0] =	vst.idx.msk $0xffff, v16;
	v10 =	vmul.f32 v15, v1;
	v12 =	vadd.s32 s18, v6;
	v15 =	vld [tilespmem:s0+$0x10]  }
0x1e5: {  	[tilespmem:v21+s24+$0x0] =	vst.idx.msk $0xffff, v20;
	v16 =	vmul.f32 v17, v1;
	v17 =	vadd.s32 s3, v6  }
0x1e6: {  	[tilespmem:v11+s24+$0x0] =	vst.idx.msk $0xffff, v10;
	v11 =	vadd.s32 s7, v6;
	v10 =	vmul.f32 v25, v1  }
0x1e7: {  	v20 =	vadd.s32 s11, v2;
	v21 =	vld [tilespmem:s0+$0xFFFFFF90];
	v19 =	vmul.f32 v19, v5;
	[tilespmem:v24+s24+$0x0] =	vst.idx.msk $0xffff, v16  }
0x1e8: {  	v23 =	vadd.s32 s21, v6;
	v16 =	vld [tilespmem:s0+$0x90];
	v13 =	vmul.f32 v13, v5;
	[tilespmem:v22+s24+$0x0] =	vst.idx.msk $0xffff, v10  }
0x1e9: {  	v10 =	vld [tilespmem:s0+$0xFFFFFF20];
	v22 =	vadd.s32 s12, v6;
	[tilespmem:v12+s24+$0x0] =	vst.idx.msk $0xffff, v19;
	v12 =	vmul.f32 v15, v5  }
0x1ea: {  	v15 =	vmul.f32 v18, v1;
	v18 =	vadd.s32 s2, v6;
	v19 =	vld [tilespmem:s0+$0x1A0];
	[tilespmem:v17+s24+$0x0] =	vst.idx.msk $0xffff, v13  }
0x1eb: {  	v14 =	vmul.f32 v14, v5;
	v13 =	vadd.s32 s1, v4;
	v17 =	vld [tilespmem:s0+$0x120];
	[tilespmem:v11+s24+$0x0] =	vst.idx.msk $0xffff, v12  }
0x1ec: {  	[tilespmem:v20+s24+$0x0] =	vst.idx.msk $0xffff, v15;
	v11 =	vmul.f32 v21, v5;
	v12 =	vadd.s32 s18, v4;
	v15 =	vld [tilespmem:s0+$0x20]  }
0x1ed: {  	[tilespmem:v23+s24+$0x0] =	vst.idx.msk $0xffff, v14;
	v14 =	vmul.f32 v16, v5;
	v16 =	vld [tilespmem:s0+$0xFFFFFE20];
	v20 =	vadd.s32 s3, v4  }
0x1ee: {  	v21 =	vadd.s32 s7, v4;
	v10 =	vmul.f32 v10, v3;
	[tilespmem:v22+s24+$0x0] =	vst.idx.msk $0xffff, v11;
	v11 =	vld [tilespmem:s0+$0xFFFFFEA0]  }
0x1ef: {  	[tilespmem:v18+s24+$0x0] =	vst.idx.msk $0xffff, v14;
	v14 =	vmul.f32 v19, v3;
	v18 =	vadd.s32 s9, v4;
	v19 =	vld [tilespmem:s0+$0xFFFFFFA0]  }
0x1f0: {  	[tilespmem:v13+s24+$0x0] =	vst.idx.msk $0xffff, v10;
	v10 =	vld [tilespmem:s0+$0xA0];
	v13 =	vadd.s32 s21, v4;
	v17 =	vmul.f32 v17, v3  }
0x1f1: {  	[tilespmem:v12+s24+$0x0] =	vst.idx.msk $0xffff, v14;
	v12 =	vld [tilespmem:s0+$0xFFFFFF30];
	v14 =	vmul.f32 v15, v3;
	v15 =	vadd.s32 s12, v4  }
0x1f2: {  	v23 =	vadd.s32 s2, v4;
	v16 =	vmul.f32 v16, v3;
	v22 =	vld [tilespmem:s0+$0x1B0];
	[tilespmem:v20+s24+$0x0] =	vst.idx.msk $0xffff, v17  }
0x1f3: {  	v11 =	vmul.f32 v11, v3;
	v20 =	vadd.s32 s1, v2;
	v17 =	vld [tilespmem:s0+$0x130];
	[tilespmem:v21+s24+$0x0] =	vst.idx.msk $0xffff, v14  }
0x1f4: {  	[tilespmem:v18+s24+$0x0] =	vst.idx.msk $0xffff, v16;
	v16 =	vadd.s32 s18, v2;
	v18 =	vmul.f32 v19, v3;
	v14 =	vld [tilespmem:s0+$0x30]  }
0x1f5: {  	[tilespmem:v13+s24+$0x0] =	vst.idx.msk $0xffff, v11;
	v10 =	vmul.f32 v10, v3;
	v11 =	vld [tilespmem:s0+$0xFFFFFE30];
	v13 =	vadd.s32 s3, v2  }
0x1f6: {  	v21 =	vadd.s32 s7, v2;
	v12 =	vmul.f32 v12, v1;
	v19 =	vld [tilespmem:s0+$0xFFFFFEB0];
	[tilespmem:v15+s24+$0x0] =	vst.idx.msk $0xffff, v18  }
0x1f7: {  	[tilespmem:v23+s24+$0x0] =	vst.idx.msk $0xffff, v10;
	v10 =	vmul.f32 v22, v1  }
0x1f8: {  	v15 =	vld [tilespmem:s0+$0xFFFFFFB0];
	[tilespmem:v20+s24+$0x0] =	vst.idx.msk $0xffff, v12;
	v12 =	vadd.s32 s21, v2;
	v17 =	vmul.f32 v17, v1  }
0x1f9: {  	v18 =	vld [tilespmem:s0+$0xB0];
	[tilespmem:v16+s24+$0x0] =	vst.idx.msk $0xffff, v10;
	v14 =	vmul.f32 v14, v1  }
0x1fa: {  	v10 =	vadd.s32 s12, v2;
	v11 =	vmul.f32 v11, v1;
	[tilespmem:v13+s24+$0x0] =	vst.idx.msk $0xffff, v17  }
0x1fb: {  	v16 =	vadd.s32 s2, v2;
	v13 =	vmul.f32 v19, v1;
	[tilespmem:v21+s24+$0x0] =	vst.idx.msk $0xffff, v14  }
0x1fc: {  	[tilespmem:v9+s24+$0x0] =	vst.idx.msk $0xffff, v11  }
0x1fd: {  	s31 =	sadd.s32 $0x1, s31;
	v9 =	vmul.f32 v15, v1;
	[tilespmem:v12+s24+$0x0] =	vst.idx.msk $0xffff, v13  }
0x1fe: {  	s0 =	sshll.u32 s31, $0x8;
	v11 =	vmul.f32 v18, v1;
	s18 =	rddreg [dreg:$0xb]  }
0x1ff: {  	s1 =	sadd.s32 s0, s18;
	[tilespmem:v10+s24+$0x0] =	vst.idx.msk $0xffff, v9  }
0x200: {  	s19 =	simm.s32 $0x0;
	s20 =	simm.s32 $0x100;
	[tilespmem:v16+s24+$0x0] =	vst.idx.msk $0xffff, v11;
	s1 =	sshll.u32 s1, $0x4  }
0x201: {  	s21 =	sshll.u32 s31, $0xC;
	s22 =	rddreg [dreg:$0x8];
	s1 =	sadd.s32 s6, s1  }
0x202: {  	[tilespmem:s20], [sflag:$0x1] =	stream.linear.gather [hbm4b:s1+s19], $0x4000, $0x38;
	[tilespmem:$0x10100] =	vst v63  }
0x203: {  	s1 =	sadd.s32 s21, s22  }
0x204: {  	[hbm4b:s1+s19] =	stream.linear.scatter [tilespmem:s24], [sflag:$0x3], $0x4000, $0x38;
	[tilespmem:$0x10100] =	vst v63  }
0x205: {  	_ =	swait.ge [sflag:s29], $0x4000  }
0x206: {  	[sflag:s29] =	ssyncset.done $0x0  }
0x207: {  	[sflag:s29] =	ssyncadd.s32 $0xFFFFC000  }
0x208: {  	_ =	swait.ge [sflag:s25], $0x4000  }
0x209: {  	[sflag:s25] =	ssyncset.done $0x0  }
0x20a: {  	s18 =	simm.s32 $0x4300;
	[sflag:s25] =	ssyncadd.s32 $0xFFFFC000  }
0x20b: {  	v9 =	vld [tilespmem:s18+$0xFFFFFF00]  }
0x20c: {  	v10 =	vld [tilespmem:s18+$0xFFFFFE00]  }
0x20d: {  	v12 =	vld [tilespmem:s18+$0xFFFFFE80]  }
0x20e: {  	s14 =	simm.s32 $0x100;
	v14 =	vld [tilespmem:s18+$0x180]  }
0x20f: {  	s13 =	simm.s32 $0x0;
	v11 =	vadd.s32 s14, v8;
	v16 =	vld [tilespmem:s18+$0x100]  }
0x210: {  	s9 =	simm.s32 $0x80;
	v13 =	vadd.s32 s13, v8;
	v17 =	vld [tilespmem:s18+$0x80]  }
0x211: {  	s4 =	simm.s32 $0x300;
	v15 =	vadd.s32 s9, v8;
	v19 =	vld [tilespmem:s18+$0xFFFFFF80]  }
0x212: {  	v20 =	vadd.s32 s4, v8;
	s2 =	simm.s32 $0x4700;
	s19 =	simm.s32 $0x380;
	v21 =	vld [tilespmem:s18+$0x0];
	v9 =	vmul.f32 v9, v7  }
0x213: {  	v18 =	vadd.s32 s19, v8;
	v23 =	vld [tilespmem:s2+$0xFFFFFF00];
	v10 =	vmul.f32 v10, v7  }
0x214: {  	s17 =	simm.s32 $0x180;
	v25 =	vld [tilespmem:s2+$0xFFFFFF80];
	[tilespmem:v11+s26+$0x0] =	vst.idx.msk $0xffff, v9;
	v9 =	vmul.f32 v12, v7  }
0x215: {  	s12 =	simm.s32 $0x280;
	[tilespmem:v13+s26+$0x0] =	vst.idx.msk $0xffff, v10;
	v12 =	vmul.f32 v16, v7;
	v13 =	vadd.s32 s17, v8;
	v11 =	vld [tilespmem:s18+$0xFFFFFF10]  }
0x216: {  	v10 =	vmul.f32 v14, v7;
	v14 =	vadd.s32 s12, v8;
	v16 =	vmul.f32 v19, v7;
	v19 =	vld [tilespmem:s2+$0x80];
	[tilespmem:v15+s26+$0x0] =	vst.idx.msk $0xffff, v9  }
0x217: {  	v9 =	vld [tilespmem:s18+$0xFFFFFE10];
	[tilespmem:v20+s26+$0x0] =	vst.idx.msk $0xffff, v12;
	v12 =	vadd.s32 s14, v6  }
0x218: {  	s15 =	simm.s32 $0x200;
	[tilespmem:v18+s26+$0x0] =	vst.idx.msk $0xffff, v10;
	v10 =	vld [tilespmem:s18+$0xFFFFFE90]  }
0x219: {  	v17 =	vmul.f32 v17, v7;
	v20 =	vadd.s32 s15, v8;
	v15 =	vld [tilespmem:s18+$0x190]  }
0x21a: {  	v18 =	vld [tilespmem:s18+$0x110];
	[tilespmem:v13+s26+$0x0] =	vst.idx.msk $0xffff, v16;
	v13 =	vadd.s32 s13, v6;
	v11 =	vmul.f32 v11, v5  }
0x21b: {  	[tilespmem:v14+s26+$0x0] =	vst.idx.msk $0xffff, v17;
	v17 =	vadd.s32 s9, v6;
	v14 =	vld [tilespmem:s18+$0xFFFFFF90]  }
0x21c: {  	v21 =	vmul.f32 v21, v7;
	v16 =	vld [tilespmem:s2+$0xFFFFFE00];
	[tilespmem:v12+s26+$0x0] =	vst.idx.msk $0xffff, v11;
	v11 =	vadd.s32 s19, v6  }
0x21d: {  	v24 =	vadd.s32 s17, v6;
	v9 =	vmul.f32 v9, v5;
	v22 =	vld [tilespmem:s18+$0xFFFFFF20]  }
0x21e: {  	v27 =	vadd.s32 s4, v6;
	[tilespmem:v20+s26+$0x0] =	vst.idx.msk $0xffff, v21;
	v12 =	vld [tilespmem:s18+$0x90];
	v26 =	vmul.f32 v10, v5  }
0x21f: {  	v21 =	vld [tilespmem:s18+$0x10];
	[tilespmem:v13+s26+$0x0] =	vst.idx.msk $0xffff, v9;
	v9 =	vmul.f32 v15, v5;
	v13 =	vadd.s32 s14, v4  }
0x220: {  	s3 =	simm.s32 $0x500;
	v20 =	vadd.s32 s12, v6;
	v10 =	vld [tilespmem:s2+$0x0];
	[tilespmem:v17+s26+$0x0] =	vst.idx.msk $0xffff, v26;
	v14 =	vmul.f32 v14, v5  }
0x221: {  	v18 =	vmul.f32 v18, v5;
	v15 =	vld [tilespmem:s2+$0xFFFFFE80];
	[tilespmem:v11+s26+$0x0] =	vst.idx.msk $0xffff, v9;
	v9 =	vadd.s32 s3, v8  }
0x222: {  	s1 =	simm.s32 $0x680;
	v26 =	vld [tilespmem:s18+$0xFFFFFE20];
	[tilespmem:v24+s26+$0x0] =	vst.idx.msk $0xffff, v14;
	v14 =	vadd.s32 s15, v6;
	v11 =	vmul.f32 v22, v3  }
0x223: {  	s11 =	simm.s32 $0x400;
	[tilespmem:v27+s26+$0x0] =	vst.idx.msk $0xffff, v18;
	v12 =	vmul.f32 v12, v5;
	v17 =	vld [tilespmem:s18+$0x1A0];
	v22 =	vadd.s32 s1, v8  }
0x224: {  	[tilespmem:v13+s26+$0x0] =	vst.idx.msk $0xffff, v11;
	v11 =	vadd.s32 s11, v8;
	v13 =	vmul.f32 v23, v7;
	v23 =	vld [tilespmem:s18+$0xFFFFFEA0]  }
0x225: {  	v18 =	vadd.s32 s19, v4;
	v24 =	vld [tilespmem:s2+$0x100];
	[tilespmem:v20+s26+$0x0] =	vst.idx.msk $0xffff, v12;
	v12 =	vmul.f32 v21, v5  }
0x226: {  	s21 =	simm.s32 $0x700;
	[tilespmem:v9+s26+$0x0] =	vst.idx.msk $0xffff, v13;
	v9 =	vmul.f32 v19, v7;
	v13 =	vadd.s32 s9, v4;
	v19 =	vld [tilespmem:s18+$0x120]  }
0x227: {  	v16 =	vmul.f32 v16, v7;
	v27 =	vld [tilespmem:s18+$0xFFFFFFA0];
	v21 =	vadd.s32 s21, v8;
	[tilespmem:v14+s26+$0x0] =	vst.idx.msk $0xffff, v12  }
0x228: {  	s8 =	simm.s32 $0x480;
	v20 =	vld [tilespmem:s18+$0xA0];
	v12 =	vmul.f32 v17, v3;
	[tilespmem:v22+s26+$0x0] =	vst.idx.msk $0xffff, v9;
	v9 =	vadd.s32 s4, v4  }
0x229: {  	v17 =	vld [tilespmem:s18+$0x20];
	v22 =	vadd.s32 s8, v8;
	[tilespmem:v11+s26+$0x0] =	vst.idx.msk $0xffff, v16;
	v16 =	vmul.f32 v23, v3  }
0x22a: {  	v14 =	vld [tilespmem:s2+$0xFFFFFF10];
	v11 =	vadd.s32 s13, v4;
	v23 =	vmul.f32 v24, v7;
	[tilespmem:v18+s26+$0x0] =	vst.idx.msk $0xffff, v12  }
0x22b: {  	v24 =	vld [tilespmem:s2+$0x180];
	v12 =	vadd.s32 s15, v4;
	[tilespmem:v13+s26+$0x0] =	vst.idx.msk $0xffff, v16;
	v13 =	vmul.f32 v19, v3  }
0x22c: {  	v31 =	vadd.s32 s17, v4;
	v15 =	vmul.f32 v15, v7;
	v18 =	vld [tilespmem:s18+$0xFFFFFF30];
	[tilespmem:v21+s26+$0x0] =	vst.idx.msk $0xffff, v23  }
0x22d: {  	s7 =	simm.s32 $0x780;
	v19 =	vld [tilespmem:s18+$0x1B0];
	v16 =	vmul.f32 v26, v3;
	v23 =	vadd.s32 s12, v4;
	[tilespmem:v9+s26+$0x0] =	vst.idx.msk $0xffff, v13  }
0x22e: {  	v26 =	vadd.s32 s7, v8;
	v9 =	vmul.f32 v17, v3;
	[tilespmem:v22+s26+$0x0] =	vst.idx.msk $0xffff, v15;
	v29 =	vld [tilespmem:s18+$0x130]  }
0x22f: {  	v30 =	vadd.s32 s14, v2;
	s16 =	simm.s32 $0x580;
	v32 =	vmul.f32 v27, v3;
	[tilespmem:v11+s26+$0x0] =	vst.idx.msk $0xffff, v16;
	v16 =	vmul.f32 v20, v3;
	v20 =	vld [tilespmem:s2+$0xFFFFFE10]  }
0x230: {  	v28 =	vadd.s32 s16, v8;
	v13 =	vadd.s32 s19, v2;
	v15 =	vld [tilespmem:s18+$0xFFFFFE30];
	[tilespmem:v12+s26+$0x0] =	vst.idx.msk $0xffff, v9  }
0x231: {  	[tilespmem:v31+s26+$0x0] =	vst.idx.msk $0xffff, v32;
	v22 =	vmul.f32 v25, v7;
	v25 =	vadd.s32 s4, v2;
	v17 =	vmul.f32 v24, v7;
	v21 =	vld [tilespmem:s18+$0x30]  }
0x232: {  	s22 =	simm.s32 $0x600;
	v11 =	vadd.s32 s13, v2;
	v24 =	vmul.f32 v18, v1;
	v9 =	vadd.s32 s11, v2;
	[tilespmem:v23+s26+$0x0] =	vst.idx.msk $0xffff, v16;
	v16 =	vld [tilespmem:s18+$0xFFFFFEB0]  }
0x233: {  	v12 =	vadd.s32 s22, v8;
	[tilespmem:v26+s26+$0x0] =	vst.idx.msk $0xffff, v17;
	v23 =	vadd.s32 s15, v2;
	v18 =	vld [tilespmem:s18+$0xB0]  }
0x234: {  	v17 =	vmul.f32 v14, v5;
	v27 =	vmul.f32 v19, v1;
	v14 =	vld [tilespmem:s2+$0xFFFFFE90];
	[tilespmem:v30+s26+$0x0] =	vst.idx.msk $0xffff, v24;
	v24 =	vadd.s32 s3, v6  }
0x235: {  	s30 =	simm.s32 $0x10;
	s4 =	simm.s32 $0x4B00;
	[tilespmem:v28+s26+$0x0] =	vst.idx.msk $0xffff, v22;
	v22 =	vadd.s32 s11, v6;
	v19 =	vld [tilespmem:s2+$0x190];
	v26 =	vmul.f32 v29, v1;
	v20 =	vmul.f32 v20, v5  }
.LBB2_13:
0x236: {  	s15 =	sshll.u32 s30, $0x7;
	p0 =	slt.u32 s30, $0x78;
	s30 =	sadd.s32 $0x8, s30;
	v28 =	vadd.s32 s9, v2;
	v29 =	vld [tilespmem:s18+$0xFFFFFFB0];
	v21 =	vmul.f32 v21, v1;
	v30 =	vadd.s32 s12, v2;
	[tilespmem:v13+s26+$0x0] =	vst.idx.msk $0xffff, v27  }
0x237: {  	v32 =	vadd.s32 s17, v2;
	v27 =	vadd.s32 s15, v2;
	s12 =	sadd.s32 $0x80, s15;
	s14 =	sadd.s32 $0x100, s15;
	s18 =	sadd.s32 $0x280, s15;
	v31 =	vld [tilespmem:s2+$0x110];
	[tilespmem:v25+s26+$0x0] =	vst.idx.msk $0xffff, v26  }
0x238: {  	s19 =	sadd.s32 $0x200, s15;
	s20 =	sadd.s32 $0x300, s15;
	s13 =	sadd.s32 $0x380, s15;
	v13 =	vadd.s32 s12, v8;
	v25 =	vadd.s32 s14, v8;
	v26 =	vld [tilespmem:s4+$0x80];
	[tilespmem:v23+s26+$0x0] =	vst.idx.msk $0xffff, v21;
	v18 =	vmul.f32 v18, v1  }
0x239: {  	v15 =	vmul.f32 v15, v1;
	s9 =	smov.u32 s8;
	s10 =	sadd.s32 $0x180, s15;
	v23 =	vadd.s32 s15, v8;
	s8 =	smov.u32 s12;
	v21 =	vld [tilespmem:s4+$0xFFFFFE00];
	[tilespmem:v24+s26+$0x0] =	vst.idx.msk $0xffff, v17  }
0x23a: {  	s17 =	smov.u32 s16;
	v16 =	vmul.f32 v16, v1;
	s12 =	smov.u32 s1;
	s1 =	smov.u32 s18;
	[tilespmem:v22+s26+$0x0] =	vst.idx.msk $0xffff, v20;
	v17 =	vld [tilespmem:s2+$0xFFFFFF90];
	v20 =	vadd.s32 s7, v6  }
0x23b: {  	s16 =	smov.u32 s10;
	s18 =	smov.u32 s2;
	v22 =	vadd.s32 s1, v8;
	v19 =	vmul.f32 v19, v5;
	v24 =	vld [tilespmem:s2+$0x90];
	[tilespmem:v11+s26+$0x0] =	vst.idx.msk $0xffff, v15;
	v15 =	vmul.f32 v29, v1;
	s2 =	smov.u32 s4  }
0x23c: {  	v29 =	vadd.s32 s9, v6;
	v11 =	vmovc v9;
	v9 =	vmov v27;
	v33 =	vld [tilespmem:s18+$0xFFFFFF20];
	v31 =	vmul.f32 v31, v5;
	[tilespmem:v28+s26+$0x0] =	vst.idx.msk $0xffff, v16  }
0x23d: {  	v10 =	vmul.f32 v10, v7;
	v27 =	vadd.s32 s17, v6;
	v16 =	vld [tilespmem:s4+$0xFFFFFF00];
	[tilespmem:v32+s26+$0x0] =	vst.idx.msk $0xffff, v15  }
0x23e: {  	v28 =	vadd.s32 s3, v4;
	v15 =	vld [tilespmem:s4+$0xFFFFFF80];
	[tilespmem:v30+s26+$0x0] =	vst.idx.msk $0xffff, v18  }
0x23f: {  	v14 =	vmul.f32 v14, v5;
	v30 =	vadd.s32 s12, v6;
	v18 =	vld [tilespmem:s4+$0xFFFFFE80];
	[tilespmem:v12+s26+$0x0] =	vst.idx.msk $0xffff, v10  }
0x240: {  	v32 =	vadd.s32 s21, v6;
	v12 =	vmul.f32 v17, v5;
	v17 =	vld [tilespmem:s18+$0x10];
	[tilespmem:v20+s26+$0x0] =	vst.idx.msk $0xffff, v19  }
0x241: {  	v10 =	vld [tilespmem:s4+$0x0];
	[tilespmem:v29+s26+$0x0] =	vst.idx.msk $0xffff, v14;
	v14 =	vmul.f32 v33, v3  }
0x242: {  	v19 =	vadd.s32 s22, v6;
	v20 =	vmul.f32 v24, v5;
	[tilespmem:v27+s26+$0x0] =	vst.idx.msk $0xffff, v12;
	v24 =	vld [tilespmem:s18+$0x1A0]  }
0x243: {  	v27 =	vld [tilespmem:s4+$0x100];
	[tilespmem:v28+s26+$0x0] =	vst.idx.msk $0xffff, v14  }
0x244: {  	v12 =	vadd.s32 s19, v8;
	v14 =	vmul.f32 v16, v7;
	v16 =	vld [tilespmem:s18+$0xFFFFFEA0];
	[tilespmem:v30+s26+$0x0] =	vst.idx.msk $0xffff, v20  }
0x245: {  	v28 =	vadd.s32 s7, v4;
	v20 =	vmul.f32 v21, v7;
	v17 =	vmul.f32 v17, v5;
	v21 =	vld [tilespmem:s18+$0xA0];
	[tilespmem:v32+s26+$0x0] =	vst.idx.msk $0xffff, v31  }
0x246: {  	[tilespmem:v25+s26+$0x0] =	vst.idx.msk $0xffff, v14;
	v14 =	vmul.f32 v26, v7;
	v25 =	vadd.s32 s9, v4;
	v26 =	vld [tilespmem:s18+$0x120]  }
0x247: {  	v29 =	vmul.f32 v15, v7;
	v15 =	vadd.s32 s20, v8;
	v30 =	vld [tilespmem:s18+$0xFFFFFE20];
	[tilespmem:v19+s26+$0x0] =	vst.idx.msk $0xffff, v17  }
0x248: {  	v19 =	vadd.s32 s21, v4;
	v17 =	vld [tilespmem:s4+$0xFFFFFF10];
	[tilespmem:v22+s26+$0x0] =	vst.idx.msk $0xffff, v14;
	v14 =	vmul.f32 v27, v7;
	v22 =	vmul.f32 v24, v3  }
0x249: {  	v18 =	vmul.f32 v18, v7;
	[tilespmem:v23+s26+$0x0] =	vst.idx.msk $0xffff, v20;
	v20 =	vadd.s32 s11, v4;
	v16 =	vmul.f32 v16, v3;
	v23 =	vld [tilespmem:s18+$0x20];
	s11 =	smov.u32 s15  }
0x24a: {  	v24 =	vld [tilespmem:s4+$0x180];
	[tilespmem:v28+s26+$0x0] =	vst.idx.msk $0xffff, v22  }
0x24b: {  	[tilespmem:v25+s26+$0x0] =	vst.idx.msk $0xffff, v16;
	v16 =	vadd.s32 s22, v4;
	v22 =	vmul.f32 v26, v3;
	v26 =	vld [tilespmem:s18+$0x1B0]  }
0x24c: {  	v27 =	vadd.s32 s12, v4;
	[tilespmem:v15+s26+$0x0] =	vst.idx.msk $0xffff, v14;
	v14 =	vmul.f32 v30, v3;
	v25 =	vld [tilespmem:s18+$0xFFFFFF30]  }
0x24d: {  	v28 =	vadd.s32 s13, v8;
	v31 =	vmul.f32 v21, v3;
	v30 =	vld [tilespmem:s18+$0xFFFFFFA0];
	[tilespmem:v19+s26+$0x0] =	vst.idx.msk $0xffff, v22  }
0x24e: {  	v19 =	vadd.s32 s16, v8;
	[tilespmem:v20+s26+$0x0] =	vst.idx.msk $0xffff, v14;
	v14 =	vmul.f32 v23, v3;
	v20 =	vld [tilespmem:s18+$0x130]  }
0x24f: {  	v22 =	vadd.s32 s3, v2;
	s3 =	smov.u32 s14;
	[tilespmem:v13+s26+$0x0] =	vst.idx.msk $0xffff, v18;
	v15 =	vld [tilespmem:s18+$0xFFFFFE30]  }
0x250: {  	v33 =	vadd.s32 s17, v4;
	v17 =	vmul.f32 v17, v5;
	v18 =	vmul.f32 v24, v7;
	v32 =	vld [tilespmem:s4+$0xFFFFFE10];
	[tilespmem:v16+s26+$0x0] =	vst.idx.msk $0xffff, v14  }
.Ltmp5:
0x251: {  	v13 =	vadd.s32 s7, v2;
	s7 =	smov.u32 s13;
	v34 =	vmul.f32 v25, v1;
	v21 =	vld [tilespmem:s18+$0x30];
	[tilespmem:v27+s26+$0x0] =	vst.idx.msk $0xffff, v31;
	(pc) =	sbr.rel @p0 .LBB2_13-.Ltmp5, $4  }
0x252: {  	v25 =	vadd.s32 s21, v2;
	v27 =	vmul.f32 v26, v1;
	s21 =	smov.u32 s20;
	[tilespmem:v28+s26+$0x0] =	vst.idx.msk $0xffff, v18;
	v16 =	vld [tilespmem:s18+$0xFFFFFEB0];
	v28 =	vmul.f32 v30, v3  }
0x253: {  	v23 =	vadd.s32 s22, v2;
	s22 =	smov.u32 s19;
	[tilespmem:v19+s26+$0x0] =	vst.idx.msk $0xffff, v29;
	v18 =	vld [tilespmem:s18+$0xB0];
	v26 =	vmul.f32 v20, v1  }
0x254: {  	v24 =	vadd.s32 s3, v6;
	v14 =	vld [tilespmem:s4+$0xFFFFFE90];
	[tilespmem:v22+s26+$0x0] =	vst.idx.msk $0xffff, v34  }
0x255: {  	v22 =	vadd.s32 s11, v6;
	s4 =	sadd.s32 $0x400, s4;
	v20 =	vmul.f32 v32, v5;
	v19 =	vld [tilespmem:s2+$0x190];
	[tilespmem:v33+s26+$0x0] =	vst.idx.msk $0xffff, v28  }
0x256: {  	_ =	sdelay $0x3  }
0x257: {  	[tilespmem:v13+s26+$0x0] =	vst.idx.msk $0xffff, v27  }
0x258: {  	[tilespmem:v25+s26+$0x0] =	vst.idx.msk $0xffff, v26;
	v10 =	vmul.f32 v10, v7  }
0x259: {  	v62 =	vld [tilespmem:s18+$0xFFFFFFB0];
	v63 =	vadd.s32 s9, v2;
	[tilespmem:v24+s26+$0x0] =	vst.idx.msk $0xffff, v17  }
0x25a: {  	v21 =	vmul.f32 v21, v1;
	v26 =	vld [tilespmem:s2+$0x110];
	v28 =	vadd.s32 s7, v6;
	[tilespmem:v12+s26+$0x0] =	vst.idx.msk $0xffff, v10  }
0x25b: {  	v27 =	vadd.s32 s17, v2;
	[tilespmem:v22+s26+$0x0] =	vst.idx.msk $0xffff, v20;
	v10 =	vmul.f32 v15, v1;
	v29 =	vld [tilespmem:s2+$0x10]  }
0x25c: {  	v30 =	vadd.s32 s21, v6;
	v16 =	vmul.f32 v16, v1;
	[tilespmem:v23+s26+$0x0] =	vst.idx.msk $0xffff, v21  }
0x25d: {  	[tilespmem:v11+s26+$0x0] =	vst.idx.msk $0xffff, v10;
	v11 =	vadd.s32 s22, v6;
	v19 =	vmul.f32 v19, v5  }
0x25e: {  	v31 =	vadd.s32 s12, v2;
	v32 =	vld [tilespmem:s2+$0xFFFFFF90];
	v10 =	vmul.f32 v62, v1;
	[tilespmem:v63+s26+$0x0] =	vst.idx.msk $0xffff, v16  }
0x25f: {  	v33 =	vld [tilespmem:s2+$0x90];
	v34 =	vadd.s32 s8, v6;
	v21 =	vmul.f32 v26, v5;
	[tilespmem:v28+s26+$0x0] =	vst.idx.msk $0xffff, v19  }
0x260: {  	v35 =	vadd.s32 s16, v6;
	[tilespmem:v27+s26+$0x0] =	vst.idx.msk $0xffff, v10;
	v10 =	vld [tilespmem:s2+$0xFFFFFF20];
	v36 =	vmul.f32 v29, v5  }
0x261: {  	v38 =	vadd.s32 s1, v6;
	v37 =	vmul.f32 v18, v1;
	v19 =	vld [tilespmem:s2+$0x1A0];
	[tilespmem:v30+s26+$0x0] =	vst.idx.msk $0xffff, v21  }
0x262: {  	v39 =	vadd.s32 s3, v4;
	v14 =	vmul.f32 v14, v5;
	v21 =	vld [tilespmem:s2+$0x120];
	[tilespmem:v11+s26+$0x0] =	vst.idx.msk $0xffff, v36  }
0x263: {  	v40 =	vadd.s32 s7, v4;
	[tilespmem:v31+s26+$0x0] =	vst.idx.msk $0xffff, v37;
	v11 =	vmul.f32 v32, v5;
	v41 =	vld [tilespmem:s2+$0x20]  }
0x264: {  	v44 =	vadd.s32 s21, v4;
	v43 =	vld [tilespmem:s2+$0xFFFFFE20];
	[tilespmem:v34+s26+$0x0] =	vst.idx.msk $0xffff, v14;
	v42 =	vmul.f32 v33, v5  }
0x265: {  	v45 =	vadd.s32 s22, v4;
	v10 =	vmul.f32 v10, v3;
	[tilespmem:v35+s26+$0x0] =	vst.idx.msk $0xffff, v11;
	v11 =	vld [tilespmem:s2+$0xFFFFFEA0]  }
0x266: {  	v47 =	vadd.s32 s11, v4;
	[tilespmem:v38+s26+$0x0] =	vst.idx.msk $0xffff, v42;
	v46 =	vmul.f32 v19, v3;
	v48 =	vld [tilespmem:s2+$0xFFFFFFA0]  }
0x267: {  	v49 =	vadd.s32 s8, v4;
	v21 =	vmul.f32 v21, v3;
	[tilespmem:v39+s26+$0x0] =	vst.idx.msk $0xffff, v10;
	v10 =	vld [tilespmem:s2+$0xA0]  }
0x268: {  	v51 =	vadd.s32 s16, v4;
	[tilespmem:v40+s26+$0x0] =	vst.idx.msk $0xffff, v46;
	v50 =	vld [tilespmem:s2+$0xFFFFFF30];
	v13 =	vmul.f32 v41, v3  }
0x269: {  	v53 =	vadd.s32 s1, v4;
	v15 =	vmul.f32 v43, v3;
	v52 =	vld [tilespmem:s2+$0x1B0];
	[tilespmem:v44+s26+$0x0] =	vst.idx.msk $0xffff, v21  }
0x26a: {  	v54 =	vadd.s32 s3, v2;
	v16 =	vld [tilespmem:s2+$0x130];
	v11 =	vmul.f32 v11, v3;
	[tilespmem:v45+s26+$0x0] =	vst.idx.msk $0xffff, v13  }
0x26b: {  	v55 =	vadd.s32 s7, v2;
	[tilespmem:v47+s26+$0x0] =	vst.idx.msk $0xffff, v15;
	v56 =	vmul.f32 v48, v3;
	v13 =	vld [tilespmem:s2+$0x30]  }
0x26c: {  	v57 =	vadd.s32 s21, v2;
	[tilespmem:v49+s26+$0x0] =	vst.idx.msk $0xffff, v11;
	v10 =	vmul.f32 v10, v3;
	v11 =	vld [tilespmem:s2+$0xFFFFFE30]  }
0x26d: {  	v59 =	vadd.s32 s22, v2;
	v12 =	vmul.f32 v50, v1;
	v58 =	vld [tilespmem:s2+$0xFFFFFEB0];
	[tilespmem:v51+s26+$0x0] =	vst.idx.msk $0xffff, v56  }
0x26e: {  	[tilespmem:v53+s26+$0x0] =	vst.idx.msk $0xffff, v10;
	v10 =	vmul.f32 v52, v1;
	v14 =	vld [tilespmem:s2+$0xFFFFFFB0]  }
0x26f: {  	v61 =	vadd.s32 s8, v2;
	v16 =	vmul.f32 v16, v1;
	v60 =	vld [tilespmem:s2+$0xB0];
	[tilespmem:v54+s26+$0x0] =	vst.idx.msk $0xffff, v12  }
0x270: {  	[tilespmem:v55+s26+$0x0] =	vst.idx.msk $0xffff, v10;
	v10 =	vadd.s32 s16, v2;
	v13 =	vmul.f32 v13, v1  }
0x271: {  	v62 =	vadd.s32 s1, v2;
	[tilespmem:v57+s26+$0x0] =	vst.idx.msk $0xffff, v16;
	v11 =	vmul.f32 v11, v1  }
0x272: {  	v63 =	vmul.f32 v58, v1;
	[tilespmem:v59+s26+$0x0] =	vst.idx.msk $0xffff, v13  }
0x273: {  	[tilespmem:v9+s26+$0x0] =	vst.idx.msk $0xffff, v11;
	v9 =	vmul.f32 v14, v1  }
0x274: {  	v11 =	vmul.f32 v60, v1;
	[tilespmem:v61+s26+$0x0] =	vst.idx.msk $0xffff, v63  }
0x275: {  	s19 =	rddreg [dreg:$0xc];
	[tilespmem:v10+s26+$0x0] =	vst.idx.msk $0xffff, v9  }
0x276: {  	s20 =	simm.s32 $0x4100;
	s1 =	sadd.s32 s0, s19;
	[tilespmem:v62+s26+$0x0] =	vst.idx.msk $0xffff, v11  }
0x277: {  	p0 =	sne.s32 s31, $0x6;
	s1 =	sshll.u32 s1, $0x4;
	s21 =	rddreg [dreg:$0xd]  }
.Ltmp6:
0x278: {  	s1 =	sadd.s32 s6, s1;
	s22 =	sadd.s32 s0, s21;
	(pc) =	sbr.rel @p0 .LBB2_10-.Ltmp6, $4  }
0x279: {  	[tilespmem:s20], [sflag:$0x2] =	stream.linear.gather [hbm4b:s1+s5], $0x4000, $0x38;
	[tilespmem:$0x10100] =	vst v63  }
0x27a: {  	s30 =	rddreg [dreg:$0x3];
	s0 =	sshll.u32 s22, $0x4  }
0x27b: {  	s0 =	sadd.s32 s30, s0  }
0x27c: {  	[hbm4b:s0+s5] =	stream.linear.scatter [tilespmem:s26], [sflag:$0x4], $0x4000, $0x38;
	[tilespmem:$0x10100] =	vst v63  }
0x27d: {  	_ =	swait.ge [sflag:s28], $0x4000  }
0x27e: {  	[sflag:s28] =	ssyncset.done $0x0  }
0x27f: {  	[sflag:s28] =	ssyncadd.s32 $0xFFFFC000  }
0x280: {  	_ =	swait.ge [sflag:s23], $0x4000  }
0x281: {  	[sflag:s23] =	ssyncset.done $0x0  }
0x282: {  	s18 =	simm.s32 $0x300;
	[sflag:s23] =	ssyncadd.s32 $0xFFFFC000  }
0x283: {  	v9 =	vld [tilespmem:s18+$0xFFFFFF00]  }
0x284: {  	v10 =	vld [tilespmem:s18+$0xFFFFFE00]  }
0x285: {  	v12 =	vld [tilespmem:s18+$0xFFFFFE80]  }
0x286: {  	s14 =	simm.s32 $0x100;
	v14 =	vld [tilespmem:s18+$0x180]  }
0x287: {  	s13 =	simm.s32 $0x0;
	v11 =	vadd.s32 s14, v8;
	v16 =	vld [tilespmem:s18+$0x100]  }
0x288: {  	s9 =	simm.s32 $0x80;
	v13 =	vadd.s32 s13, v8;
	v17 =	vld [tilespmem:s18+$0x80]  }
0x289: {  	s19 =	simm.s32 $0x300;
	v15 =	vadd.s32 s9, v8;
	v19 =	vld [tilespmem:s18+$0xFFFFFF80]  }
0x28a: {  	s4 =	simm.s32 $0x380;
	s0 =	simm.s32 $0x700;
	v20 =	vadd.s32 s19, v8;
	v21 =	vld [tilespmem:s18+$0x0];
	v9 =	vmul.f32 v9, v7  }
0x28b: {  	v18 =	vadd.s32 s4, v8;
	v23 =	vld [tilespmem:s0+$0xFFFFFF00];
	v10 =	vmul.f32 v10, v7  }
0x28c: {  	s17 =	simm.s32 $0x180;
	v25 =	vld [tilespmem:s0+$0xFFFFFE80];
	[tilespmem:v11+s24+$0x0] =	vst.idx.msk $0xffff, v9;
	v9 =	vmul.f32 v12, v7  }
0x28d: {  	s12 =	simm.s32 $0x280;
	[tilespmem:v13+s24+$0x0] =	vst.idx.msk $0xffff, v10;
	v12 =	vmul.f32 v16, v7;
	v13 =	vadd.s32 s17, v8;
	v11 =	vld [tilespmem:s18+$0xFFFFFF10]  }
0x28e: {  	v10 =	vmul.f32 v14, v7;
	v14 =	vadd.s32 s12, v8;
	v16 =	vmul.f32 v19, v7;
	v19 =	vld [tilespmem:s0+$0x80];
	[tilespmem:v15+s24+$0x0] =	vst.idx.msk $0xffff, v9  }
0x28f: {  	v9 =	vld [tilespmem:s18+$0xFFFFFE10];
	[tilespmem:v20+s24+$0x0] =	vst.idx.msk $0xffff, v12;
	v12 =	vadd.s32 s14, v6  }
0x290: {  	s15 =	simm.s32 $0x200;
	[tilespmem:v18+s24+$0x0] =	vst.idx.msk $0xffff, v10;
	v10 =	vld [tilespmem:s18+$0xFFFFFE90]  }
0x291: {  	v17 =	vmul.f32 v17, v7;
	v20 =	vadd.s32 s15, v8;
	v15 =	vld [tilespmem:s18+$0x190]  }
0x292: {  	v18 =	vld [tilespmem:s18+$0x110];
	[tilespmem:v13+s24+$0x0] =	vst.idx.msk $0xffff, v16;
	v13 =	vadd.s32 s13, v6;
	v11 =	vmul.f32 v11, v5  }
0x293: {  	[tilespmem:v14+s24+$0x0] =	vst.idx.msk $0xffff, v17;
	v17 =	vadd.s32 s9, v6;
	v14 =	vld [tilespmem:s18+$0xFFFFFF90]  }
0x294: {  	v21 =	vmul.f32 v21, v7;
	v16 =	vld [tilespmem:s0+$0xFFFFFE00];
	[tilespmem:v12+s24+$0x0] =	vst.idx.msk $0xffff, v11;
	v11 =	vadd.s32 s4, v6  }
0x295: {  	v24 =	vadd.s32 s17, v6;
	v9 =	vmul.f32 v9, v5;
	v22 =	vld [tilespmem:s18+$0xFFFFFF20]  }
0x296: {  	v27 =	vadd.s32 s19, v6;
	[tilespmem:v20+s24+$0x0] =	vst.idx.msk $0xffff, v21;
	v12 =	vld [tilespmem:s18+$0x90];
	v26 =	vmul.f32 v10, v5  }
0x297: {  	v21 =	vld [tilespmem:s18+$0x10];
	[tilespmem:v13+s24+$0x0] =	vst.idx.msk $0xffff, v9;
	v9 =	vmul.f32 v15, v5;
	v15 =	vadd.s32 s14, v4  }
0x298: {  	s2 =	simm.s32 $0x500;
	v20 =	vadd.s32 s12, v6;
	v10 =	vld [tilespmem:s0+$0x0];
	[tilespmem:v17+s24+$0x0] =	vst.idx.msk $0xffff, v26;
	v14 =	vmul.f32 v14, v5  }
0x299: {  	v18 =	vmul.f32 v18, v5;
	v13 =	vld [tilespmem:s0+$0xFFFFFF80];
	[tilespmem:v11+s24+$0x0] =	vst.idx.msk $0xffff, v9;
	v9 =	vadd.s32 s2, v8  }
0x29a: {  	s1 =	simm.s32 $0x680;
	v26 =	vld [tilespmem:s18+$0xFFFFFE20];
	[tilespmem:v24+s24+$0x0] =	vst.idx.msk $0xffff, v14;
	v14 =	vadd.s32 s15, v6;
	v11 =	vmul.f32 v22, v3  }
0x29b: {  	s11 =	simm.s32 $0x400;
	[tilespmem:v27+s24+$0x0] =	vst.idx.msk $0xffff, v18;
	v12 =	vmul.f32 v12, v5;
	v17 =	vld [tilespmem:s18+$0x1A0];
	v22 =	vadd.s32 s1, v8  }
0x29c: {  	[tilespmem:v15+s24+$0x0] =	vst.idx.msk $0xffff, v11;
	v11 =	vadd.s32 s11, v8;
	v15 =	vmul.f32 v23, v7;
	v23 =	vld [tilespmem:s18+$0xFFFFFEA0]  }
0x29d: {  	v18 =	vadd.s32 s4, v4;
	v24 =	vld [tilespmem:s0+$0x100];
	[tilespmem:v20+s24+$0x0] =	vst.idx.msk $0xffff, v12;
	v12 =	vmul.f32 v21, v5  }
0x29e: {  	s3 =	simm.s32 $0x700;
	[tilespmem:v9+s24+$0x0] =	vst.idx.msk $0xffff, v15;
	v9 =	vmul.f32 v19, v7;
	v15 =	vadd.s32 s9, v4;
	v19 =	vld [tilespmem:s18+$0x120]  }
0x29f: {  	v16 =	vmul.f32 v16, v7;
	v21 =	vadd.s32 s3, v8;
	v20 =	vld [tilespmem:s18+$0xA0];
	[tilespmem:v14+s24+$0x0] =	vst.idx.msk $0xffff, v12  }
0x2a0: {  	s8 =	simm.s32 $0x480;
	v14 =	vld [tilespmem:s0+$0xFFFFFF10];
	v12 =	vmul.f32 v17, v3;
	[tilespmem:v22+s24+$0x0] =	vst.idx.msk $0xffff, v9;
	v9 =	vadd.s32 s19, v4  }
0x2a1: {  	v17 =	vld [tilespmem:s18+$0x20];
	v22 =	vadd.s32 s8, v8;
	[tilespmem:v11+s24+$0x0] =	vst.idx.msk $0xffff, v16;
	v16 =	vmul.f32 v23, v3  }
0x2a2: {  	v11 =	vadd.s32 s13, v4;
	v23 =	vmul.f32 v24, v7;
	v24 =	vld [tilespmem:s0+$0x180];
	[tilespmem:v18+s24+$0x0] =	vst.idx.msk $0xffff, v12  }
0x2a3: {  	s7 =	simm.s32 $0x780;
	v12 =	vadd.s32 s15, v4;
	v18 =	vld [tilespmem:s18+$0xFFFFFF30];
	[tilespmem:v15+s24+$0x0] =	vst.idx.msk $0xffff, v16;
	v15 =	vmul.f32 v19, v3  }
0x2a4: {  	v29 =	vld [tilespmem:s0+$0xFFFFFE10];
	[tilespmem:v21+s24+$0x0] =	vst.idx.msk $0xffff, v23;
	v23 =	vmul.f32 v25, v7;
	v25 =	vadd.s32 s7, v8  }
0x2a5: {  	s16 =	simm.s32 $0x580;
	v16 =	vmul.f32 v26, v3;
	v21 =	vadd.s32 s12, v4;
	v26 =	vld [tilespmem:s18+$0xFFFFFFA0];
	[tilespmem:v9+s24+$0x0] =	vst.idx.msk $0xffff, v15  }
0x2a6: {  	v27 =	vadd.s32 s16, v8;
	v19 =	vld [tilespmem:s18+$0x1B0];
	v9 =	vmul.f32 v17, v3;
	[tilespmem:v22+s24+$0x0] =	vst.idx.msk $0xffff, v23  }
0x2a7: {  	v30 =	vadd.s32 s17, v4;
	[tilespmem:v11+s24+$0x0] =	vst.idx.msk $0xffff, v16;
	v28 =	vld [tilespmem:s18+$0x130];
	v17 =	vmul.f32 v24, v7  }
0x2a8: {  	v16 =	vmul.f32 v20, v3;
	v20 =	vadd.s32 s14, v2;
	v15 =	vld [tilespmem:s18+$0xFFFFFE30];
	[tilespmem:v12+s24+$0x0] =	vst.idx.msk $0xffff, v9  }
0x2a9: {  	v22 =	vmul.f32 v13, v7;
	v23 =	vadd.s32 s2, v6;
	v13 =	vld [tilespmem:s18+$0x30];
	[tilespmem:v25+s24+$0x0] =	vst.idx.msk $0xffff, v17;
	v25 =	vadd.s32 s4, v2  }
0x2aa: {  	v11 =	vadd.s32 s13, v2;
	v24 =	vadd.s32 s19, v2;
	[tilespmem:v21+s24+$0x0] =	vst.idx.msk $0xffff, v16;
	v17 =	vld [tilespmem:s18+$0xFFFFFEB0];
	v31 =	vmul.f32 v26, v3  }
0x2ab: {  	s21 =	simm.s32 $0x600;
	v9 =	vadd.s32 s11, v2;
	[tilespmem:v27+s24+$0x0] =	vst.idx.msk $0xffff, v22;
	v22 =	vadd.s32 s15, v2;
	v21 =	vmul.f32 v18, v1;
	v18 =	vld [tilespmem:s18+$0xB0]  }
0x2ac: {  	v12 =	vadd.s32 s21, v8;
	v16 =	vmul.f32 v14, v5;
	v27 =	vmul.f32 v19, v1;
	v14 =	vld [tilespmem:s0+$0xFFFFFE90];
	[tilespmem:v30+s24+$0x0] =	vst.idx.msk $0xffff, v31  }
0x2ad: {  	s22 =	simm.s32 $0x10;
	s4 =	simm.s32 $0xB00;
	v19 =	vld [tilespmem:s0+$0x190];
	v26 =	vmul.f32 v28, v1;
	[tilespmem:v20+s24+$0x0] =	vst.idx.msk $0xffff, v21;
	v20 =	vmul.f32 v29, v5;
	v21 =	vadd.s32 s11, v6  }
.LBB2_16:
0x2ae: {  	s15 =	sshll.u32 s22, $0x7;
	p0 =	slt.u32 s22, $0x78;
	s22 =	sadd.s32 $0x8, s22;
	v28 =	vadd.s32 s9, v2;
	v29 =	vld [tilespmem:s18+$0xFFFFFFB0];
	v30 =	vmul.f32 v13, v1;
	v31 =	vadd.s32 s12, v2;
	[tilespmem:v25+s24+$0x0] =	vst.idx.msk $0xffff, v27  }
0x2af: {  	v32 =	vadd.s32 s17, v2;
	v25 =	vadd.s32 s15, v2;
	s10 =	sadd.s32 $0x80, s15;
	s14 =	sadd.s32 $0x100, s15;
	s18 =	sadd.s32 $0x280, s15;
	v27 =	vld [tilespmem:s0+$0x110];
	[tilespmem:v24+s24+$0x0] =	vst.idx.msk $0xffff, v26  }
0x2b0: {  	s19 =	sadd.s32 $0x200, s15;
	s20 =	sadd.s32 $0x300, s15;
	s13 =	sadd.s32 $0x380, s15;
	v13 =	vadd.s32 s10, v8;
	v24 =	vadd.s32 s14, v8;
	v26 =	vld [tilespmem:s4+$0x80];
	[tilespmem:v22+s24+$0x0] =	vst.idx.msk $0xffff, v30;
	v18 =	vmul.f32 v18, v1  }
0x2b1: {  	v15 =	vmul.f32 v15, v1;
	s9 =	smov.u32 s8;
	s30 =	sadd.s32 $0x180, s15;
	v30 =	vadd.s32 s15, v8;
	s8 =	smov.u32 s10;
	v22 =	vld [tilespmem:s4+$0xFFFFFE00];
	[tilespmem:v23+s24+$0x0] =	vst.idx.msk $0xffff, v16  }
0x2b2: {  	s12 =	smov.u32 s1;
	s17 =	smov.u32 s16;
	v17 =	vmul.f32 v17, v1;
	s1 =	smov.u32 s18;
	[tilespmem:v21+s24+$0x0] =	vst.idx.msk $0xffff, v20;
	v16 =	vld [tilespmem:s0+$0xFFFFFF90];
	v20 =	vadd.s32 s7, v6  }
0x2b3: {  	s16 =	smov.u32 s30;
	s18 =	smov.u32 s0;
	v21 =	vadd.s32 s1, v8;
	v19 =	vmul.f32 v19, v5;
	v23 =	vld [tilespmem:s0+$0x90];
	[tilespmem:v11+s24+$0x0] =	vst.idx.msk $0xffff, v15;
	v15 =	vmul.f32 v29, v1;
	s0 =	smov.u32 s4  }
0x2b4: {  	v29 =	vadd.s32 s9, v6;
	v11 =	vmovc v9;
	v9 =	vmov v25;
	v33 =	vld [tilespmem:s18+$0xFFFFFF20];
	v27 =	vmul.f32 v27, v5;
	[tilespmem:v28+s24+$0x0] =	vst.idx.msk $0xffff, v17  }
0x2b5: {  	v10 =	vmul.f32 v10, v7;
	v25 =	vadd.s32 s17, v6;
	v17 =	vld [tilespmem:s4+$0xFFFFFF00];
	[tilespmem:v32+s24+$0x0] =	vst.idx.msk $0xffff, v15  }
0x2b6: {  	v28 =	vadd.s32 s2, v4;
	v15 =	vld [tilespmem:s4+$0xFFFFFF80];
	[tilespmem:v31+s24+$0x0] =	vst.idx.msk $0xffff, v18  }
0x2b7: {  	v14 =	vmul.f32 v14, v5;
	v31 =	vadd.s32 s12, v6;
	v18 =	vld [tilespmem:s4+$0xFFFFFE80];
	[tilespmem:v12+s24+$0x0] =	vst.idx.msk $0xffff, v10  }
0x2b8: {  	v32 =	vadd.s32 s3, v6;
	v12 =	vmul.f32 v16, v5;
	v16 =	vld [tilespmem:s18+$0x10];
	[tilespmem:v20+s24+$0x0] =	vst.idx.msk $0xffff, v19  }
0x2b9: {  	v10 =	vld [tilespmem:s4+$0x0];
	[tilespmem:v29+s24+$0x0] =	vst.idx.msk $0xffff, v14;
	v14 =	vmul.f32 v33, v3  }
0x2ba: {  	v19 =	vadd.s32 s21, v6;
	v20 =	vmul.f32 v23, v5;
	[tilespmem:v25+s24+$0x0] =	vst.idx.msk $0xffff, v12;
	v23 =	vld [tilespmem:s18+$0x1A0]  }
0x2bb: {  	v25 =	vld [tilespmem:s4+$0x100];
	[tilespmem:v28+s24+$0x0] =	vst.idx.msk $0xffff, v14  }
0x2bc: {  	v12 =	vadd.s32 s19, v8;
	v14 =	vmul.f32 v17, v7;
	v17 =	vld [tilespmem:s18+$0xFFFFFEA0];
	[tilespmem:v31+s24+$0x0] =	vst.idx.msk $0xffff, v20  }
0x2bd: {  	v20 =	vmul.f32 v22, v7;
	v16 =	vmul.f32 v16, v5;
	v22 =	vld [tilespmem:s18+$0xA0];
	[tilespmem:v32+s24+$0x0] =	vst.idx.msk $0xffff, v27;
	v27 =	vadd.s32 s7, v4  }
0x2be: {  	[tilespmem:v24+s24+$0x0] =	vst.idx.msk $0xffff, v14;
	v14 =	vmul.f32 v26, v7;
	v24 =	vadd.s32 s9, v4;
	v26 =	vld [tilespmem:s18+$0x120]  }
0x2bf: {  	v28 =	vmul.f32 v15, v7;
	v15 =	vadd.s32 s20, v8;
	v29 =	vld [tilespmem:s18+$0xFFFFFE20];
	[tilespmem:v19+s24+$0x0] =	vst.idx.msk $0xffff, v16  }
0x2c0: {  	v19 =	vadd.s32 s3, v4;
	v16 =	vld [tilespmem:s4+$0xFFFFFF10];
	[tilespmem:v21+s24+$0x0] =	vst.idx.msk $0xffff, v14;
	v14 =	vmul.f32 v25, v7;
	v21 =	vmul.f32 v23, v3  }
0x2c1: {  	v18 =	vmul.f32 v18, v7;
	[tilespmem:v30+s24+$0x0] =	vst.idx.msk $0xffff, v20;
	v20 =	vadd.s32 s11, v4;
	v17 =	vmul.f32 v17, v3;
	v23 =	vld [tilespmem:s18+$0x20];
	s11 =	smov.u32 s15  }
0x2c2: {  	v25 =	vld [tilespmem:s4+$0x180];
	[tilespmem:v27+s24+$0x0] =	vst.idx.msk $0xffff, v21  }
0x2c3: {  	[tilespmem:v24+s24+$0x0] =	vst.idx.msk $0xffff, v17;
	v17 =	vadd.s32 s21, v4;
	v21 =	vmul.f32 v26, v3;
	v26 =	vld [tilespmem:s18+$0x1B0]  }
0x2c4: {  	v27 =	vadd.s32 s12, v4;
	[tilespmem:v15+s24+$0x0] =	vst.idx.msk $0xffff, v14;
	v14 =	vmul.f32 v29, v3;
	v24 =	vld [tilespmem:s18+$0xFFFFFF30]  }
0x2c5: {  	v22 =	vmul.f32 v22, v3;
	v29 =	vadd.s32 s13, v8;
	v30 =	vld [tilespmem:s18+$0xFFFFFFA0];
	[tilespmem:v19+s24+$0x0] =	vst.idx.msk $0xffff, v21  }
0x2c6: {  	v19 =	vadd.s32 s16, v8;
	[tilespmem:v20+s24+$0x0] =	vst.idx.msk $0xffff, v14;
	v14 =	vmul.f32 v23, v3;
	v20 =	vld [tilespmem:s18+$0x130]  }
0x2c7: {  	v21 =	vadd.s32 s2, v2;
	s2 =	smov.u32 s14;
	[tilespmem:v13+s24+$0x0] =	vst.idx.msk $0xffff, v18;
	v15 =	vld [tilespmem:s18+$0xFFFFFE30]  }
0x2c8: {  	v32 =	vadd.s32 s17, v4;
	v16 =	vmul.f32 v16, v5;
	v18 =	vmul.f32 v25, v7;
	v31 =	vld [tilespmem:s4+$0xFFFFFE10];
	[tilespmem:v17+s24+$0x0] =	vst.idx.msk $0xffff, v14  }
.Ltmp7:
0x2c9: {  	v25 =	vadd.s32 s7, v2;
	s7 =	smov.u32 s13;
	v33 =	vmul.f32 v24, v1;
	v13 =	vld [tilespmem:s18+$0x30];
	[tilespmem:v27+s24+$0x0] =	vst.idx.msk $0xffff, v22;
	(pc) =	sbr.rel @p0 .LBB2_16-.Ltmp7, $4  }
0x2ca: {  	v24 =	vadd.s32 s3, v2;
	v27 =	vmul.f32 v26, v1;
	s3 =	smov.u32 s20;
	[tilespmem:v29+s24+$0x0] =	vst.idx.msk $0xffff, v18;
	v17 =	vld [tilespmem:s18+$0xFFFFFEB0];
	v29 =	vmul.f32 v30, v3  }
0x2cb: {  	v22 =	vadd.s32 s21, v2;
	s21 =	smov.u32 s19;
	[tilespmem:v19+s24+$0x0] =	vst.idx.msk $0xffff, v28;
	v18 =	vld [tilespmem:s18+$0xB0];
	v26 =	vmul.f32 v20, v1  }
0x2cc: {  	v23 =	vadd.s32 s2, v6;
	v14 =	vld [tilespmem:s4+$0xFFFFFE90];
	[tilespmem:v21+s24+$0x0] =	vst.idx.msk $0xffff, v33  }
0x2cd: {  	v21 =	vadd.s32 s11, v6;
	s4 =	sadd.s32 $0x400, s4;
	v20 =	vmul.f32 v31, v5;
	v19 =	vld [tilespmem:s0+$0x190];
	[tilespmem:v32+s24+$0x0] =	vst.idx.msk $0xffff, v29  }
0x2ce: {  	_ =	sdelay $0x3  }
0x2cf: {  	v13 =	vmul.f32 v13, v1;
	[tilespmem:v25+s24+$0x0] =	vst.idx.msk $0xffff, v27  }
0x2d0: {  	v25 =	vld [tilespmem:s18+$0xFFFFFFB0];
	[tilespmem:v24+s24+$0x0] =	vst.idx.msk $0xffff, v26;
	v10 =	vmul.f32 v10, v7  }
0x2d1: {  	v24 =	vadd.s32 s9, v2;
	[tilespmem:v22+s24+$0x0] =	vst.idx.msk $0xffff, v13  }
0x2d2: {  	v13 =	vld [tilespmem:s0+$0x110];
	v22 =	vadd.s32 s17, v2;
	[tilespmem:v12+s24+$0x0] =	vst.idx.msk $0xffff, v10  }
0x2d3: {  	[tilespmem:v23+s24+$0x0] =	vst.idx.msk $0xffff, v16;
	v10 =	vmul.f32 v15, v1;
	v12 =	vadd.s32 s7, v6;
	v15 =	vld [tilespmem:s0+$0x10]  }
0x2d4: {  	[tilespmem:v21+s24+$0x0] =	vst.idx.msk $0xffff, v20;
	v16 =	vmul.f32 v17, v1;
	v17 =	vadd.s32 s3, v6  }
0x2d5: {  	[tilespmem:v11+s24+$0x0] =	vst.idx.msk $0xffff, v10;
	v11 =	vadd.s32 s21, v6;
	v10 =	vmul.f32 v25, v1  }
0x2d6: {  	v20 =	vadd.s32 s12, v2;
	v21 =	vld [tilespmem:s0+$0xFFFFFF90];
	v19 =	vmul.f32 v19, v5;
	[tilespmem:v24+s24+$0x0] =	vst.idx.msk $0xffff, v16  }
0x2d7: {  	v23 =	vadd.s32 s8, v6;
	v16 =	vld [tilespmem:s0+$0x90];
	v13 =	vmul.f32 v13, v5;
	[tilespmem:v22+s24+$0x0] =	vst.idx.msk $0xffff, v10  }
0x2d8: {  	v10 =	vld [tilespmem:s0+$0xFFFFFF20];
	v22 =	vadd.s32 s16, v6;
	[tilespmem:v12+s24+$0x0] =	vst.idx.msk $0xffff, v19;
	v12 =	vmul.f32 v15, v5  }
0x2d9: {  	v15 =	vmul.f32 v18, v1;
	v18 =	vadd.s32 s1, v6;
	v19 =	vld [tilespmem:s0+$0x1A0];
	[tilespmem:v17+s24+$0x0] =	vst.idx.msk $0xffff, v13  }
0x2da: {  	v14 =	vmul.f32 v14, v5;
	v13 =	vadd.s32 s2, v4;
	v17 =	vld [tilespmem:s0+$0x120];
	[tilespmem:v11+s24+$0x0] =	vst.idx.msk $0xffff, v12  }
0x2db: {  	[tilespmem:v20+s24+$0x0] =	vst.idx.msk $0xffff, v15;
	v11 =	vmul.f32 v21, v5;
	v12 =	vadd.s32 s7, v4;
	v15 =	vld [tilespmem:s0+$0x20]  }
0x2dc: {  	[tilespmem:v23+s24+$0x0] =	vst.idx.msk $0xffff, v14;
	v14 =	vmul.f32 v16, v5;
	v16 =	vld [tilespmem:s0+$0xFFFFFE20];
	v20 =	vadd.s32 s3, v4  }
0x2dd: {  	v21 =	vadd.s32 s21, v4;
	v10 =	vmul.f32 v10, v3;
	[tilespmem:v22+s24+$0x0] =	vst.idx.msk $0xffff, v11;
	v11 =	vld [tilespmem:s0+$0xFFFFFEA0]  }
0x2de: {  	[tilespmem:v18+s24+$0x0] =	vst.idx.msk $0xffff, v14;
	v14 =	vmul.f32 v19, v3;
	v18 =	vadd.s32 s11, v4;
	v19 =	vld [tilespmem:s0+$0xFFFFFFA0]  }
0x2df: {  	[tilespmem:v13+s24+$0x0] =	vst.idx.msk $0xffff, v10;
	v10 =	vld [tilespmem:s0+$0xA0];
	v13 =	vadd.s32 s8, v4;
	v17 =	vmul.f32 v17, v3  }
0x2e0: {  	[tilespmem:v12+s24+$0x0] =	vst.idx.msk $0xffff, v14;
	v12 =	vld [tilespmem:s0+$0xFFFFFF30];
	v14 =	vmul.f32 v15, v3;
	v15 =	vadd.s32 s16, v4  }
0x2e1: {  	v23 =	vadd.s32 s1, v4;
	v16 =	vmul.f32 v16, v3;
	v22 =	vld [tilespmem:s0+$0x1B0];
	[tilespmem:v20+s24+$0x0] =	vst.idx.msk $0xffff, v17  }
0x2e2: {  	v11 =	vmul.f32 v11, v3;
	v20 =	vadd.s32 s2, v2;
	v17 =	vld [tilespmem:s0+$0x130];
	[tilespmem:v21+s24+$0x0] =	vst.idx.msk $0xffff, v14  }
0x2e3: {  	[tilespmem:v18+s24+$0x0] =	vst.idx.msk $0xffff, v16;
	v16 =	vadd.s32 s7, v2;
	v18 =	vmul.f32 v19, v3;
	v14 =	vld [tilespmem:s0+$0x30]  }
0x2e4: {  	[tilespmem:v13+s24+$0x0] =	vst.idx.msk $0xffff, v11;
	v10 =	vmul.f32 v10, v3;
	v11 =	vld [tilespmem:s0+$0xFFFFFE30];
	v13 =	vadd.s32 s3, v2  }
0x2e5: {  	v21 =	vadd.s32 s21, v2;
	v12 =	vmul.f32 v12, v1;
	v19 =	vld [tilespmem:s0+$0xFFFFFEB0];
	[tilespmem:v15+s24+$0x0] =	vst.idx.msk $0xffff, v18  }
0x2e6: {  	[tilespmem:v23+s24+$0x0] =	vst.idx.msk $0xffff, v10;
	v10 =	vmul.f32 v22, v1;
	v15 =	vld [tilespmem:s0+$0xFFFFFFB0]  }
0x2e7: {  	v18 =	vld [tilespmem:s0+$0xB0];
	[tilespmem:v20+s24+$0x0] =	vst.idx.msk $0xffff, v12;
	v12 =	vadd.s32 s8, v2;
	v17 =	vmul.f32 v17, v1  }
0x2e8: {  	[tilespmem:v16+s24+$0x0] =	vst.idx.msk $0xffff, v10;
	v10 =	vadd.s32 s16, v2;
	v14 =	vmul.f32 v14, v1  }
0x2e9: {  	v16 =	vadd.s32 s1, v2;
	v11 =	vmul.f32 v11, v1;
	[tilespmem:v13+s24+$0x0] =	vst.idx.msk $0xffff, v17  }
0x2ea: {  	v13 =	vmul.f32 v19, v1;
	[tilespmem:v21+s24+$0x0] =	vst.idx.msk $0xffff, v14  }
0x2eb: {  	[tilespmem:v9+s24+$0x0] =	vst.idx.msk $0xffff, v11;
	v9 =	vmul.f32 v15, v1  }
0x2ec: {  	v11 =	vmul.f32 v18, v1;
	[tilespmem:v12+s24+$0x0] =	vst.idx.msk $0xffff, v13  }
0x2ed: {  	[tilespmem:v10+s24+$0x0] =	vst.idx.msk $0xffff, v9  }
0x2ee: {  	[tilespmem:v16+s24+$0x0] =	vst.idx.msk $0xffff, v11  }
0x2ef: {  	s30 =	simm.s32 $0x0;
	s31 =	rddreg [dreg:$0xe]  }
0x2f0: {  	[hbm4b:s31+s30] =	stream.linear.scatter [tilespmem:s24], [sflag:$0x3], $0x4000, $0x38;
	[tilespmem:$0x10100] =	vst v63  }
0x2f1: {  	_ =	swait.ge [sflag:s29], $0x4000  }
0x2f2: {  	[sflag:s29] =	ssyncset.done $0x0  }
0x2f3: {  	[sflag:s29] =	ssyncadd.s32 $0xFFFFC000  }
0x2f4: {  	_ =	swait.ge [sflag:s25], $0x4000  }
0x2f5: {  	[sflag:s25] =	ssyncset.done $0x0  }
0x2f6: {  	s18 =	simm.s32 $0x4300;
	[sflag:s25] =	ssyncadd.s32 $0xFFFFC000  }
0x2f7: {  	v9 =	vld [tilespmem:s18+$0xFFFFFF00]  }
0x2f8: {  	v10 =	vld [tilespmem:s18+$0xFFFFFE00]  }
0x2f9: {  	v12 =	vld [tilespmem:s18+$0xFFFFFE80]  }
0x2fa: {  	s14 =	simm.s32 $0x100;
	v14 =	vld [tilespmem:s18+$0x180]  }
0x2fb: {  	s13 =	simm.s32 $0x0;
	v11 =	vadd.s32 s14, v8;
	v16 =	vld [tilespmem:s18+$0x100]  }
0x2fc: {  	s9 =	simm.s32 $0x80;
	v13 =	vadd.s32 s13, v8;
	v17 =	vld [tilespmem:s18+$0x80]  }
0x2fd: {  	s19 =	simm.s32 $0x300;
	v15 =	vadd.s32 s9, v8;
	v19 =	vld [tilespmem:s18+$0xFFFFFF80]  }
0x2fe: {  	s4 =	simm.s32 $0x380;
	v20 =	vadd.s32 s19, v8;
	s0 =	simm.s32 $0x4700;
	v21 =	vld [tilespmem:s18+$0x0];
	v9 =	vmul.f32 v9, v7  }
0x2ff: {  	v18 =	vadd.s32 s4, v8;
	v23 =	vld [tilespmem:s0+$0xFFFFFF00];
	v10 =	vmul.f32 v10, v7  }
0x300: {  	s17 =	simm.s32 $0x180;
	v25 =	vld [tilespmem:s0+$0xFFFFFE80];
	[tilespmem:v11+s26+$0x0] =	vst.idx.msk $0xffff, v9;
	v9 =	vmul.f32 v12, v7  }
0x301: {  	s12 =	simm.s32 $0x280;
	[tilespmem:v13+s26+$0x0] =	vst.idx.msk $0xffff, v10;
	v12 =	vmul.f32 v16, v7;
	v13 =	vadd.s32 s17, v8;
	v11 =	vld [tilespmem:s18+$0xFFFFFF10]  }
0x302: {  	v10 =	vmul.f32 v14, v7;
	v14 =	vadd.s32 s12, v8;
	v16 =	vmul.f32 v19, v7;
	v19 =	vld [tilespmem:s0+$0x80];
	[tilespmem:v15+s26+$0x0] =	vst.idx.msk $0xffff, v9  }
0x303: {  	v9 =	vld [tilespmem:s18+$0xFFFFFE10];
	[tilespmem:v20+s26+$0x0] =	vst.idx.msk $0xffff, v12;
	v12 =	vadd.s32 s14, v6  }
0x304: {  	s15 =	simm.s32 $0x200;
	[tilespmem:v18+s26+$0x0] =	vst.idx.msk $0xffff, v10;
	v10 =	vld [tilespmem:s18+$0xFFFFFE90]  }
0x305: {  	v17 =	vmul.f32 v17, v7;
	v20 =	vadd.s32 s15, v8;
	v15 =	vld [tilespmem:s18+$0x190]  }
0x306: {  	v18 =	vld [tilespmem:s18+$0x110];
	[tilespmem:v13+s26+$0x0] =	vst.idx.msk $0xffff, v16;
	v13 =	vadd.s32 s13, v6;
	v11 =	vmul.f32 v11, v5  }
0x307: {  	[tilespmem:v14+s26+$0x0] =	vst.idx.msk $0xffff, v17;
	v17 =	vadd.s32 s9, v6;
	v14 =	vld [tilespmem:s18+$0xFFFFFF90]  }
0x308: {  	v21 =	vmul.f32 v21, v7;
	v16 =	vld [tilespmem:s0+$0xFFFFFE00];
	[tilespmem:v12+s26+$0x0] =	vst.idx.msk $0xffff, v11;
	v11 =	vadd.s32 s4, v6  }
0x309: {  	v24 =	vadd.s32 s17, v6;
	v9 =	vmul.f32 v9, v5;
	v22 =	vld [tilespmem:s18+$0xFFFFFF20]  }
0x30a: {  	v27 =	vadd.s32 s19, v6;
	[tilespmem:v20+s26+$0x0] =	vst.idx.msk $0xffff, v21;
	v12 =	vld [tilespmem:s18+$0x90];
	v26 =	vmul.f32 v10, v5  }
0x30b: {  	v21 =	vld [tilespmem:s18+$0x10];
	[tilespmem:v13+s26+$0x0] =	vst.idx.msk $0xffff, v9;
	v9 =	vmul.f32 v15, v5;
	v15 =	vadd.s32 s14, v4  }
0x30c: {  	s2 =	simm.s32 $0x500;
	v20 =	vadd.s32 s12, v6;
	v10 =	vld [tilespmem:s0+$0x0];
	[tilespmem:v17+s26+$0x0] =	vst.idx.msk $0xffff, v26;
	v14 =	vmul.f32 v14, v5  }
0x30d: {  	v18 =	vmul.f32 v18, v5;
	v13 =	vld [tilespmem:s0+$0xFFFFFF80];
	[tilespmem:v11+s26+$0x0] =	vst.idx.msk $0xffff, v9;
	v9 =	vadd.s32 s2, v8  }
0x30e: {  	s1 =	simm.s32 $0x680;
	v26 =	vld [tilespmem:s18+$0xFFFFFE20];
	[tilespmem:v24+s26+$0x0] =	vst.idx.msk $0xffff, v14;
	v14 =	vadd.s32 s15, v6;
	v11 =	vmul.f32 v22, v3  }
0x30f: {  	s11 =	simm.s32 $0x400;
	[tilespmem:v27+s26+$0x0] =	vst.idx.msk $0xffff, v18;
	v12 =	vmul.f32 v12, v5;
	v17 =	vld [tilespmem:s18+$0x1A0];
	v22 =	vadd.s32 s1, v8  }
0x310: {  	[tilespmem:v15+s26+$0x0] =	vst.idx.msk $0xffff, v11;
	v11 =	vadd.s32 s11, v8;
	v15 =	vmul.f32 v23, v7;
	v23 =	vld [tilespmem:s18+$0xFFFFFEA0]  }
0x311: {  	v18 =	vadd.s32 s4, v4;
	v24 =	vld [tilespmem:s0+$0x100];
	[tilespmem:v20+s26+$0x0] =	vst.idx.msk $0xffff, v12;
	v12 =	vmul.f32 v21, v5  }
0x312: {  	s3 =	simm.s32 $0x700;
	[tilespmem:v9+s26+$0x0] =	vst.idx.msk $0xffff, v15;
	v9 =	vmul.f32 v19, v7;
	v15 =	vadd.s32 s9, v4;
	v19 =	vld [tilespmem:s18+$0x120]  }
0x313: {  	v16 =	vmul.f32 v16, v7;
	v21 =	vadd.s32 s3, v8;
	v20 =	vld [tilespmem:s18+$0xA0];
	[tilespmem:v14+s26+$0x0] =	vst.idx.msk $0xffff, v12  }
0x314: {  	s8 =	simm.s32 $0x480;
	v14 =	vld [tilespmem:s0+$0xFFFFFF10];
	v12 =	vmul.f32 v17, v3;
	[tilespmem:v22+s26+$0x0] =	vst.idx.msk $0xffff, v9;
	v9 =	vadd.s32 s19, v4  }
0x315: {  	v17 =	vld [tilespmem:s18+$0x20];
	v22 =	vadd.s32 s8, v8;
	[tilespmem:v11+s26+$0x0] =	vst.idx.msk $0xffff, v16;
	v16 =	vmul.f32 v23, v3  }
0x316: {  	v11 =	vadd.s32 s13, v4;
	v23 =	vmul.f32 v24, v7;
	v24 =	vld [tilespmem:s0+$0x180];
	[tilespmem:v18+s26+$0x0] =	vst.idx.msk $0xffff, v12  }
0x317: {  	s7 =	simm.s32 $0x780;
	v12 =	vadd.s32 s15, v4;
	v18 =	vld [tilespmem:s18+$0xFFFFFF30];
	[tilespmem:v15+s26+$0x0] =	vst.idx.msk $0xffff, v16;
	v15 =	vmul.f32 v19, v3  }
0x318: {  	v29 =	vld [tilespmem:s0+$0xFFFFFE10];
	[tilespmem:v21+s26+$0x0] =	vst.idx.msk $0xffff, v23;
	v23 =	vmul.f32 v25, v7;
	v25 =	vadd.s32 s7, v8  }
0x319: {  	s16 =	simm.s32 $0x580;
	v16 =	vmul.f32 v26, v3;
	v21 =	vadd.s32 s12, v4;
	v26 =	vld [tilespmem:s18+$0xFFFFFFA0];
	[tilespmem:v9+s26+$0x0] =	vst.idx.msk $0xffff, v15  }
0x31a: {  	v27 =	vadd.s32 s16, v8;
	v19 =	vld [tilespmem:s18+$0x1B0];
	v9 =	vmul.f32 v17, v3;
	[tilespmem:v22+s26+$0x0] =	vst.idx.msk $0xffff, v23  }
0x31b: {  	v30 =	vadd.s32 s17, v4;
	[tilespmem:v11+s26+$0x0] =	vst.idx.msk $0xffff, v16;
	v28 =	vld [tilespmem:s18+$0x130];
	v17 =	vmul.f32 v24, v7  }
0x31c: {  	v16 =	vmul.f32 v20, v3;
	v20 =	vadd.s32 s14, v2;
	v15 =	vld [tilespmem:s18+$0xFFFFFE30];
	[tilespmem:v12+s26+$0x0] =	vst.idx.msk $0xffff, v9  }
0x31d: {  	v22 =	vmul.f32 v13, v7;
	v23 =	vadd.s32 s2, v6;
	v13 =	vld [tilespmem:s18+$0x30];
	[tilespmem:v25+s26+$0x0] =	vst.idx.msk $0xffff, v17;
	v25 =	vadd.s32 s4, v2  }
0x31e: {  	v11 =	vadd.s32 s13, v2;
	v24 =	vadd.s32 s19, v2;
	[tilespmem:v21+s26+$0x0] =	vst.idx.msk $0xffff, v16;
	v17 =	vld [tilespmem:s18+$0xFFFFFEB0];
	v31 =	vmul.f32 v26, v3  }
0x31f: {  	s21 =	simm.s32 $0x600;
	v9 =	vadd.s32 s11, v2;
	[tilespmem:v27+s26+$0x0] =	vst.idx.msk $0xffff, v22;
	v22 =	vadd.s32 s15, v2;
	v21 =	vmul.f32 v18, v1;
	v18 =	vld [tilespmem:s18+$0xB0]  }
0x320: {  	v12 =	vadd.s32 s21, v8;
	v16 =	vmul.f32 v14, v5;
	v27 =	vmul.f32 v19, v1;
	v14 =	vld [tilespmem:s0+$0xFFFFFE90];
	[tilespmem:v30+s26+$0x0] =	vst.idx.msk $0xffff, v31  }
0x321: {  	s22 =	simm.s32 $0x10;
	s4 =	simm.s32 $0x4B00;
	v19 =	vld [tilespmem:s0+$0x190];
	v26 =	vmul.f32 v28, v1;
	[tilespmem:v20+s26+$0x0] =	vst.idx.msk $0xffff, v21;
	v20 =	vmul.f32 v29, v5;
	v21 =	vadd.s32 s11, v6  }
.LBB2_18:
0x322: {  	s15 =	sshll.u32 s22, $0x7;
	p0 =	slt.u32 s22, $0x78;
	s22 =	sadd.s32 $0x8, s22;
	v28 =	vadd.s32 s9, v2;
	v29 =	vld [tilespmem:s18+$0xFFFFFFB0];
	v30 =	vmul.f32 v13, v1;
	v31 =	vadd.s32 s12, v2;
	[tilespmem:v25+s26+$0x0] =	vst.idx.msk $0xffff, v27  }
0x323: {  	v32 =	vadd.s32 s17, v2;
	v25 =	vadd.s32 s15, v2;
	s10 =	sadd.s32 $0x80, s15;
	s14 =	sadd.s32 $0x100, s15;
	s18 =	sadd.s32 $0x280, s15;
	v27 =	vld [tilespmem:s0+$0x110];
	[tilespmem:v24+s26+$0x0] =	vst.idx.msk $0xffff, v26  }
0x324: {  	s19 =	sadd.s32 $0x200, s15;
	s20 =	sadd.s32 $0x300, s15;
	s13 =	sadd.s32 $0x380, s15;
	v13 =	vadd.s32 s10, v8;
	v24 =	vadd.s32 s14, v8;
	v26 =	vld [tilespmem:s4+$0x80];
	[tilespmem:v22+s26+$0x0] =	vst.idx.msk $0xffff, v30;
	v18 =	vmul.f32 v18, v1  }
0x325: {  	v15 =	vmul.f32 v15, v1;
	s9 =	smov.u32 s8;
	s30 =	sadd.s32 $0x180, s15;
	v30 =	vadd.s32 s15, v8;
	s8 =	smov.u32 s10;
	v22 =	vld [tilespmem:s4+$0xFFFFFE00];
	[tilespmem:v23+s26+$0x0] =	vst.idx.msk $0xffff, v16  }
0x326: {  	s12 =	smov.u32 s1;
	s17 =	smov.u32 s16;
	v17 =	vmul.f32 v17, v1;
	s1 =	smov.u32 s18;
	[tilespmem:v21+s26+$0x0] =	vst.idx.msk $0xffff, v20;
	v16 =	vld [tilespmem:s0+$0xFFFFFF90];
	v20 =	vadd.s32 s7, v6  }
0x327: {  	s16 =	smov.u32 s30;
	s18 =	smov.u32 s0;
	v21 =	vadd.s32 s1, v8;
	v19 =	vmul.f32 v19, v5;
	v23 =	vld [tilespmem:s0+$0x90];
	[tilespmem:v11+s26+$0x0] =	vst.idx.msk $0xffff, v15;
	v15 =	vmul.f32 v29, v1;
	s0 =	smov.u32 s4  }
0x328: {  	v29 =	vadd.s32 s9, v6;
	v11 =	vmovc v9;
	v9 =	vmov v25;
	v33 =	vld [tilespmem:s18+$0xFFFFFF20];
	v27 =	vmul.f32 v27, v5;
	[tilespmem:v28+s26+$0x0] =	vst.idx.msk $0xffff, v17  }
0x329: {  	v10 =	vmul.f32 v10, v7;
	v25 =	vadd.s32 s17, v6;
	v17 =	vld [tilespmem:s4+$0xFFFFFF00];
	[tilespmem:v32+s26+$0x0] =	vst.idx.msk $0xffff, v15  }
0x32a: {  	v28 =	vadd.s32 s2, v4;
	v15 =	vld [tilespmem:s4+$0xFFFFFF80];
	[tilespmem:v31+s26+$0x0] =	vst.idx.msk $0xffff, v18  }
0x32b: {  	v14 =	vmul.f32 v14, v5;
	v31 =	vadd.s32 s12, v6;
	v18 =	vld [tilespmem:s4+$0xFFFFFE80];
	[tilespmem:v12+s26+$0x0] =	vst.idx.msk $0xffff, v10  }
0x32c: {  	v32 =	vadd.s32 s3, v6;
	v12 =	vmul.f32 v16, v5;
	v16 =	vld [tilespmem:s18+$0x10];
	[tilespmem:v20+s26+$0x0] =	vst.idx.msk $0xffff, v19  }
0x32d: {  	v10 =	vld [tilespmem:s4+$0x0];
	[tilespmem:v29+s26+$0x0] =	vst.idx.msk $0xffff, v14;
	v14 =	vmul.f32 v33, v3  }
0x32e: {  	v19 =	vadd.s32 s21, v6;
	v20 =	vmul.f32 v23, v5;
	[tilespmem:v25+s26+$0x0] =	vst.idx.msk $0xffff, v12;
	v23 =	vld [tilespmem:s18+$0x1A0]  }
0x32f: {  	v25 =	vld [tilespmem:s4+$0x100];
	[tilespmem:v28+s26+$0x0] =	vst.idx.msk $0xffff, v14  }
0x330: {  	v12 =	vadd.s32 s19, v8;
	v14 =	vmul.f32 v17, v7;
	v17 =	vld [tilespmem:s18+$0xFFFFFEA0];
	[tilespmem:v31+s26+$0x0] =	vst.idx.msk $0xffff, v20  }
0x331: {  	v20 =	vmul.f32 v22, v7;
	v16 =	vmul.f32 v16, v5;
	v22 =	vld [tilespmem:s18+$0xA0];
	[tilespmem:v32+s26+$0x0] =	vst.idx.msk $0xffff, v27;
	v27 =	vadd.s32 s7, v4  }
0x332: {  	[tilespmem:v24+s26+$0x0] =	vst.idx.msk $0xffff, v14;
	v14 =	vmul.f32 v26, v7;
	v24 =	vadd.s32 s9, v4;
	v26 =	vld [tilespmem:s18+$0x120]  }
0x333: {  	v28 =	vmul.f32 v15, v7;
	v15 =	vadd.s32 s20, v8;
	v29 =	vld [tilespmem:s18+$0xFFFFFE20];
	[tilespmem:v19+s26+$0x0] =	vst.idx.msk $0xffff, v16  }
0x334: {  	v19 =	vadd.s32 s3, v4;
	v16 =	vld [tilespmem:s4+$0xFFFFFF10];
	[tilespmem:v21+s26+$0x0] =	vst.idx.msk $0xffff, v14;
	v14 =	vmul.f32 v25, v7;
	v21 =	vmul.f32 v23, v3  }
0x335: {  	v18 =	vmul.f32 v18, v7;
	[tilespmem:v30+s26+$0x0] =	vst.idx.msk $0xffff, v20;
	v20 =	vadd.s32 s11, v4;
	v17 =	vmul.f32 v17, v3;
	v23 =	vld [tilespmem:s18+$0x20];
	s11 =	smov.u32 s15  }
0x336: {  	v25 =	vld [tilespmem:s4+$0x180];
	[tilespmem:v27+s26+$0x0] =	vst.idx.msk $0xffff, v21  }
0x337: {  	[tilespmem:v24+s26+$0x0] =	vst.idx.msk $0xffff, v17;
	v17 =	vadd.s32 s21, v4;
	v21 =	vmul.f32 v26, v3;
	v26 =	vld [tilespmem:s18+$0x1B0]  }
0x338: {  	v27 =	vadd.s32 s12, v4;
	[tilespmem:v15+s26+$0x0] =	vst.idx.msk $0xffff, v14;
	v14 =	vmul.f32 v29, v3;
	v24 =	vld [tilespmem:s18+$0xFFFFFF30]  }
0x339: {  	v22 =	vmul.f32 v22, v3;
	v29 =	vadd.s32 s13, v8;
	v30 =	vld [tilespmem:s18+$0xFFFFFFA0];
	[tilespmem:v19+s26+$0x0] =	vst.idx.msk $0xffff, v21  }
0x33a: {  	v19 =	vadd.s32 s16, v8;
	[tilespmem:v20+s26+$0x0] =	vst.idx.msk $0xffff, v14;
	v14 =	vmul.f32 v23, v3;
	v20 =	vld [tilespmem:s18+$0x130]  }
0x33b: {  	v21 =	vadd.s32 s2, v2;
	s2 =	smov.u32 s14;
	[tilespmem:v13+s26+$0x0] =	vst.idx.msk $0xffff, v18;
	v15 =	vld [tilespmem:s18+$0xFFFFFE30]  }
0x33c: {  	v32 =	vadd.s32 s17, v4;
	v16 =	vmul.f32 v16, v5;
	v18 =	vmul.f32 v25, v7;
	v31 =	vld [tilespmem:s4+$0xFFFFFE10];
	[tilespmem:v17+s26+$0x0] =	vst.idx.msk $0xffff, v14  }
.Ltmp8:
0x33d: {  	v25 =	vadd.s32 s7, v2;
	s7 =	smov.u32 s13;
	v33 =	vmul.f32 v24, v1;
	v13 =	vld [tilespmem:s18+$0x30];
	[tilespmem:v27+s26+$0x0] =	vst.idx.msk $0xffff, v22;
	(pc) =	sbr.rel @p0 .LBB2_18-.Ltmp8, $4  }
0x33e: {  	v24 =	vadd.s32 s3, v2;
	v27 =	vmul.f32 v26, v1;
	s3 =	smov.u32 s20;
	[tilespmem:v29+s26+$0x0] =	vst.idx.msk $0xffff, v18;
	v17 =	vld [tilespmem:s18+$0xFFFFFEB0];
	v29 =	vmul.f32 v30, v3  }
0x33f: {  	v22 =	vadd.s32 s21, v2;
	s21 =	smov.u32 s19;
	[tilespmem:v19+s26+$0x0] =	vst.idx.msk $0xffff, v28;
	v18 =	vld [tilespmem:s18+$0xB0];
	v26 =	vmul.f32 v20, v1  }
0x340: {  	v23 =	vadd.s32 s2, v6;
	v14 =	vld [tilespmem:s4+$0xFFFFFE90];
	[tilespmem:v21+s26+$0x0] =	vst.idx.msk $0xffff, v33  }
0x341: {  	v21 =	vadd.s32 s11, v6;
	s4 =	sadd.s32 $0x400, s4;
	v20 =	vmul.f32 v31, v5;
	v19 =	vld [tilespmem:s0+$0x190];
	[tilespmem:v32+s26+$0x0] =	vst.idx.msk $0xffff, v29  }
0x342: {  	_ =	sdelay $0x3  }
0x343: {  	[tilespmem:v25+s26+$0x0] =	vst.idx.msk $0xffff, v27  }
0x344: {  	[tilespmem:v24+s26+$0x0] =	vst.idx.msk $0xffff, v26  }
0x345: {  	v8 =	vmul.f32 v13, v1;
	v53 =	vadd.s32 s9, v2;
	[tilespmem:v23+s26+$0x0] =	vst.idx.msk $0xffff, v16  }
0x346: {  	v7 =	vmul.f32 v10, v7;
	v63 =	vadd.s32 s12, v2;
	[tilespmem:v21+s26+$0x0] =	vst.idx.msk $0xffff, v20  }
0x347: {  	v52 =	vld [tilespmem:s18+$0xFFFFFFB0];
	v56 =	vmul.f32 v15, v1;
	v57 =	vadd.s32 s7, v6;
	[tilespmem:v22+s26+$0x0] =	vst.idx.msk $0xffff, v8  }
0x348: {  	v54 =	vld [tilespmem:s0+$0x110];
	v26 =	vadd.s32 s8, v6;
	v59 =	vmul.f32 v17, v1;
	[tilespmem:v12+s26+$0x0] =	vst.idx.msk $0xffff, v7  }
0x349: {  	v55 =	vadd.s32 s17, v2;
	[tilespmem:v11+s26+$0x0] =	vst.idx.msk $0xffff, v56;
	v30 =	vmul.f32 v18, v1;
	v58 =	vld [tilespmem:s0+$0x10]  }
0x34a: {  	v60 =	vadd.s32 s3, v6;
	v24 =	vld [tilespmem:s0+$0xFFFFFF90];
	v19 =	vmul.f32 v19, v5;
	[tilespmem:v53+s26+$0x0] =	vst.idx.msk $0xffff, v59  }
0x34b: {  	v62 =	vadd.s32 s21, v6;
	v25 =	vld [tilespmem:s0+$0x90];
	v14 =	vmul.f32 v14, v5;
	[tilespmem:v63+s26+$0x0] =	vst.idx.msk $0xffff, v30  }
0x34c: {  	v28 =	vadd.s32 s16, v6;
	v27 =	vld [tilespmem:s0+$0xFFFFFF20];
	v61 =	vmul.f32 v52, v1;
	[tilespmem:v57+s26+$0x0] =	vst.idx.msk $0xffff, v19  }
0x34d: {  	v31 =	vadd.s32 s1, v6;
	v8 =	vmul.f32 v54, v5;
	[tilespmem:v26+s26+$0x0] =	vst.idx.msk $0xffff, v14;
	v32 =	vld [tilespmem:s0+$0x1A0]  }
0x34e: {  	v33 =	vadd.s32 s2, v4;
	v38 =	vld [tilespmem:s0+$0xFFFFFE20];
	[tilespmem:v55+s26+$0x0] =	vst.idx.msk $0xffff, v61;
	v29 =	vmul.f32 v58, v5  }
0x34f: {  	v35 =	vadd.s32 s7, v4;
	v34 =	vmul.f32 v24, v5;
	v40 =	vld [tilespmem:s0+$0xFFFFFEA0];
	[tilespmem:v60+s26+$0x0] =	vst.idx.msk $0xffff, v8  }
0x350: {  	v43 =	vadd.s32 s11, v4;
	v37 =	vmul.f32 v25, v5;
	v17 =	vld [tilespmem:s0+$0x120];
	[tilespmem:v62+s26+$0x0] =	vst.idx.msk $0xffff, v29  }
0x351: {  	v46 =	vadd.s32 s8, v4;
	v7 =	vmul.f32 v27, v3;
	[tilespmem:v28+s26+$0x0] =	vst.idx.msk $0xffff, v34;
	v36 =	vld [tilespmem:s0+$0x20]  }
0x352: {  	v39 =	vadd.s32 s3, v4;
	[tilespmem:v31+s26+$0x0] =	vst.idx.msk $0xffff, v37;
	v44 =	vld [tilespmem:s0+$0xFFFFFFA0];
	v42 =	vmul.f32 v32, v3  }
0x353: {  	v41 =	vadd.s32 s21, v4;
	v10 =	vmul.f32 v38, v3;
	[tilespmem:v33+s26+$0x0] =	vst.idx.msk $0xffff, v7;
	v45 =	vld [tilespmem:s0+$0xA0]  }
0x354: {  	v49 =	vadd.s32 s16, v4;
	v47 =	vld [tilespmem:s0+$0xFFFFFF30];
	v11 =	vmul.f32 v40, v3;
	[tilespmem:v35+s26+$0x0] =	vst.idx.msk $0xffff, v42  }
0x355: {  	v51 =	vadd.s32 s1, v4;
	[tilespmem:v43+s26+$0x0] =	vst.idx.msk $0xffff, v10;
	v17 =	vmul.f32 v17, v3;
	v50 =	vld [tilespmem:s0+$0x1B0]  }
0x356: {  	v52 =	vadd.s32 s2, v2;
	v56 =	vld [tilespmem:s0+$0xFFFFFE30];
	[tilespmem:v46+s26+$0x0] =	vst.idx.msk $0xffff, v11;
	v48 =	vmul.f32 v36, v3  }
0x357: {  	v54 =	vadd.s32 s7, v2;
	v55 =	vmul.f32 v44, v3;
	v11 =	vld [tilespmem:s0+$0xFFFFFEB0];
	[tilespmem:v39+s26+$0x0] =	vst.idx.msk $0xffff, v17  }
0x358: {  	v14 =	vld [tilespmem:s0+$0x130];
	v3 =	vmul.f32 v45, v3;
	[tilespmem:v41+s26+$0x0] =	vst.idx.msk $0xffff, v48  }
0x359: {  	v62 =	vadd.s32 s8, v2;
	v5 =	vmul.f32 v47, v1;
	[tilespmem:v49+s26+$0x0] =	vst.idx.msk $0xffff, v55;
	v53 =	vld [tilespmem:s0+$0x30]  }
0x35a: {  	v57 =	vadd.s32 s3, v2;
	v59 =	vld [tilespmem:s0+$0xFFFFFFB0];
	[tilespmem:v51+s26+$0x0] =	vst.idx.msk $0xffff, v3;
	v3 =	vmul.f32 v50, v1  }
0x35b: {  	v58 =	vadd.s32 s21, v2;
	v7 =	vmul.f32 v56, v1;
	[tilespmem:v52+s26+$0x0] =	vst.idx.msk $0xffff, v5;
	v60 =	vld [tilespmem:s0+$0xB0]  }
0x35c: {  	v63 =	vmul.f32 v11, v1;
	[tilespmem:v54+s26+$0x0] =	vst.idx.msk $0xffff, v3;
	v3 =	vadd.s32 s16, v2  }
0x35d: {  	[tilespmem:v9+s26+$0x0] =	vst.idx.msk $0xffff, v7;
	v61 =	vmul.f32 v14, v1;
	v2 =	vadd.s32 s1, v2  }
0x35e: {  	[tilespmem:v62+s26+$0x0] =	vst.idx.msk $0xffff, v63;
	v6 =	vmul.f32 v53, v1  }
0x35f: {  	v4 =	vmul.f32 v59, v1;
	[tilespmem:v57+s26+$0x0] =	vst.idx.msk $0xffff, v61  }
0x360: {  	v1 =	vmul.f32 v60, v1;
	[tilespmem:v58+s26+$0x0] =	vst.idx.msk $0xffff, v6  }
0x361: {  	[tilespmem:v3+s26+$0x0] =	vst.idx.msk $0xffff, v4  }
0x362: {  	[tilespmem:v2+s26+$0x0] =	vst.idx.msk $0xffff, v1  }
0x363: {  	s22 =	rddreg [dreg:$0xf]  }
0x364: {  	[hbm4b:s22+s5] =	stream.linear.scatter [tilespmem:s26], [sflag:$0x4], $0x4000, $0x38;
	[tilespmem:$0x10100] =	vst v63  }
0x365: {  	_ =	swait.ge [sflag:s28], $0x4000  }
0x366: {  	[sflag:s28] =	ssyncset.done $0x0  }
0x367: {  	[sflag:s28] =	ssyncadd.s32 $0xFFFFC000  }
0x368: {  	_ =	swait.ge [sflag:s29], $0x4000  }
0x369: {  	s30 =	rddreg [dreg:$0x11]  }
0x36a: {  	s31 =	rddreg [dreg:$0x10];
	s1 =	sadd.s32 $0x1, s30  }
0x36b: {  	p0 =	sne.s32 s1, s31  }
.Ltmp9:
0x36c: {  	_ = 	snop;
	(pc) =	sbr.rel @p0 .LBB2_1-.Ltmp9, $3  }
0x36d: {  	_ =	sdelay $0x1  }
0x36e: {  	[sflag:s29] =	ssyncset.done $0x0  }
0x36f: {  	[sflag:s29] =	ssyncadd.s32 $0xFFFFC000  }
0x370: {  	_ =	sfence.sel $0x180000  }
0x371: {  	[bflag:$0x0] =	sbarrier.arrive $0xFFFF  }
0x372: {  	_ =	strace $0x90000047  }
0x373: {  	s0 =	stileid.u32;
	[bflag:$0x2] =	sbarrier.arrive $0xFFFF  }
0x374: {  	p0 =	sne.s32 s0, $0x0;
	s0 =	rddreg [dreg:$0x4]  }
0x375: {  	s0 =	sadd.s32 @!p0 $0x100000, s0  }
0x376: {  	[sflag:s0] =	ssyncadd.tile.s32 @!p0 $0x1;
	_ =	shalt  }
.Lfunc_end2:
_tile_overlayer_lowered:
.L_overlay_start_2:
0x377: {  	(tag) =	ssettag $0x2  }
0x378: {  	s0 =	rddreg [dreg:$0x0];
	s2 =	stileid.u32  }
0x379: {  	s1 =	rddreg [dreg:$0x1];
	p0 =	sne.s32 s2, $0x0  }
0x37a: {  	s3 =	rddreg [dreg:$0x2];
	[bflag:$0x3] =	sbarrier.arrive $0xFFFF;
	s2 =	simm.s32 @!p0 $0x1C06  }
0x37b: {  	[timem:s3], [sflag:s2] =	dma.local @!p0 [hbm:s0], s1  }
0x37c: {  	s0 =	simm.s32 @!p0 $0x6  }
0x37d: {  	_ =	swait.ge @!p0 [sflag:s0], s1  }
0x37e: {  	s1 =	ssub.s32 @!p0 $0x0, s1;
	[sflag:s0] =	ssyncset.done @!p0 $0x0  }
0x37f: {  	[sflag:s0] =	ssyncadd.s32 @!p0 s1  }
0x380: {  	[bflag:$0x3] =	sbarrier.arrive $0xFFFF  }
0x381: {  	_ =	shalt  }

</sc_bundles>
